<compile_context>
chip_gen: v7x
topology: tpu7x:2x2x1
jax: 0.10.2.dev20260603
libtpu: 0.0.44.dev20260713+nightly
codegen_flags: <defaults>
</compile_context>

<pallas_src>
import functools
import jax
import jax.numpy as jnp
from jax import lax
from jax.experimental import pallas as pl
from jax.experimental.pallas import tpu as pltpu
from jax.experimental.pallas import tpu_sc as plsc

_LOSS_WEIGHT = 1.0

_N, _C, _H, _W = 4, 96, 384, 384
_NW = 32
_C_SC = 8
_C_TC = _C - _C_SC
_PPW = (_N * _C_SC) // _NW
_WPN = _NW // _N
_SLAB = 48
_NSLAB = _H // _SLAB
_NCH = _PPW * _NSLAB
_PB = 8



_S = 16


def _tc_body(p_ref, t_ref, m_ref, out_ref, *, steps_per_n):
    n = pl.program_id(0)
    j = pl.program_id(1)

    @pl.when((n == 0) & (j == 0))
    def _init():
        out_ref[0] = 0.0
        out_ref[1] = 0.0
        out_ref[2] = 0.0

    def strip(s, carry):
        acc_sm, acc_ad = carry
        r0 = s * _S
        m = m_ref[0, pl.ds(r0, _S), :]
        for c in range(_PB):
            p = p_ref[c, pl.ds(r0, _S), :]
            t = t_ref[c, pl.ds(r0, _S), :]
            ad = jnp.abs(p - t)
            adm = ad * m
            cmn = jnp.minimum(adm, m)
            acc_sm = acc_sm + cmn * (adm - 0.5 * cmn)
            acc_ad = acc_ad + adm
        return (acc_sm, acc_ad)

    z = jnp.zeros((_S, _W), jnp.float32)
    acc_sm, acc_ad = lax.fori_loop(0, _H // _S, strip, (z, z))
    out_ref[0] += jnp.sum(acc_sm)
    out_ref[1] += jnp.sum(acc_ad)

    @pl.when(j == 0)
    def _cnt():
        out_ref[2] += jnp.sum(m_ref[0])


def _tc_partials(p3, t3, m3):
    nj = _C_TC // _PB
    return pl.pallas_call(
        functools.partial(_tc_body, steps_per_n=nj),
        grid=(_N, nj),
        in_specs=[
            pl.BlockSpec((_PB, _H, _W), lambda n, j: (n * (_C // _PB) + j, 0, 0)),
            pl.BlockSpec((_PB, _H, _W), lambda n, j: (n * (_C // _PB) + j, 0, 0)),
            pl.BlockSpec((1, _H, _W), lambda n, j: (n, 0, 0)),
        ],
        out_specs=pl.BlockSpec(memory_space=pltpu.SMEM),
        out_shape=jax.ShapeDtypeStruct((3,), jnp.float32),
    )(p3, t3, m3)



def _sc_body(p_hbm, t_hbm, m_hbm, out_hbm,
             pb0, pb1, tb0, tb1, mb, accb,
             ps0, ps1, ts0, ts1):
    wid = lax.axis_index("s") * 2 + lax.axis_index("c")
    n = wid // _WPN
    q0 = n * _C + _C_TC + (wid % _WPN) * _PPW

    pbufs = (pb0, pb1)
    tbufs = (tb0, tb1)
    psems = (ps0, ps1)
    tsems = (ts0, ts1)

    accb[0, :] = jnp.zeros((16,), jnp.float32)
    accb[1, :] = jnp.zeros((16,), jnp.float32)

    def src(k):
        j = k // _PPW
        c = k - j * _PPW
        return (q0 + c, j * _SLAB)

    def issue(k, b):
        pidx, r0 = src(k)
        pltpu.async_copy(p_hbm.at[pidx, pl.ds(r0, _SLAB), :], pbufs[b], psems[b])
        pltpu.async_copy(t_hbm.at[pidx, pl.ds(r0, _SLAB), :], tbufs[b], tsems[b])

    issue(0, 0)
    issue(1, 1)

    def chunk(k, b):
        pidx, r0 = src(k)

        @pl.when(k % _PPW == 0)
        def _mask():
            pltpu.sync_copy(m_hbm.at[n, pl.ds(r0, _SLAB), :], mb)

        pltpu.make_async_copy(p_hbm.at[pidx, pl.ds(r0, _SLAB), :], pbufs[b], psems[b]).wait()
        pltpu.make_async_copy(t_hbm.at[pidx, pl.ds(r0, _SLAB), :], tbufs[b], tsems[b]).wait()

        def row(r, acc):
            acc_sm, acc_ad = acc
            for v in range(_W // 16):
                cs = v * 16
                p = pbufs[b][r, pl.ds(cs, 16)]
                t = tbufs[b][r, pl.ds(cs, 16)]
                m = mb[r, pl.ds(cs, 16)]
                ad = jnp.abs(p - t)
                adm = ad * m
                cmn = jnp.minimum(adm, m)
                acc_sm = acc_sm + cmn * (adm - 0.5 * cmn)
                acc_ad = acc_ad + adm
            return (acc_sm, acc_ad)

        zero = jnp.zeros((16,), jnp.float32)
        acc_sm, acc_ad = lax.fori_loop(0, _SLAB, row, (zero, zero))
        accb[0, :] = accb[0, :] + acc_sm
        accb[1, :] = accb[1, :] + acc_ad

        @pl.when(k + 2 < _NCH)
        def _next():
            issue(k + 2, b)

    def outer(k2, carry):
        chunk(k2 * 2, 0)
        chunk(k2 * 2 + 1, 1)
        return carry

    lax.fori_loop(0, _NCH // 2, outer, 0)

    pltpu.sync_copy(accb, out_hbm.at[wid])


def _sc_partials(p3, t3, m3):
    mesh = plsc.VectorSubcoreMesh(core_axis_name="c", subcore_axis_name="s")
    f = pl.kernel(
        _sc_body,
        mesh=mesh,
        out_type=jax.ShapeDtypeStruct((_NW, 2, 16), jnp.float32),
        scratch_types=[
            pltpu.VMEM((_SLAB, _W), jnp.float32),
            pltpu.VMEM((_SLAB, _W), jnp.float32),
            pltpu.VMEM((_SLAB, _W), jnp.float32),
            pltpu.VMEM((_SLAB, _W), jnp.float32),
            pltpu.VMEM((_SLAB, _W), jnp.float32),
            pltpu.VMEM((2, 16), jnp.float32),
            pltpu.SemaphoreType.DMA,
            pltpu.SemaphoreType.DMA,
            pltpu.SemaphoreType.DMA,
            pltpu.SemaphoreType.DMA,
        ],
    )
    return f(p3, t3, m3)



def kernel(pred, target, front_position):
    N, C, H, W = pred.shape
    p3 = pred.reshape(N * C, H, W)
    t3 = target.reshape(N * C, H, W)
    m3 = front_position.reshape(N, H, W).astype(jnp.float32)

    sc = _sc_partials(p3, t3, m3)
    tc = _tc_partials(p3, t3, m3)

    sm = tc[0] + jnp.sum(sc[:, 0, :])
    ad = tc[1] + jnp.sum(sc[:, 1, :])
    cnt = tc[2] * C
    return (sm / cnt * _LOSS_WEIGHT, ad / cnt)

# --- scband reference (transcript-rebuilt; emitter-appended) ---
"""Pipeline reference for scband-mseregression-loss-31482110280236 (READ-ONLY COPY).

The authoritative reference and input builder live on the scoring server;
editing this copy changes nothing except your own understanding.
"""

import jax, jax.numpy as jnp
import numpy as np

LOSS_WEIGHT = 1.0


def setup_inputs(seed: int = 0) -> dict:
    key = jax.random.key(seed)
    k1, k2, k3 = jax.random.split(key, 3)
    pred = jax.random.normal(k1, (4, 96, 384, 384), dtype=jnp.float32)
    target = jax.random.normal(k2, (4, 96, 384, 384), dtype=jnp.float32)
    front_position = jax.random.randint(k3, (4, 1, 384, 384), 0, 2).astype(bool)
    return {"pred": pred, "target": target, "front_position": front_position}


def reference(pred, target, front_position):
    # torch.masked_select(pred, mask) broadcasts mask (N,1,H,W) over C and
    # returns the selected elements; means over the selection are equivalent
    # to masked sums divided by the broadcast mask count.
    mask = jnp.broadcast_to(front_position, pred.shape)
    cnt = jnp.sum(mask.astype(jnp.float32))
    diff = pred - target
    ad = jnp.abs(diff)
    # F.smooth_l1_loss with default beta=1.0, reduction='mean' over selected elems
    smooth = jnp.where(ad < 1.0, 0.5 * ad * ad, ad - 0.5)
    loss = jnp.sum(jnp.where(mask, smooth, 0.0)) / cnt
    diff_mean = jnp.sum(jnp.where(mask, ad, 0.0)) / cnt
    return (loss * LOSS_WEIGHT, diff_mean)

if __name__ == "__main__":
    import jax
    _d = setup_inputs()
    print(jax.jit(kernel)(*tuple(_d.values())))

</pallas_src>

<mosaic_0001>
#map = affine_map<(d0, d1) -> (0, 0, 0)>
module attributes {stable_mosaic.version = 14 : i64} {
  func.func @_sc_body(%arg0: i32, %arg1: i32, %arg2: memref<384x384x384xf32, #tpu.memory_space<hbm>>, %arg3: memref<384x384x384xf32, #tpu.memory_space<hbm>>, %arg4: memref<4x384x384xf32, #tpu.memory_space<hbm>>, %arg5: memref<32x2x16xf32, #tpu.memory_space<hbm>>, %arg6: memref<48x384xf32, #tpu.memory_space<vmem>>, %arg7: memref<48x384xf32, #tpu.memory_space<vmem>>, %arg8: memref<48x384xf32, #tpu.memory_space<vmem>>, %arg9: memref<48x384xf32, #tpu.memory_space<vmem>>, %arg10: memref<48x384xf32, #tpu.memory_space<vmem>>, %arg11: memref<2x16xf32, #tpu.memory_space<vmem>>, %arg12: memref<!tpu.dma_semaphore, #tpu.memory_space<semaphore_mem>>, %arg13: memref<!tpu.dma_semaphore, #tpu.memory_space<semaphore_mem>>, %arg14: memref<!tpu.dma_semaphore, #tpu.memory_space<semaphore_mem>>, %arg15: memref<!tpu.dma_semaphore, #tpu.memory_space<semaphore_mem>>) attributes {dimension_semantics = [#tpu.dimension_semantics<core_parallel>, #tpu.dimension_semantics<subcore_parallel>], iteration_bounds = array<i64: 2, 16>, scalar_prefetch = 0 : i64, scratch_operands = 10 : i64, tpu.core_type = #tpu.core_type<sc_vector_subcore>, window_params = [{transform_indices = #map}, {transform_indices = #map}, {transform_indices = #map}, {transform_indices = #map}]} {
    %mul3A = arith.constant 2 : i32
    %mul3A_0 = arith.muli %arg1, %mul3A : i32
    %add3A = arith.addi %mul3A_0, %arg0 : i32
    %jit3A = arith.constant 8 : i32
    %div3A = arith.divsi %add3A, %jit3A : i32
    %sign3A = arith.constant 0 : i32
    %sign3A_1 = arith.cmpi sgt, %add3A, %sign3A : i32
    %sign3A_2 = arith.extui %sign3A_1 : i1 to i32
    %sign3A_3 = arith.constant 0 : i32
    %sign3A_4 = arith.cmpi slt, %add3A, %sign3A_3 : i32
    %sign3A_5 = arith.extui %sign3A_4 : i1 to i32
    %sign3A_6 = arith.subi %sign3A_2, %sign3A_5 : i32
    %sign3A_7 = arith.constant 0 : i32
    %sign3A_8 = arith.cmpi sgt, %jit3A, %sign3A_7 : i32
    %sign3A_9 = arith.extui %sign3A_8 : i1 to i32
    %sign3A_10 = arith.constant 0 : i32
    %sign3A_11 = arith.cmpi slt, %jit3A, %sign3A_10 : i32
    %sign3A_12 = arith.extui %sign3A_11 : i1 to i32
    %sign3A_13 = arith.subi %sign3A_9, %sign3A_12 : i32
    %ne3A = arith.cmpi ne, %sign3A_6, %sign3A_13 : i32
    %rem3A = arith.remsi %add3A, %jit3A : i32
    %ne3A_14 = arith.constant 0 : i32
    %ne3A_15 = arith.cmpi ne, %rem3A, %ne3A_14 : i32
    %and3A = arith.andi %ne3A, %ne3A_15 : i1
    %sub3A = arith.constant 1 : i32
    %sub3A_16 = arith.subi %div3A, %sub3A : i32
    %select_n3A = arith.select %and3A, %sub3A_16, %div3A : i32
    %mul3A_17 = arith.constant 96 : i32
    %mul3A_18 = arith.muli %select_n3A, %mul3A_17 : i32
    %add3A_19 = arith.constant 88 : i32
    %add3A_20 = arith.addi %mul3A_18, %add3A_19 : i32
    %jit3A_21 = arith.constant 8 : i32
    %eq3A = arith.constant 0 : i32
    %eq3A_22 = arith.cmpi eq, %jit3A_21, %eq3A : i32
    %jit3A_23 = arith.constant 1 : i32
    %select_n3A_24 = arith.select %eq3A_22, %jit3A_23, %jit3A_21 : i32
    %rem3A_25 = arith.remsi %add3A, %select_n3A_24 : i32
    %ne3A_26 = arith.constant 0 : i32
    %ne3A_27 = arith.cmpi ne, %rem3A_25, %ne3A_26 : i32
    %lt3A = arith.constant 0 : i32
    %lt3A_28 = arith.cmpi slt, %rem3A_25, %lt3A : i32
    %lt3A_29 = arith.constant 0 : i32
    %lt3A_30 = arith.cmpi slt, %select_n3A_24, %lt3A_29 : i32
    %ne3A_31 = arith.xori %lt3A_28, %lt3A_30 : i1
    %and3A_32 = arith.andi %ne3A_31, %ne3A_27 : i1
    %add3A_33 = arith.addi %rem3A_25, %select_n3A_24 : i32
    %select_n3A_34 = arith.select %and3A_32, %add3A_33, %rem3A_25 : i32
    %mul3A_35 = arith.constant 1 : i32
    %mul3A_36 = arith.muli %select_n3A_34, %mul3A_35 : i32
    %add3A_37 = arith.addi %add3A_20, %mul3A_36 : i32
    %broadcast_in_dim3A = arith.constant 0.000000e+00 : f32
    %broadcast_in_dim3A_38 = vector.broadcast %broadcast_in_dim3A : f32 to vector<16xf32>
    %swap3A = arith.constant 0 : i32
    %swap3A_39 = arith.index_cast %swap3A : i32 to index
    %swap3A_40 = arith.constant 0 : index
    %swap3A_41 = tpu.vector_load %arg11[%swap3A_39, %swap3A_40] {strides = array<i32>} : memref<2x16xf32, #tpu.memory_space<vmem>>, vector<1x16xf32>,
    %swap3A_42 = vector.shape_cast %swap3A_41 : vector<1x16xf32> to vector<16xf32>
    %swap3A_43 = vector.shape_cast %broadcast_in_dim3A_38 : vector<16xf32> to vector<1x16xf32>
    tpu.vector_store %arg11[%swap3A_39, %swap3A_40], %swap3A_43 {strides = array<i32>} : memref<2x16xf32, #tpu.memory_space<vmem>>, vector<1x16xf32>,
    %broadcast_in_dim3A_44 = arith.constant 0.000000e+00 : f32
    %broadcast_in_dim3A_45 = vector.broadcast %broadcast_in_dim3A_44 : f32 to vector<16xf32>
    %swap3A_46 = arith.constant 1 : i32
    %swap3A_47 = arith.index_cast %swap3A_46 : i32 to index
    %swap3A_48 = arith.constant 0 : index
    %swap3A_49 = tpu.vector_load %arg11[%swap3A_47, %swap3A_48] {strides = array<i32>} : memref<2x16xf32, #tpu.memory_space<vmem>>, vector<1x16xf32>,
    %swap3A_50 = vector.shape_cast %swap3A_49 : vector<1x16xf32> to vector<16xf32>
    %swap3A_51 = vector.shape_cast %broadcast_in_dim3A_45 : vector<16xf32> to vector<1x16xf32>
    tpu.vector_store %arg11[%swap3A_47, %swap3A_48], %swap3A_51 {strides = array<i32>} : memref<2x16xf32, #tpu.memory_space<vmem>>, vector<1x16xf32>,
    %add3A_52 = arith.constant 0 : i32
    %add3A_53 = arith.addi %add3A_37, %add3A_52 : i32
    %dma_start3A = arith.constant 0 : i32
    %dma_start3A_54 = arith.constant 0 : i32
    %dma_start3A_55 = tpu.memref_slice %arg2[%add3A_53, %dma_start3A, %dma_start3A_54] : memref<384x384x384xf32, #tpu.memory_space<hbm>> -> memref<1x48x384xf32, #tpu.memory_space<hbm>>
    %dma_start3A_56 = tpu.memref_squeeze %dma_start3A_55 : memref<1x48x384xf32, #tpu.memory_space<hbm>> -> memref<48x384xf32, #tpu.memory_space<hbm>>
    %dma_start3A_57 = arith.constant 0 : i32
    %dma_start3A_58 = arith.constant 0 : i32
    %dma_start3A_59 = tpu.memref_slice %arg2[%add3A_53, %dma_start3A_57, %dma_start3A_58] : memref<384x384x384xf32, #tpu.memory_space<hbm>> -> memref<1x48x384xf32, #tpu.memory_space<hbm>>
    %dma_start3A_60 = tpu.memref_squeeze %dma_start3A_59 : memref<1x48x384xf32, #tpu.memory_space<hbm>> -> memref<48x384xf32, #tpu.memory_space<hbm>>
    tpu.enqueue_dma source(%dma_start3A_60 : memref<48x384xf32, #tpu.memory_space<hbm>>) target(%arg6 : memref<48x384xf32, #tpu.memory_space<vmem>>) target_semaphore(%arg12 : memref<!tpu.dma_semaphore, #tpu.memory_space<semaphore_mem>>)
    %dma_start3A_61 = arith.constant 0 : i32
    %dma_start3A_62 = arith.constant 0 : i32
    %dma_start3A_63 = tpu.memref_slice %arg3[%add3A_53, %dma_start3A_61, %dma_start3A_62] : memref<384x384x384xf32, #tpu.memory_space<hbm>> -> memref<1x48x384xf32, #tpu.memory_space<hbm>>
    %dma_start3A_64 = tpu.memref_squeeze %dma_start3A_63 : memref<1x48x384xf32, #tpu.memory_space<hbm>> -> memref<48x384xf32, #tpu.memory_space<hbm>>
    %dma_start3A_65 = arith.constant 0 : i32
    %dma_start3A_66 = arith.constant 0 : i32
    %dma_start3A_67 = tpu.memref_slice %arg3[%add3A_53, %dma_start3A_65, %dma_start3A_66] : memref<384x384x384xf32, #tpu.memory_space<hbm>> -> memref<1x48x384xf32, #tpu.memory_space<hbm>>
    %dma_start3A_68 = tpu.memref_squeeze %dma_start3A_67 : memref<1x48x384xf32, #tpu.memory_space<hbm>> -> memref<48x384xf32, #tpu.memory_space<hbm>>
    tpu.enqueue_dma source(%dma_start3A_68 : memref<48x384xf32, #tpu.memory_space<hbm>>) target(%arg8 : memref<48x384xf32, #tpu.memory_space<vmem>>) target_semaphore(%arg14 : memref<!tpu.dma_semaphore, #tpu.memory_space<semaphore_mem>>)
    %add3A_69 = arith.constant 0 : i32
    %add3A_70 = arith.addi %add3A_37, %add3A_69 : i32
    %dma_start3A_71 = arith.constant 48 : i32
    %dma_start3A_72 = arith.constant 0 : i32
    %dma_start3A_73 = tpu.memref_slice %arg2[%add3A_70, %dma_start3A_71, %dma_start3A_72] : memref<384x384x384xf32, #tpu.memory_space<hbm>> -> memref<1x48x384xf32, #tpu.memory_space<hbm>>
    %dma_start3A_74 = tpu.memref_squeeze %dma_start3A_73 : memref<1x48x384xf32, #tpu.memory_space<hbm>> -> memref<48x384xf32, #tpu.memory_space<hbm>>
    %dma_start3A_75 = arith.constant 48 : i32
    %dma_start3A_76 = arith.constant 0 : i32
    %dma_start3A_77 = tpu.memref_slice %arg2[%add3A_70, %dma_start3A_75, %dma_start3A_76] : memref<384x384x384xf32, #tpu.memory_space<hbm>> -> memref<1x48x384xf32, #tpu.memory_space<hbm>>
    %dma_start3A_78 = tpu.memref_squeeze %dma_start3A_77 : memref<1x48x384xf32, #tpu.memory_space<hbm>> -> memref<48x384xf32, #tpu.memory_space<hbm>>
    tpu.enqueue_dma source(%dma_start3A_78 : memref<48x384xf32, #tpu.memory_space<hbm>>) target(%arg7 : memref<48x384xf32, #tpu.memory_space<vmem>>) target_semaphore(%arg13 : memref<!tpu.dma_semaphore, #tpu.memory_space<semaphore_mem>>)
    %dma_start3A_79 = arith.constant 48 : i32
    %dma_start3A_80 = arith.constant 0 : i32
    %dma_start3A_81 = tpu.memref_slice %arg3[%add3A_70, %dma_start3A_79, %dma_start3A_80] : memref<384x384x384xf32, #tpu.memory_space<hbm>> -> memref<1x48x384xf32, #tpu.memory_space<hbm>>
    %dma_start3A_82 = tpu.memref_squeeze %dma_start3A_81 : memref<1x48x384xf32, #tpu.memory_space<hbm>> -> memref<48x384xf32, #tpu.memory_space<hbm>>
    %dma_start3A_83 = arith.constant 48 : i32
    %dma_start3A_84 = arith.constant 0 : i32
    %dma_start3A_85 = tpu.memref_slice %arg3[%add3A_70, %dma_start3A_83, %dma_start3A_84] : memref<384x384x384xf32, #tpu.memory_space<hbm>> -> memref<1x48x384xf32, #tpu.memory_space<hbm>>
    %dma_start3A_86 = tpu.memref_squeeze %dma_start3A_85 : memref<1x48x384xf32, #tpu.memory_space<hbm>> -> memref<48x384xf32, #tpu.memory_space<hbm>>
    tpu.enqueue_dma source(%dma_start3A_86 : memref<48x384xf32, #tpu.memory_space<hbm>>) target(%arg9 : memref<48x384xf32, #tpu.memory_space<vmem>>) target_semaphore(%arg15 : memref<!tpu.dma_semaphore, #tpu.memory_space<semaphore_mem>>)
    %scan3A = arith.constant 0 : i32
    %scan3A_87 = arith.constant 0 : i32
    %scan3A_88 = arith.constant 4 : i32
    %scan3A_89 = arith.addi %scan3A_87, %scan3A_88 : i32
    %scan3A_90 = arith.constant 1 : i32
    scf.for %scan3A_92 = %scan3A_87 to %scan3A_89 step %scan3A_90  : i32 {
      %mul3A_93 = arith.constant 2 : i32
      %mul3A_94 = arith.muli %scan3A_92, %mul3A_93 : i32
      %jit3A_95 = arith.constant 1 : i32
      %div3A_96 = arith.divsi %mul3A_94, %jit3A_95 : i32
      %sign3A_97 = arith.constant 0 : i32
      %sign3A_98 = arith.cmpi sgt, %mul3A_94, %sign3A_97 : i32
      %sign3A_99 = arith.extui %sign3A_98 : i1 to i32
      %sign3A_100 = arith.constant 0 : i32
      %sign3A_101 = arith.cmpi slt, %mul3A_94, %sign3A_100 : i32
      %sign3A_102 = arith.extui %sign3A_101 : i1 to i32
      %sign3A_103 = arith.subi %sign3A_99, %sign3A_102 : i32
      %sign3A_104 = arith.constant 0 : i32
      %sign3A_105 = arith.cmpi sgt, %jit3A_95, %sign3A_104 : i32
      %sign3A_106 = arith.extui %sign3A_105 : i1 to i32
      %sign3A_107 = arith.constant 0 : i32
      %sign3A_108 = arith.cmpi slt, %jit3A_95, %sign3A_107 : i32
      %sign3A_109 = arith.extui %sign3A_108 : i1 to i32
      %sign3A_110 = arith.subi %sign3A_106, %sign3A_109 : i32
      %ne3A_111 = arith.cmpi ne, %sign3A_103, %sign3A_110 : i32
      %rem3A_112 = arith.remsi %mul3A_94, %jit3A_95 : i32
      %ne3A_113 = arith.constant 0 : i32
      %ne3A_114 = arith.cmpi ne, %rem3A_112, %ne3A_113 : i32
      %and3A_115 = arith.andi %ne3A_111, %ne3A_114 : i1
      %sub3A_116 = arith.constant 1 : i32
      %sub3A_117 = arith.subi %div3A_96, %sub3A_116 : i32
      %select_n3A_118 = arith.select %and3A_115, %sub3A_117, %div3A_96 : i32
      %mul3A_119 = arith.constant 1 : i32
      %mul3A_120 = arith.muli %select_n3A_118, %mul3A_119 : i32
      %sub3A_121 = arith.subi %mul3A_94, %mul3A_120 : i32
      %add3A_122 = arith.addi %add3A_37, %sub3A_121 : i32
      %mul3A_123 = arith.constant 48 : i32
      %mul3A_124 = arith.muli %select_n3A_118, %mul3A_123 : i32
      %jit3A_125 = arith.constant 1 : i32
      %eq3A_126 = arith.constant 0 : i32
      %eq3A_127 = arith.cmpi eq, %jit3A_125, %eq3A_126 : i32
      %jit3A_128 = arith.constant 1 : i32
      %select_n3A_129 = arith.select %eq3A_127, %jit3A_128, %jit3A_125 : i32
      %rem3A_130 = arith.remsi %mul3A_94, %select_n3A_129 : i32
      %ne3A_131 = arith.constant 0 : i32
      %ne3A_132 = arith.cmpi ne, %rem3A_130, %ne3A_131 : i32
      %lt3A_133 = arith.constant 0 : i32
      %lt3A_134 = arith.cmpi slt, %rem3A_130, %lt3A_133 : i32
      %lt3A_135 = arith.constant 0 : i32
      %lt3A_136 = arith.cmpi slt, %select_n3A_129, %lt3A_135 : i32
      %ne3A_137 = arith.xori %lt3A_134, %lt3A_136 : i1
      %and3A_138 = arith.andi %ne3A_137, %ne3A_132 : i1
      %add3A_139 = arith.addi %rem3A_130, %select_n3A_129 : i32
      %select_n3A_140 = arith.select %and3A_138, %add3A_139, %rem3A_130 : i32
      %eq3A_141 = arith.constant 0 : i32
      %eq3A_142 = arith.cmpi eq, %select_n3A_140, %eq3A_141 : i32
      %convert_element_type3A = arith.extui %eq3A_142 : i1 to i32
      %cond3A = arith.constant 0 : i32
      %cond3A_143 = arith.cmpi ne, %convert_element_type3A, %cond3A : i32
      scf.if %cond3A_143 {
        "tpu.region"() ({
          %run_scoped3A = tpu.sem_alloc : memref<!tpu.dma_semaphore, #tpu.memory_space<semaphore_mem>>
          %dma_start3A_299 = arith.constant 0 : i32
          %dma_start3A_300 = tpu.memref_slice %arg4[%select_n3A, %mul3A_124, %dma_start3A_299] : memref<4x384x384xf32, #tpu.memory_space<hbm>> -> memref<1x48x384xf32, #tpu.memory_space<hbm>>
          %dma_start3A_301 = tpu.memref_squeeze %dma_start3A_300 : memref<1x48x384xf32, #tpu.memory_space<hbm>> -> memref<48x384xf32, #tpu.memory_space<hbm>>
          %dma_start3A_302 = arith.constant 0 : i32
          %dma_start3A_303 = tpu.memref_slice %arg4[%select_n3A, %mul3A_124, %dma_start3A_302] : memref<4x384x384xf32, #tpu.memory_space<hbm>> -> memref<1x48x384xf32, #tpu.memory_space<hbm>>
          %dma_start3A_304 = tpu.memref_squeeze %dma_start3A_303 : memref<1x48x384xf32, #tpu.memory_space<hbm>> -> memref<48x384xf32, #tpu.memory_space<hbm>>
          tpu.enqueue_dma source(%dma_start3A_304 : memref<48x384xf32, #tpu.memory_space<hbm>>) target(%arg10 : memref<48x384xf32, #tpu.memory_space<vmem>>) target_semaphore(%run_scoped3A : memref<!tpu.dma_semaphore, #tpu.memory_space<semaphore_mem>>)
          %dma_wait3A_305 = arith.constant 0 : i32
          %dma_wait3A_306 = tpu.memref_slice %arg4[%select_n3A, %mul3A_124, %dma_wait3A_305] : memref<4x384x384xf32, #tpu.memory_space<hbm>> -> memref<1x48x384xf32, #tpu.memory_space<hbm>>
          %dma_wait3A_307 = tpu.memref_squeeze %dma_wait3A_306 : memref<1x48x384xf32, #tpu.memory_space<hbm>> -> memref<48x384xf32, #tpu.memory_space<hbm>>
          %dma_wait3A_308 = arith.constant 0 : i32
          %dma_wait3A_309 = tpu.memref_slice %arg4[%select_n3A, %mul3A_124, %dma_wait3A_308] : memref<4x384x384xf32, #tpu.memory_space<hbm>> -> memref<1x48x384xf32, #tpu.memory_space<hbm>>
          %dma_wait3A_310 = tpu.memref_squeeze %dma_wait3A_309 : memref<1x48x384xf32, #tpu.memory_space<hbm>> -> memref<48x384xf32, #tpu.memory_space<hbm>>
          tpu.wait_dma2 semaphore(%run_scoped3A : memref<!tpu.dma_semaphore, #tpu.memory_space<semaphore_mem>>) src(%dma_wait3A_310 : memref<48x384xf32, #tpu.memory_space<hbm>>) dst(%arg10 : memref<48x384xf32, #tpu.memory_space<vmem>>)
          tpu.yield
        }) : () -> ()
      } else {
      }
      %dma_wait3A = arith.constant 0 : i32
      %dma_wait3A_144 = tpu.memref_slice %arg2[%add3A_122, %mul3A_124, %dma_wait3A] : memref<384x384x384xf32, #tpu.memory_space<hbm>> -> memref<1x48x384xf32, #tpu.memory_space<hbm>>
      %dma_wait3A_145 = tpu.memref_squeeze %dma_wait3A_144 : memref<1x48x384xf32, #tpu.memory_space<hbm>> -> memref<48x384xf32, #tpu.memory_space<hbm>>
      %dma_wait3A_146 = arith.constant 0 : i32
      %dma_wait3A_147 = tpu.memref_slice %arg2[%add3A_122, %mul3A_124, %dma_wait3A_146] : memref<384x384x384xf32, #tpu.memory_space<hbm>> -> memref<1x48x384xf32, #tpu.memory_space<hbm>>
      %dma_wait3A_148 = tpu.memref_squeeze %dma_wait3A_147 : memref<1x48x384xf32, #tpu.memory_space<hbm>> -> memref<48x384xf32, #tpu.memory_space<hbm>>
      tpu.wait_dma2 semaphore(%arg12 : memref<!tpu.dma_semaphore, #tpu.memory_space<semaphore_mem>>) src(%dma_wait3A_148 : memref<48x384xf32, #tpu.memory_space<hbm>>) dst(%arg6 : memref<48x384xf32, #tpu.memory_space<vmem>>)
      %dma_wait3A_149 = arith.constant 0 : i32
      %dma_wait3A_150 = tpu.memref_slice %arg3[%add3A_122, %mul3A_124, %dma_wait3A_149] : memref<384x384x384xf32, #tpu.memory_space<hbm>> -> memref<1x48x384xf32, #tpu.memory_space<hbm>>
      %dma_wait3A_151 = tpu.memref_squeeze %dma_wait3A_150 : memref<1x48x384xf32, #tpu.memory_space<hbm>> -> memref<48x384xf32, #tpu.memory_space<hbm>>
      %dma_wait3A_152 = arith.constant 0 : i32
      %dma_wait3A_153 = tpu.memref_slice %arg3[%add3A_122, %mul3A_124, %dma_wait3A_152] : memref<384x384x384xf32, #tpu.memory_space<hbm>> -> memref<1x48x384xf32, #tpu.memory_space<hbm>>
      %dma_wait3A_154 = tpu.memref_squeeze %dma_wait3A_153 : memref<1x48x384xf32, #tpu.memory_space<hbm>> -> memref<48x384xf32, #tpu.memory_space<hbm>>
      tpu.wait_dma2 semaphore(%arg14 : memref<!tpu.dma_semaphore, #tpu.memory_space<semaphore_mem>>) src(%dma_wait3A_154 : memref<48x384xf32, #tpu.memory_space<hbm>>) dst(%arg8 : memref<48x384xf32, #tpu.memory_space<vmem>>)
      %broadcast_in_dim3A_155 = arith.constant 0.000000e+00 : f32
      %broadcast_in_dim3A_156 = vector.broadcast %broadcast_in_dim3A_155 : f32 to vector<16xf32>
      %scan3A_157 = arith.constant 0 : i32
      %scan3A_158 = arith.constant 48 : i32
      %scan3A_159 = arith.addi %scan3A_157, %scan3A_158 : i32
      %scan3A_160 = arith.constant 1 : i32
      %scan3A_161:2 = scf.for %scan3A_299 = %scan3A_157 to %scan3A_159 step %scan3A_160 iter_args(%scan3A_300 = %broadcast_in_dim3A_156, %scan3A_301 = %broadcast_in_dim3A_156) -> (vector<16xf32>, vector<16xf32>)  : i32 {
        %get3A_302 = arith.index_cast %scan3A_299 : i32 to index
        %get3A_303 = arith.constant 0 : index
        %get3A_304 = tpu.vector_load %arg6[%get3A_302, %get3A_303] {strides = array<i32>} : memref<48x384xf32, #tpu.memory_space<vmem>>, vector<1x16xf32>,
        %get3A_305 = vector.shape_cast %get3A_304 : vector<1x16xf32> to vector<16xf32>
        %get3A_306 = arith.index_cast %scan3A_299 : i32 to index
        %get3A_307 = arith.constant 0 : index
        %get3A_308 = tpu.vector_load %arg8[%get3A_306, %get3A_307] {strides = array<i32>} : memref<48x384xf32, #tpu.memory_space<vmem>>, vector<1x16xf32>,
        %get3A_309 = vector.shape_cast %get3A_308 : vector<1x16xf32> to vector<16xf32>
        %get3A_310 = arith.index_cast %scan3A_299 : i32 to index
        %get3A_311 = arith.constant 0 : index
        %get3A_312 = tpu.vector_load %arg10[%get3A_310, %get3A_311] {strides = array<i32>} : memref<48x384xf32, #tpu.memory_space<vmem>>, vector<1x16xf32>,
        %get3A_313 = vector.shape_cast %get3A_312 : vector<1x16xf32> to vector<16xf32>
        %sub3A_314 = arith.subf %get3A_305, %get3A_309 : vector<16xf32>
        %abs3A = math.absf %sub3A_314 : vector<16xf32>
        %mul3A_315 = arith.mulf %abs3A, %get3A_313 : vector<16xf32>
        %min3A = arith.minimumf %mul3A_315, %get3A_313 : vector<16xf32>
        %mul3A_316 = arith.constant 5.000000e-01 : f32
        %mul3A_317 = vector.broadcast %mul3A_316 : f32 to vector<16xf32>
        %mul3A_318 = arith.mulf %mul3A_317, %min3A : vector<16xf32>
        %sub3A_319 = arith.subf %mul3A_315, %mul3A_318 : vector<16xf32>
        %mul3A_320 = arith.mulf %min3A, %sub3A_319 : vector<16xf32>
        %add3A_321 = arith.addf %scan3A_300, %mul3A_320 : vector<16xf32>
        %add3A_322 = arith.addf %scan3A_301, %mul3A_315 : vector<16xf32>
        %get3A_323 = arith.index_cast %scan3A_299 : i32 to index
        %get3A_324 = arith.constant 16 : index
        %get3A_325 = tpu.vector_load %arg6[%get3A_323, %get3A_324] {strides = array<i32>} : memref<48x384xf32, #tpu.memory_space<vmem>>, vector<1x16xf32>,
        %get3A_326 = vector.shape_cast %get3A_325 : vector<1x16xf32> to vector<16xf32>
        %get3A_327 = arith.index_cast %scan3A_299 : i32 to index
        %get3A_328 = arith.constant 16 : index
        %get3A_329 = tpu.vector_load %arg8[%get3A_327, %get3A_328] {strides = array<i32>} : memref<48x384xf32, #tpu.memory_space<vmem>>, vector<1x16xf32>,
        %get3A_330 = vector.shape_cast %get3A_329 : vector<1x16xf32> to vector<16xf32>
        %get3A_331 = arith.index_cast %scan3A_299 : i32 to index
        %get3A_332 = arith.constant 16 : index
        %get3A_333 = tpu.vector_load %arg10[%get3A_331, %get3A_332] {strides = array<i32>} : memref<48x384xf32, #tpu.memory_space<vmem>>, vector<1x16xf32>,
        %get3A_334 = vector.shape_cast %get3A_333 : vector<1x16xf32> to vector<16xf32>
        %sub3A_335 = arith.subf %get3A_326, %get3A_330 : vector<16xf32>
        %abs3A_336 = math.absf %sub3A_335 : vector<16xf32>
        %mul3A_337 = arith.mulf %abs3A_336, %get3A_334 : vector<16xf32>
        %min3A_338 = arith.minimumf %mul3A_337, %get3A_334 : vector<16xf32>
        %mul3A_339 = arith.constant 5.000000e-01 : f32
        %mul3A_340 = vector.broadcast %mul3A_339 : f32 to vector<16xf32>
        %mul3A_341 = arith.mulf %mul3A_340, %min3A_338 : vector<16xf32>
        %sub3A_342 = arith.subf %mul3A_337, %mul3A_341 : vector<16xf32>
        %mul3A_343 = arith.mulf %min3A_338, %sub3A_342 : vector<16xf32>
        %add3A_344 = arith.addf %add3A_321, %mul3A_343 : vector<16xf32>
        %add3A_345 = arith.addf %add3A_322, %mul3A_337 : vector<16xf32>
        %get3A_346 = arith.index_cast %scan3A_299 : i32 to index
        %get3A_347 = arith.constant 32 : index
        %get3A_348 = tpu.vector_load %arg6[%get3A_346, %get3A_347] {strides = array<i32>} : memref<48x384xf32, #tpu.memory_space<vmem>>, vector<1x16xf32>,
        %get3A_349 = vector.shape_cast %get3A_348 : vector<1x16xf32> to vector<16xf32>
        %get3A_350 = arith.index_cast %scan3A_299 : i32 to index
        %get3A_351 = arith.constant 32 : index
        %get3A_352 = tpu.vector_load %arg8[%get3A_350, %get3A_351] {strides = array<i32>} : memref<48x384xf32, #tpu.memory_space<vmem>>, vector<1x16xf32>,
        %get3A_353 = vector.shape_cast %get3A_352 : vector<1x16xf32> to vector<16xf32>
        %get3A_354 = arith.index_cast %scan3A_299 : i32 to index
        %get3A_355 = arith.constant 32 : index
        %get3A_356 = tpu.vector_load %arg10[%get3A_354, %get3A_355] {strides = array<i32>} : memref<48x384xf32, #tpu.memory_space<vmem>>, vector<1x16xf32>,
        %get3A_357 = vector.shape_cast %get3A_356 : vector<1x16xf32> to vector<16xf32>
        %sub3A_358 = arith.subf %get3A_349, %get3A_353 : vector<16xf32>
        %abs3A_359 = math.absf %sub3A_358 : vector<16xf32>
        %mul3A_360 = arith.mulf %abs3A_359, %get3A_357 : vector<16xf32>
        %min3A_361 = arith.minimumf %mul3A_360, %get3A_357 : vector<16xf32>
        %mul3A_362 = arith.constant 5.000000e-01 : f32
        %mul3A_363 = vector.broadcast %mul3A_362 : f32 to vector<16xf32>
        %mul3A_364 = arith.mulf %mul3A_363, %min3A_361 : vector<16xf32>
        %sub3A_365 = arith.subf %mul3A_360, %mul3A_364 : vector<16xf32>
        %mul3A_366 = arith.mulf %min3A_361, %sub3A_365 : vector<16xf32>
        %add3A_367 = arith.addf %add3A_344, %mul3A_366 : vector<16xf32>
        %add3A_368 = arith.addf %add3A_345, %mul3A_360 : vector<16xf32>
        %get3A_369 = arith.index_cast %scan3A_299 : i32 to index
        %get3A_370 = arith.constant 48 : index
        %get3A_371 = tpu.vector_load %arg6[%get3A_369, %get3A_370] {strides = array<i32>} : memref<48x384xf32, #tpu.memory_space<vmem>>, vector<1x16xf32>,
        %get3A_372 = vector.shape_cast %get3A_371 : vector<1x16xf32> to vector<16xf32>
        %get3A_373 = arith.index_cast %scan3A_299 : i32 to index
        %get3A_374 = arith.constant 48 : index
        %get3A_375 = tpu.vector_load %arg8[%get3A_373, %get3A_374] {strides = array<i32>} : memref<48x384xf32, #tpu.memory_space<vmem>>, vector<1x16xf32>,
        %get3A_376 = vector.shape_cast %get3A_375 : vector<1x16xf32> to vector<16xf32>
        %get3A_377 = arith.index_cast %scan3A_299 : i32 to index
        %get3A_378 = arith.constant 48 : index
        %get3A_379 = tpu.vector_load %arg10[%get3A_377, %get3A_378] {strides = array<i32>} : memref<48x384xf32, #tpu.memory_space<vmem>>, vector<1x16xf32>,
        %get3A_380 = vector.shape_cast %get3A_379 : vector<1x16xf32> to vector<16xf32>
        %sub3A_381 = arith.subf %get3A_372, %get3A_376 : vector<16xf32>
        %abs3A_382 = math.absf %sub3A_381 : vector<16xf32>
        %mul3A_383 = arith.mulf %abs3A_382, %get3A_380 : vector<16xf32>
        %min3A_384 = arith.minimumf %mul3A_383, %get3A_380 : vector<16xf32>
        %mul3A_385 = arith.constant 5.000000e-01 : f32
        %mul3A_386 = vector.broadcast %mul3A_385 : f32 to vector<16xf32>
        %mul3A_387 = arith.mulf %mul3A_386, %min3A_384 : vector<16xf32>
        %sub3A_388 = arith.subf %mul3A_383, %mul3A_387 : vector<16xf32>
        %mul3A_389 = arith.mulf %min3A_384, %sub3A_388 : vector<16xf32>
        %add3A_390 = arith.addf %add3A_367, %mul3A_389 : vector<16xf32>
        %add3A_391 = arith.addf %add3A_368, %mul3A_383 : vector<16xf32>
        %get3A_392 = arith.index_cast %scan3A_299 : i32 to index
        %get3A_393 = arith.constant 64 : index
        %get3A_394 = tpu.vector_load %arg6[%get3A_392, %get3A_393] {strides = array<i32>} : memref<48x384xf32, #tpu.memory_space<vmem>>, vector<1x16xf32>,
        %get3A_395 = vector.shape_cast %get3A_394 : vector<1x16xf32> to vector<16xf32>
        %get3A_396 = arith.index_cast %scan3A_299 : i32 to index
        %get3A_397 = arith.constant 64 : index
        %get3A_398 = tpu.vector_load %arg8[%get3A_396, %get3A_397] {strides = array<i32>} : memref<48x384xf32, #tpu.memory_space<vmem>>, vector<1x16xf32>,
        %get3A_399 = vector.shape_cast %get3A_398 : vector<1x16xf32> to vector<16xf32>
        %get3A_400 = arith.index_cast %scan3A_299 : i32 to index
        %get3A_401 = arith.constant 64 : index
        %get3A_402 = tpu.vector_load %arg10[%get3A_400, %get3A_401] {strides = array<i32>} : memref<48x384xf32, #tpu.memory_space<vmem>>, vector<1x16xf32>,
        %get3A_403 = vector.shape_cast %get3A_402 : vector<1x16xf32> to vector<16xf32>
        %sub3A_404 = arith.subf %get3A_395, %get3A_399 : vector<16xf32>
        %abs3A_405 = math.absf %sub3A_404 : vector<16xf32>
        %mul3A_406 = arith.mulf %abs3A_405, %get3A_403 : vector<16xf32>
        %min3A_407 = arith.minimumf %mul3A_406, %get3A_403 : vector<16xf32>
        %mul3A_408 = arith.constant 5.000000e-01 : f32
        %mul3A_409 = vector.broadcast %mul3A_408 : f32 to vector<16xf32>
        %mul3A_410 = arith.mulf %mul3A_409, %min3A_407 : vector<16xf32>
        %sub3A_411 = arith.subf %mul3A_406, %mul3A_410 : vector<16xf32>
        %mul3A_412 = arith.mulf %min3A_407, %sub3A_411 : vector<16xf32>
        %add3A_413 = arith.addf %add3A_390, %mul3A_412 : vector<16xf32>
        %add3A_414 = arith.addf %add3A_391, %mul3A_406 : vector<16xf32>
        %get3A_415 = arith.index_cast %scan3A_299 : i32 to index
        %get3A_416 = arith.constant 80 : index
        %get3A_417 = tpu.vector_load %arg6[%get3A_415, %get3A_416] {strides = array<i32>} : memref<48x384xf32, #tpu.memory_space<vmem>>, vector<1x16xf32>,
        %get3A_418 = vector.shape_cast %get3A_417 : vector<1x16xf32> to vector<16xf32>
        %get3A_419 = arith.index_cast %scan3A_299 : i32 to index
        %get3A_420 = arith.constant 80 : index
        %get3A_421 = tpu.vector_load %arg8[%get3A_419, %get3A_420] {strides = array<i32>} : memref<48x384xf32, #tpu.memory_space<vmem>>, vector<1x16xf32>,
        %get3A_422 = vector.shape_cast %get3A_421 : vector<1x16xf32> to vector<16xf32>
        %get3A_423 = arith.index_cast %scan3A_299 : i32 to index
        %get3A_424 = arith.constant 80 : index
        %get3A_425 = tpu.vector_load %arg10[%get3A_423, %get3A_424] {strides = array<i32>} : memref<48x384xf32, #tpu.memory_space<vmem>>, vector<1x16xf32>,
        %get3A_426 = vector.shape_cast %get3A_425 : vector<1x16xf32> to vector<16xf32>
        %sub3A_427 = arith.subf %get3A_418, %get3A_422 : vector<16xf32>
        %abs3A_428 = math.absf %sub3A_427 : vector<16xf32>
        %mul3A_429 = arith.mulf %abs3A_428, %get3A_426 : vector<16xf32>
        %min3A_430 = arith.minimumf %mul3A_429, %get3A_426 : vector<16xf32>
        %mul3A_431 = arith.constant 5.000000e-01 : f32
        %mul3A_432 = vector.broadcast %mul3A_431 : f32 to vector<16xf32>
        %mul3A_433 = arith.mulf %mul3A_432, %min3A_430 : vector<16xf32>
        %sub3A_434 = arith.subf %mul3A_429, %mul3A_433 : vector<16xf32>
        %mul3A_435 = arith.mulf %min3A_430, %sub3A_434 : vector<16xf32>
        %add3A_436 = arith.addf %add3A_413, %mul3A_435 : vector<16xf32>
        %add3A_437 = arith.addf %add3A_414, %mul3A_429 : vector<16xf32>
        %get3A_438 = arith.index_cast %scan3A_299 : i32 to index
        %get3A_439 = arith.constant 96 : index
        %get3A_440 = tpu.vector_load %arg6[%get3A_438, %get3A_439] {strides = array<i32>} : memref<48x384xf32, #tpu.memory_space<vmem>>, vector<1x16xf32>,
        %get3A_441 = vector.shape_cast %get3A_440 : vector<1x16xf32> to vector<16xf32>
        %get3A_442 = arith.index_cast %scan3A_299 : i32 to index
        %get3A_443 = arith.constant 96 : index
        %get3A_444 = tpu.vector_load %arg8[%get3A_442, %get3A_443] {strides = array<i32>} : memref<48x384xf32, #tpu.memory_space<vmem>>, vector<1x16xf32>,
        %get3A_445 = vector.shape_cast %get3A_444 : vector<1x16xf32> to vector<16xf32>
        %get3A_446 = arith.index_cast %scan3A_299 : i32 to index
        %get3A_447 = arith.constant 96 : index
        %get3A_448 = tpu.vector_load %arg10[%get3A_446, %get3A_447] {strides = array<i32>} : memref<48x384xf32, #tpu.memory_space<vmem>>, vector<1x16xf32>,
        %get3A_449 = vector.shape_cast %get3A_448 : vector<1x16xf32> to vector<16xf32>
        %sub3A_450 = arith.subf %get3A_441, %get3A_445 : vector<16xf32>
        %abs3A_451 = math.absf %sub3A_450 : vector<16xf32>
        %mul3A_452 = arith.mulf %abs3A_451, %get3A_449 : vector<16xf32>
        %min3A_453 = arith.minimumf %mul3A_452, %get3A_449 : vector<16xf32>
        %mul3A_454 = arith.constant 5.000000e-01 : f32
        %mul3A_455 = vector.broadcast %mul3A_454 : f32 to vector<16xf32>
        %mul3A_456 = arith.mulf %mul3A_455, %min3A_453 : vector<16xf32>
        %sub3A_457 = arith.subf %mul3A_452, %mul3A_456 : vector<16xf32>
        %mul3A_458 = arith.mulf %min3A_453, %sub3A_457 : vector<16xf32>
        %add3A_459 = arith.addf %add3A_436, %mul3A_458 : vector<16xf32>
        %add3A_460 = arith.addf %add3A_437, %mul3A_452 : vector<16xf32>
        %get3A_461 = arith.index_cast %scan3A_299 : i32 to index
        %get3A_462 = arith.constant 112 : index
        %get3A_463 = tpu.vector_load %arg6[%get3A_461, %get3A_462] {strides = array<i32>} : memref<48x384xf32, #tpu.memory_space<vmem>>, vector<1x16xf32>,
        %get3A_464 = vector.shape_cast %get3A_463 : vector<1x16xf32> to vector<16xf32>
        %get3A_465 = arith.index_cast %scan3A_299 : i32 to index
        %get3A_466 = arith.constant 112 : index
        %get3A_467 = tpu.vector_load %arg8[%get3A_465, %get3A_466] {strides = array<i32>} : memref<48x384xf32, #tpu.memory_space<vmem>>, vector<1x16xf32>,
        %get3A_468 = vector.shape_cast %get3A_467 : vector<1x16xf32> to vector<16xf32>
        %get3A_469 = arith.index_cast %scan3A_299 : i32 to index
        %get3A_470 = arith.constant 112 : index
        %get3A_471 = tpu.vector_load %arg10[%get3A_469, %get3A_470] {strides = array<i32>} : memref<48x384xf32, #tpu.memory_space<vmem>>, vector<1x16xf32>,
        %get3A_472 = vector.shape_cast %get3A_471 : vector<1x16xf32> to vector<16xf32>
        %sub3A_473 = arith.subf %get3A_464, %get3A_468 : vector<16xf32>
        %abs3A_474 = math.absf %sub3A_473 : vector<16xf32>
        %mul3A_475 = arith.mulf %abs3A_474, %get3A_472 : vector<16xf32>
        %min3A_476 = arith.minimumf %mul3A_475, %get3A_472 : vector<16xf32>
        %mul3A_477 = arith.constant 5.000000e-01 : f32
        %mul3A_478 = vector.broadcast %mul3A_477 : f32 to vector<16xf32>
        %mul3A_479 = arith.mulf %mul3A_478, %min3A_476 : vector<16xf32>
        %sub3A_480 = arith.subf %mul3A_475, %mul3A_479 : vector<16xf32>
        %mul3A_481 = arith.mulf %min3A_476, %sub3A_480 : vector<16xf32>
        %add3A_482 = arith.addf %add3A_459, %mul3A_481 : vector<16xf32>
        %add3A_483 = arith.addf %add3A_460, %mul3A_475 : vector<16xf32>
        %get3A_484 = arith.index_cast %scan3A_299 : i32 to index
        %get3A_485 = arith.constant 128 : index
        %get3A_486 = tpu.vector_load %arg6[%get3A_484, %get3A_485] {strides = array<i32>} : memref<48x384xf32, #tpu.memory_space<vmem>>, vector<1x16xf32>,
        %get3A_487 = vector.shape_cast %get3A_486 : vector<1x16xf32> to vector<16xf32>
        %get3A_488 = arith.index_cast %scan3A_299 : i32 to index
        %get3A_489 = arith.constant 128 : index
        %get3A_490 = tpu.vector_load %arg8[%get3A_488, %get3A_489] {strides = array<i32>} : memref<48x384xf32, #tpu.memory_space<vmem>>, vector<1x16xf32>,
        %get3A_491 = vector.shape_cast %get3A_490 : vector<1x16xf32> to vector<16xf32>
        %get3A_492 = arith.index_cast %scan3A_299 : i32 to index
        %get3A_493 = arith.constant 128 : index
        %get3A_494 = tpu.vector_load %arg10[%get3A_492, %get3A_493] {strides = array<i32>} : memref<48x384xf32, #tpu.memory_space<vmem>>, vector<1x16xf32>,
        %get3A_495 = vector.shape_cast %get3A_494 : vector<1x16xf32> to vector<16xf32>
        %sub3A_496 = arith.subf %get3A_487, %get3A_491 : vector<16xf32>
        %abs3A_497 = math.absf %sub3A_496 : vector<16xf32>
        %mul3A_498 = arith.mulf %abs3A_497, %get3A_495 : vector<16xf32>
        %min3A_499 = arith.minimumf %mul3A_498, %get3A_495 : vector<16xf32>
        %mul3A_500 = arith.constant 5.000000e-01 : f32
        %mul3A_501 = vector.broadcast %mul3A_500 : f32 to vector<16xf32>
        %mul3A_502 = arith.mulf %mul3A_501, %min3A_499 : vector<16xf32>
        %sub3A_503 = arith.subf %mul3A_498, %mul3A_502 : vector<16xf32>
        %mul3A_504 = arith.mulf %min3A_499, %sub3A_503 : vector<16xf32>
        %add3A_505 = arith.addf %add3A_482, %mul3A_504 : vector<16xf32>
        %add3A_506 = arith.addf %add3A_483, %mul3A_498 : vector<16xf32>
        %get3A_507 = arith.index_cast %scan3A_299 : i32 to index
        %get3A_508 = arith.constant 144 : index
        %get3A_509 = tpu.vector_load %arg6[%get3A_507, %get3A_508] {strides = array<i32>} : memref<48x384xf32, #tpu.memory_space<vmem>>, vector<1x16xf32>,
        %get3A_510 = vector.shape_cast %get3A_509 : vector<1x16xf32> to vector<16xf32>
        %get3A_511 = arith.index_cast %scan3A_299 : i32 to index
        %get3A_512 = arith.constant 144 : index
        %get3A_513 = tpu.vector_load %arg8[%get3A_511, %get3A_512] {strides = array<i32>} : memref<48x384xf32, #tpu.memory_space<vmem>>, vector<1x16xf32>,
        %get3A_514 = vector.shape_cast %get3A_513 : vector<1x16xf32> to vector<16xf32>
        %get3A_515 = arith.index_cast %scan3A_299 : i32 to index
        %get3A_516 = arith.constant 144 : index
        %get3A_517 = tpu.vector_load %arg10[%get3A_515, %get3A_516] {strides = array<i32>} : memref<48x384xf32, #tpu.memory_space<vmem>>, vector<1x16xf32>,
        %get3A_518 = vector.shape_cast %get3A_517 : vector<1x16xf32> to vector<16xf32>
        %sub3A_519 = arith.subf %get3A_510, %get3A_514 : vector<16xf32>
        %abs3A_520 = math.absf %sub3A_519 : vector<16xf32>
        %mul3A_521 = arith.mulf %abs3A_520, %get3A_518 : vector<16xf32>
        %min3A_522 = arith.minimumf %mul3A_521, %get3A_518 : vector<16xf32>
        %mul3A_523 = arith.constant 5.000000e-01 : f32
        %mul3A_524 = vector.broadcast %mul3A_523 : f32 to vector<16xf32>
        %mul3A_525 = arith.mulf %mul3A_524, %min3A_522 : vector<16xf32>
        %sub3A_526 = arith.subf %mul3A_521, %mul3A_525 : vector<16xf32>
        %mul3A_527 = arith.mulf %min3A_522, %sub3A_526 : vector<16xf32>
        %add3A_528 = arith.addf %add3A_505, %mul3A_527 : vector<16xf32>
        %add3A_529 = arith.addf %add3A_506, %mul3A_521 : vector<16xf32>
        %get3A_530 = arith.index_cast %scan3A_299 : i32 to index
        %get3A_531 = arith.constant 160 : index
        %get3A_532 = tpu.vector_load %arg6[%get3A_530, %get3A_531] {strides = array<i32>} : memref<48x384xf32, #tpu.memory_space<vmem>>, vector<1x16xf32>,
        %get3A_533 = vector.shape_cast %get3A_532 : vector<1x16xf32> to vector<16xf32>
        %get3A_534 = arith.index_cast %scan3A_299 : i32 to index
        %get3A_535 = arith.constant 160 : index
        %get3A_536 = tpu.vector_load %arg8[%get3A_534, %get3A_535] {strides = array<i32>} : memref<48x384xf32, #tpu.memory_space<vmem>>, vector<1x16xf32>,
        %get3A_537 = vector.shape_cast %get3A_536 : vector<1x16xf32> to vector<16xf32>
        %get3A_538 = arith.index_cast %scan3A_299 : i32 to index
        %get3A_539 = arith.constant 160 : index
        %get3A_540 = tpu.vector_load %arg10[%get3A_538, %get3A_539] {strides = array<i32>} : memref<48x384xf32, #tpu.memory_space<vmem>>, vector<1x16xf32>,
        %get3A_541 = vector.shape_cast %get3A_540 : vector<1x16xf32> to vector<16xf32>
        %sub3A_542 = arith.subf %get3A_533, %get3A_537 : vector<16xf32>
        %abs3A_543 = math.absf %sub3A_542 : vector<16xf32>
        %mul3A_544 = arith.mulf %abs3A_543, %get3A_541 : vector<16xf32>
        %min3A_545 = arith.minimumf %mul3A_544, %get3A_541 : vector<16xf32>
        %mul3A_546 = arith.constant 5.000000e-01 : f32
        %mul3A_547 = vector.broadcast %mul3A_546 : f32 to vector<16xf32>
        %mul3A_548 = arith.mulf %mul3A_547, %min3A_545 : vector<16xf32>
        %sub3A_549 = arith.subf %mul3A_544, %mul3A_548 : vector<16xf32>
        %mul3A_550 = arith.mulf %min3A_545, %sub3A_549 : vector<16xf32>
        %add3A_551 = arith.addf %add3A_528, %mul3A_550 : vector<16xf32>
        %add3A_552 = arith.addf %add3A_529, %mul3A_544 : vector<16xf32>
        %get3A_553 = arith.index_cast %scan3A_299 : i32 to index
        %get3A_554 = arith.constant 176 : index
        %get3A_555 = tpu.vector_load %arg6[%get3A_553, %get3A_554] {strides = array<i32>} : memref<48x384xf32, #tpu.memory_space<vmem>>, vector<1x16xf32>,
        %get3A_556 = vector.shape_cast %get3A_555 : vector<1x16xf32> to vector<16xf32>
        %get3A_557 = arith.index_cast %scan3A_299 : i32 to index
        %get3A_558 = arith.constant 176 : index
        %get3A_559 = tpu.vector_load %arg8[%get3A_557, %get3A_558] {strides = array<i32>} : memref<48x384xf32, #tpu.memory_space<vmem>>, vector<1x16xf32>,
        %get3A_560 = vector.shape_cast %get3A_559 : vector<1x16xf32> to vector<16xf32>
        %get3A_561 = arith.index_cast %scan3A_299 : i32 to index
        %get3A_562 = arith.constant 176 : index
        %get3A_563 = tpu.vector_load %arg10[%get3A_561, %get3A_562] {strides = array<i32>} : memref<48x384xf32, #tpu.memory_space<vmem>>, vector<1x16xf32>,
        %get3A_564 = vector.shape_cast %get3A_563 : vector<1x16xf32> to vector<16xf32>
        %sub3A_565 = arith.subf %get3A_556, %get3A_560 : vector<16xf32>
        %abs3A_566 = math.absf %sub3A_565 : vector<16xf32>
        %mul3A_567 = arith.mulf %abs3A_566, %get3A_564 : vector<16xf32>
        %min3A_568 = arith.minimumf %mul3A_567, %get3A_564 : vector<16xf32>
        %mul3A_569 = arith.constant 5.000000e-01 : f32
        %mul3A_570 = vector.broadcast %mul3A_569 : f32 to vector<16xf32>
        %mul3A_571 = arith.mulf %mul3A_570, %min3A_568 : vector<16xf32>
        %sub3A_572 = arith.subf %mul3A_567, %mul3A_571 : vector<16xf32>
        %mul3A_573 = arith.mulf %min3A_568, %sub3A_572 : vector<16xf32>
        %add3A_574 = arith.addf %add3A_551, %mul3A_573 : vector<16xf32>
        %add3A_575 = arith.addf %add3A_552, %mul3A_567 : vector<16xf32>
        %get3A_576 = arith.index_cast %scan3A_299 : i32 to index
        %get3A_577 = arith.constant 192 : index
        %get3A_578 = tpu.vector_load %arg6[%get3A_576, %get3A_577] {strides = array<i32>} : memref<48x384xf32, #tpu.memory_space<vmem>>, vector<1x16xf32>,
        %get3A_579 = vector.shape_cast %get3A_578 : vector<1x16xf32> to vector<16xf32>
        %get3A_580 = arith.index_cast %scan3A_299 : i32 to index
        %get3A_581 = arith.constant 192 : index
        %get3A_582 = tpu.vector_load %arg8[%get3A_580, %get3A_581] {strides = array<i32>} : memref<48x384xf32, #tpu.memory_space<vmem>>, vector<1x16xf32>,
        %get3A_583 = vector.shape_cast %get3A_582 : vector<1x16xf32> to vector<16xf32>
        %get3A_584 = arith.index_cast %scan3A_299 : i32 to index
        %get3A_585 = arith.constant 192 : index
        %get3A_586 = tpu.vector_load %arg10[%get3A_584, %get3A_585] {strides = array<i32>} : memref<48x384xf32, #tpu.memory_space<vmem>>, vector<1x16xf32>,
        %get3A_587 = vector.shape_cast %get3A_586 : vector<1x16xf32> to vector<16xf32>
        %sub3A_588 = arith.subf %get3A_579, %get3A_583 : vector<16xf32>
        %abs3A_589 = math.absf %sub3A_588 : vector<16xf32>
        %mul3A_590 = arith.mulf %abs3A_589, %get3A_587 : vector<16xf32>
        %min3A_591 = arith.minimumf %mul3A_590, %get3A_587 : vector<16xf32>
        %mul3A_592 = arith.constant 5.000000e-01 : f32
        %mul3A_593 = vector.broadcast %mul3A_592 : f32 to vector<16xf32>
        %mul3A_594 = arith.mulf %mul3A_593, %min3A_591 : vector<16xf32>
        %sub3A_595 = arith.subf %mul3A_590, %mul3A_594 : vector<16xf32>
        %mul3A_596 = arith.mulf %min3A_591, %sub3A_595 : vector<16xf32>
        %add3A_597 = arith.addf %add3A_574, %mul3A_596 : vector<16xf32>
        %add3A_598 = arith.addf %add3A_575, %mul3A_590 : vector<16xf32>
        %get3A_599 = arith.index_cast %scan3A_299 : i32 to index
        %get3A_600 = arith.constant 208 : index
        %get3A_601 = tpu.vector_load %arg6[%get3A_599, %get3A_600] {strides = array<i32>} : memref<48x384xf32, #tpu.memory_space<vmem>>, vector<1x16xf32>,
        %get3A_602 = vector.shape_cast %get3A_601 : vector<1x16xf32> to vector<16xf32>
        %get3A_603 = arith.index_cast %scan3A_299 : i32 to index
        %get3A_604 = arith.constant 208 : index
        %get3A_605 = tpu.vector_load %arg8[%get3A_603, %get3A_604] {strides = array<i32>} : memref<48x384xf32, #tpu.memory_space<vmem>>, vector<1x16xf32>,
        %get3A_606 = vector.shape_cast %get3A_605 : vector<1x16xf32> to vector<16xf32>
        %get3A_607 = arith.index_cast %scan3A_299 : i32 to index
        %get3A_608 = arith.constant 208 : index
        %get3A_609 = tpu.vector_load %arg10[%get3A_607, %get3A_608] {strides = array<i32>} : memref<48x384xf32, #tpu.memory_space<vmem>>, vector<1x16xf32>,
        %get3A_610 = vector.shape_cast %get3A_609 : vector<1x16xf32> to vector<16xf32>
        %sub3A_611 = arith.subf %get3A_602, %get3A_606 : vector<16xf32>
        %abs3A_612 = math.absf %sub3A_611 : vector<16xf32>
        %mul3A_613 = arith.mulf %abs3A_612, %get3A_610 : vector<16xf32>
        %min3A_614 = arith.minimumf %mul3A_613, %get3A_610 : vector<16xf32>
        %mul3A_615 = arith.constant 5.000000e-01 : f32
        %mul3A_616 = vector.broadcast %mul3A_615 : f32 to vector<16xf32>
        %mul3A_617 = arith.mulf %mul3A_616, %min3A_614 : vector<16xf32>
        %sub3A_618 = arith.subf %mul3A_613, %mul3A_617 : vector<16xf32>
        %mul3A_619 = arith.mulf %min3A_614, %sub3A_618 : vector<16xf32>
        %add3A_620 = arith.addf %add3A_597, %mul3A_619 : vector<16xf32>
        %add3A_621 = arith.addf %add3A_598, %mul3A_613 : vector<16xf32>
        %get3A_622 = arith.index_cast %scan3A_299 : i32 to index
        %get3A_623 = arith.constant 224 : index
        %get3A_624 = tpu.vector_load %arg6[%get3A_622, %get3A_623] {strides = array<i32>} : memref<48x384xf32, #tpu.memory_space<vmem>>, vector<1x16xf32>,
        %get3A_625 = vector.shape_cast %get3A_624 : vector<1x16xf32> to vector<16xf32>
        %get3A_626 = arith.index_cast %scan3A_299 : i32 to index
        %get3A_627 = arith.constant 224 : index
        %get3A_628 = tpu.vector_load %arg8[%get3A_626, %get3A_627] {strides = array<i32>} : memref<48x384xf32, #tpu.memory_space<vmem>>, vector<1x16xf32>,
        %get3A_629 = vector.shape_cast %get3A_628 : vector<1x16xf32> to vector<16xf32>
        %get3A_630 = arith.index_cast %scan3A_299 : i32 to index
        %get3A_631 = arith.constant 224 : index
        %get3A_632 = tpu.vector_load %arg10[%get3A_630, %get3A_631] {strides = array<i32>} : memref<48x384xf32, #tpu.memory_space<vmem>>, vector<1x16xf32>,
        %get3A_633 = vector.shape_cast %get3A_632 : vector<1x16xf32> to vector<16xf32>
        %sub3A_634 = arith.subf %get3A_625, %get3A_629 : vector<16xf32>
        %abs3A_635 = math.absf %sub3A_634 : vector<16xf32>
        %mul3A_636 = arith.mulf %abs3A_635, %get3A_633 : vector<16xf32>
        %min3A_637 = arith.minimumf %mul3A_636, %get3A_633 : vector<16xf32>
        %mul3A_638 = arith.constant 5.000000e-01 : f32
        %mul3A_639 = vector.broadcast %mul3A_638 : f32 to vector<16xf32>
        %mul3A_640 = arith.mulf %mul3A_639, %min3A_637 : vector<16xf32>
        %sub3A_641 = arith.subf %mul3A_636, %mul3A_640 : vector<16xf32>
        %mul3A_642 = arith.mulf %min3A_637, %sub3A_641 : vector<16xf32>
        %add3A_643 = arith.addf %add3A_620, %mul3A_642 : vector<16xf32>
        %add3A_644 = arith.addf %add3A_621, %mul3A_636 : vector<16xf32>
        %get3A_645 = arith.index_cast %scan3A_299 : i32 to index
        %get3A_646 = arith.constant 240 : index
        %get3A_647 = tpu.vector_load %arg6[%get3A_645, %get3A_646] {strides = array<i32>} : memref<48x384xf32, #tpu.memory_space<vmem>>, vector<1x16xf32>,
        %get3A_648 = vector.shape_cast %get3A_647 : vector<1x16xf32> to vector<16xf32>
        %get3A_649 = arith.index_cast %scan3A_299 : i32 to index
        %get3A_650 = arith.constant 240 : index
        %get3A_651 = tpu.vector_load %arg8[%get3A_649, %get3A_650] {strides = array<i32>} : memref<48x384xf32, #tpu.memory_space<vmem>>, vector<1x16xf32>,
        %get3A_652 = vector.shape_cast %get3A_651 : vector<1x16xf32> to vector<16xf32>
        %get3A_653 = arith.index_cast %scan3A_299 : i32 to index
        %get3A_654 = arith.constant 240 : index
        %get3A_655 = tpu.vector_load %arg10[%get3A_653, %get3A_654] {strides = array<i32>} : memref<48x384xf32, #tpu.memory_space<vmem>>, vector<1x16xf32>,
        %get3A_656 = vector.shape_cast %get3A_655 : vector<1x16xf32> to vector<16xf32>
        %sub3A_657 = arith.subf %get3A_648, %get3A_652 : vector<16xf32>
        %abs3A_658 = math.absf %sub3A_657 : vector<16xf32>
        %mul3A_659 = arith.mulf %abs3A_658, %get3A_656 : vector<16xf32>
        %min3A_660 = arith.minimumf %mul3A_659, %get3A_656 : vector<16xf32>
        %mul3A_661 = arith.constant 5.000000e-01 : f32
        %mul3A_662 = vector.broadcast %mul3A_661 : f32 to vector<16xf32>
        %mul3A_663 = arith.mulf %mul3A_662, %min3A_660 : vector<16xf32>
        %sub3A_664 = arith.subf %mul3A_659, %mul3A_663 : vector<16xf32>
        %mul3A_665 = arith.mulf %min3A_660, %sub3A_664 : vector<16xf32>
        %add3A_666 = arith.addf %add3A_643, %mul3A_665 : vector<16xf32>
        %add3A_667 = arith.addf %add3A_644, %mul3A_659 : vector<16xf32>
        %get3A_668 = arith.index_cast %scan3A_299 : i32 to index
        %get3A_669 = arith.constant 256 : index
        %get3A_670 = tpu.vector_load %arg6[%get3A_668, %get3A_669] {strides = array<i32>} : memref<48x384xf32, #tpu.memory_space<vmem>>, vector<1x16xf32>,
        %get3A_671 = vector.shape_cast %get3A_670 : vector<1x16xf32> to vector<16xf32>
        %get3A_672 = arith.index_cast %scan3A_299 : i32 to index
        %get3A_673 = arith.constant 256 : index
        %get3A_674 = tpu.vector_load %arg8[%get3A_672, %get3A_673] {strides = array<i32>} : memref<48x384xf32, #tpu.memory_space<vmem>>, vector<1x16xf32>,
        %get3A_675 = vector.shape_cast %get3A_674 : vector<1x16xf32> to vector<16xf32>
        %get3A_676 = arith.index_cast %scan3A_299 : i32 to index
        %get3A_677 = arith.constant 256 : index
        %get3A_678 = tpu.vector_load %arg10[%get3A_676, %get3A_677] {strides = array<i32>} : memref<48x384xf32, #tpu.memory_space<vmem>>, vector<1x16xf32>,
        %get3A_679 = vector.shape_cast %get3A_678 : vector<1x16xf32> to vector<16xf32>
        %sub3A_680 = arith.subf %get3A_671, %get3A_675 : vector<16xf32>
        %abs3A_681 = math.absf %sub3A_680 : vector<16xf32>
        %mul3A_682 = arith.mulf %abs3A_681, %get3A_679 : vector<16xf32>
        %min3A_683 = arith.minimumf %mul3A_682, %get3A_679 : vector<16xf32>
        %mul3A_684 = arith.constant 5.000000e-01 : f32
        %mul3A_685 = vector.broadcast %mul3A_684 : f32 to vector<16xf32>
        %mul3A_686 = arith.mulf %mul3A_685, %min3A_683 : vector<16xf32>
        %sub3A_687 = arith.subf %mul3A_682, %mul3A_686 : vector<16xf32>
        %mul3A_688 = arith.mulf %min3A_683, %sub3A_687 : vector<16xf32>
        %add3A_689 = arith.addf %add3A_666, %mul3A_688 : vector<16xf32>
        %add3A_690 = arith.addf %add3A_667, %mul3A_682 : vector<16xf32>
        %get3A_691 = arith.index_cast %scan3A_299 : i32 to index
        %get3A_692 = arith.constant 272 : index
        %get3A_693 = tpu.vector_load %arg6[%get3A_691, %get3A_692] {strides = array<i32>} : memref<48x384xf32, #tpu.memory_space<vmem>>, vector<1x16xf32>,
        %get3A_694 = vector.shape_cast %get3A_693 : vector<1x16xf32> to vector<16xf32>
        %get3A_695 = arith.index_cast %scan3A_299 : i32 to index
        %get3A_696 = arith.constant 272 : index
        %get3A_697 = tpu.vector_load %arg8[%get3A_695, %get3A_696] {strides = array<i32>} : memref<48x384xf32, #tpu.memory_space<vmem>>, vector<1x16xf32>,
        %get3A_698 = vector.shape_cast %get3A_697 : vector<1x16xf32> to vector<16xf32>
        %get3A_699 = arith.index_cast %scan3A_299 : i32 to index
        %get3A_700 = arith.constant 272 : index
        %get3A_701 = tpu.vector_load %arg10[%get3A_699, %get3A_700] {strides = array<i32>} : memref<48x384xf32, #tpu.memory_space<vmem>>, vector<1x16xf32>,
        %get3A_702 = vector.shape_cast %get3A_701 : vector<1x16xf32> to vector<16xf32>
        %sub3A_703 = arith.subf %get3A_694, %get3A_698 : vector<16xf32>
        %abs3A_704 = math.absf %sub3A_703 : vector<16xf32>
        %mul3A_705 = arith.mulf %abs3A_704, %get3A_702 : vector<16xf32>
        %min3A_706 = arith.minimumf %mul3A_705, %get3A_702 : vector<16xf32>
        %mul3A_707 = arith.constant 5.000000e-01 : f32
        %mul3A_708 = vector.broadcast %mul3A_707 : f32 to vector<16xf32>
        %mul3A_709 = arith.mulf %mul3A_708, %min3A_706 : vector<16xf32>
        %sub3A_710 = arith.subf %mul3A_705, %mul3A_709 : vector<16xf32>
        %mul3A_711 = arith.mulf %min3A_706, %sub3A_710 : vector<16xf32>
        %add3A_712 = arith.addf %add3A_689, %mul3A_711 : vector<16xf32>
        %add3A_713 = arith.addf %add3A_690, %mul3A_705 : vector<16xf32>
        %get3A_714 = arith.index_cast %scan3A_299 : i32 to index
        %get3A_715 = arith.constant 288 : index
        %get3A_716 = tpu.vector_load %arg6[%get3A_714, %get3A_715] {strides = array<i32>} : memref<48x384xf32, #tpu.memory_space<vmem>>, vector<1x16xf32>,
        %get3A_717 = vector.shape_cast %get3A_716 : vector<1x16xf32> to vector<16xf32>
        %get3A_718 = arith.index_cast %scan3A_299 : i32 to index
        %get3A_719 = arith.constant 288 : index
        %get3A_720 = tpu.vector_load %arg8[%get3A_718, %get3A_719] {strides = array<i32>} : memref<48x384xf32, #tpu.memory_space<vmem>>, vector<1x16xf32>,
        %get3A_721 = vector.shape_cast %get3A_720 : vector<1x16xf32> to vector<16xf32>
        %get3A_722 = arith.index_cast %scan3A_299 : i32 to index
        %get3A_723 = arith.constant 288 : index
        %get3A_724 = tpu.vector_load %arg10[%get3A_722, %get3A_723] {strides = array<i32>} : memref<48x384xf32, #tpu.memory_space<vmem>>, vector<1x16xf32>,
        %get3A_725 = vector.shape_cast %get3A_724 : vector<1x16xf32> to vector<16xf32>
        %sub3A_726 = arith.subf %get3A_717, %get3A_721 : vector<16xf32>
        %abs3A_727 = math.absf %sub3A_726 : vector<16xf32>
        %mul3A_728 = arith.mulf %abs3A_727, %get3A_725 : vector<16xf32>
        %min3A_729 = arith.minimumf %mul3A_728, %get3A_725 : vector<16xf32>
        %mul3A_730 = arith.constant 5.000000e-01 : f32
        %mul3A_731 = vector.broadcast %mul3A_730 : f32 to vector<16xf32>
        %mul3A_732 = arith.mulf %mul3A_731, %min3A_729 : vector<16xf32>
        %sub3A_733 = arith.subf %mul3A_728, %mul3A_732 : vector<16xf32>
        %mul3A_734 = arith.mulf %min3A_729, %sub3A_733 : vector<16xf32>
        %add3A_735 = arith.addf %add3A_712, %mul3A_734 : vector<16xf32>
        %add3A_736 = arith.addf %add3A_713, %mul3A_728 : vector<16xf32>
        %get3A_737 = arith.index_cast %scan3A_299 : i32 to index
        %get3A_738 = arith.constant 304 : index
        %get3A_739 = tpu.vector_load %arg6[%get3A_737, %get3A_738] {strides = array<i32>} : memref<48x384xf32, #tpu.memory_space<vmem>>, vector<1x16xf32>,
        %get3A_740 = vector.shape_cast %get3A_739 : vector<1x16xf32> to vector<16xf32>
        %get3A_741 = arith.index_cast %scan3A_299 : i32 to index
        %get3A_742 = arith.constant 304 : index
        %get3A_743 = tpu.vector_load %arg8[%get3A_741, %get3A_742] {strides = array<i32>} : memref<48x384xf32, #tpu.memory_space<vmem>>, vector<1x16xf32>,
        %get3A_744 = vector.shape_cast %get3A_743 : vector<1x16xf32> to vector<16xf32>
        %get3A_745 = arith.index_cast %scan3A_299 : i32 to index
        %get3A_746 = arith.constant 304 : index
        %get3A_747 = tpu.vector_load %arg10[%get3A_745, %get3A_746] {strides = array<i32>} : memref<48x384xf32, #tpu.memory_space<vmem>>, vector<1x16xf32>,
        %get3A_748 = vector.shape_cast %get3A_747 : vector<1x16xf32> to vector<16xf32>
        %sub3A_749 = arith.subf %get3A_740, %get3A_744 : vector<16xf32>
        %abs3A_750 = math.absf %sub3A_749 : vector<16xf32>
        %mul3A_751 = arith.mulf %abs3A_750, %get3A_748 : vector<16xf32>
        %min3A_752 = arith.minimumf %mul3A_751, %get3A_748 : vector<16xf32>
        %mul3A_753 = arith.constant 5.000000e-01 : f32
        %mul3A_754 = vector.broadcast %mul3A_753 : f32 to vector<16xf32>
        %mul3A_755 = arith.mulf %mul3A_754, %min3A_752 : vector<16xf32>
        %sub3A_756 = arith.subf %mul3A_751, %mul3A_755 : vector<16xf32>
        %mul3A_757 = arith.mulf %min3A_752, %sub3A_756 : vector<16xf32>
        %add3A_758 = arith.addf %add3A_735, %mul3A_757 : vector<16xf32>
        %add3A_759 = arith.addf %add3A_736, %mul3A_751 : vector<16xf32>
        %get3A_760 = arith.index_cast %scan3A_299 : i32 to index
        %get3A_761 = arith.constant 320 : index
        %get3A_762 = tpu.vector_load %arg6[%get3A_760, %get3A_761] {strides = array<i32>} : memref<48x384xf32, #tpu.memory_space<vmem>>, vector<1x16xf32>,
        %get3A_763 = vector.shape_cast %get3A_762 : vector<1x16xf32> to vector<16xf32>
        %get3A_764 = arith.index_cast %scan3A_299 : i32 to index
        %get3A_765 = arith.constant 320 : index
        %get3A_766 = tpu.vector_load %arg8[%get3A_764, %get3A_765] {strides = array<i32>} : memref<48x384xf32, #tpu.memory_space<vmem>>, vector<1x16xf32>,
        %get3A_767 = vector.shape_cast %get3A_766 : vector<1x16xf32> to vector<16xf32>
        %get3A_768 = arith.index_cast %scan3A_299 : i32 to index
        %get3A_769 = arith.constant 320 : index
        %get3A_770 = tpu.vector_load %arg10[%get3A_768, %get3A_769] {strides = array<i32>} : memref<48x384xf32, #tpu.memory_space<vmem>>, vector<1x16xf32>,
        %get3A_771 = vector.shape_cast %get3A_770 : vector<1x16xf32> to vector<16xf32>
        %sub3A_772 = arith.subf %get3A_763, %get3A_767 : vector<16xf32>
        %abs3A_773 = math.absf %sub3A_772 : vector<16xf32>
        %mul3A_774 = arith.mulf %abs3A_773, %get3A_771 : vector<16xf32>
        %min3A_775 = arith.minimumf %mul3A_774, %get3A_771 : vector<16xf32>
        %mul3A_776 = arith.constant 5.000000e-01 : f32
        %mul3A_777 = vector.broadcast %mul3A_776 : f32 to vector<16xf32>
        %mul3A_778 = arith.mulf %mul3A_777, %min3A_775 : vector<16xf32>
        %sub3A_779 = arith.subf %mul3A_774, %mul3A_778 : vector<16xf32>
        %mul3A_780 = arith.mulf %min3A_775, %sub3A_779 : vector<16xf32>
        %add3A_781 = arith.addf %add3A_758, %mul3A_780 : vector<16xf32>
        %add3A_782 = arith.addf %add3A_759, %mul3A_774 : vector<16xf32>
        %get3A_783 = arith.index_cast %scan3A_299 : i32 to index
        %get3A_784 = arith.constant 336 : index
        %get3A_785 = tpu.vector_load %arg6[%get3A_783, %get3A_784] {strides = array<i32>} : memref<48x384xf32, #tpu.memory_space<vmem>>, vector<1x16xf32>,
        %get3A_786 = vector.shape_cast %get3A_785 : vector<1x16xf32> to vector<16xf32>
        %get3A_787 = arith.index_cast %scan3A_299 : i32 to index
        %get3A_788 = arith.constant 336 : index
        %get3A_789 = tpu.vector_load %arg8[%get3A_787, %get3A_788] {strides = array<i32>} : memref<48x384xf32, #tpu.memory_space<vmem>>, vector<1x16xf32>,
        %get3A_790 = vector.shape_cast %get3A_789 : vector<1x16xf32> to vector<16xf32>
        %get3A_791 = arith.index_cast %scan3A_299 : i32 to index
        %get3A_792 = arith.constant 336 : index
        %get3A_793 = tpu.vector_load %arg10[%get3A_791, %get3A_792] {strides = array<i32>} : memref<48x384xf32, #tpu.memory_space<vmem>>, vector<1x16xf32>,
        %get3A_794 = vector.shape_cast %get3A_793 : vector<1x16xf32> to vector<16xf32>
        %sub3A_795 = arith.subf %get3A_786, %get3A_790 : vector<16xf32>
        %abs3A_796 = math.absf %sub3A_795 : vector<16xf32>
        %mul3A_797 = arith.mulf %abs3A_796, %get3A_794 : vector<16xf32>
        %min3A_798 = arith.minimumf %mul3A_797, %get3A_794 : vector<16xf32>
        %mul3A_799 = arith.constant 5.000000e-01 : f32
        %mul3A_800 = vector.broadcast %mul3A_799 : f32 to vector<16xf32>
        %mul3A_801 = arith.mulf %mul3A_800, %min3A_798 : vector<16xf32>
        %sub3A_802 = arith.subf %mul3A_797, %mul3A_801 : vector<16xf32>
        %mul3A_803 = arith.mulf %min3A_798, %sub3A_802 : vector<16xf32>
        %add3A_804 = arith.addf %add3A_781, %mul3A_803 : vector<16xf32>
        %add3A_805 = arith.addf %add3A_782, %mul3A_797 : vector<16xf32>
        %get3A_806 = arith.index_cast %scan3A_299 : i32 to index
        %get3A_807 = arith.constant 352 : index
        %get3A_808 = tpu.vector_load %arg6[%get3A_806, %get3A_807] {strides = array<i32>} : memref<48x384xf32, #tpu.memory_space<vmem>>, vector<1x16xf32>,
        %get3A_809 = vector.shape_cast %get3A_808 : vector<1x16xf32> to vector<16xf32>
        %get3A_810 = arith.index_cast %scan3A_299 : i32 to index
        %get3A_811 = arith.constant 352 : index
        %get3A_812 = tpu.vector_load %arg8[%get3A_810, %get3A_811] {strides = array<i32>} : memref<48x384xf32, #tpu.memory_space<vmem>>, vector<1x16xf32>,
        %get3A_813 = vector.shape_cast %get3A_812 : vector<1x16xf32> to vector<16xf32>
        %get3A_814 = arith.index_cast %scan3A_299 : i32 to index
        %get3A_815 = arith.constant 352 : index
        %get3A_816 = tpu.vector_load %arg10[%get3A_814, %get3A_815] {strides = array<i32>} : memref<48x384xf32, #tpu.memory_space<vmem>>, vector<1x16xf32>,
        %get3A_817 = vector.shape_cast %get3A_816 : vector<1x16xf32> to vector<16xf32>
        %sub3A_818 = arith.subf %get3A_809, %get3A_813 : vector<16xf32>
        %abs3A_819 = math.absf %sub3A_818 : vector<16xf32>
        %mul3A_820 = arith.mulf %abs3A_819, %get3A_817 : vector<16xf32>
        %min3A_821 = arith.minimumf %mul3A_820, %get3A_817 : vector<16xf32>
        %mul3A_822 = arith.constant 5.000000e-01 : f32
        %mul3A_823 = vector.broadcast %mul3A_822 : f32 to vector<16xf32>
        %mul3A_824 = arith.mulf %mul3A_823, %min3A_821 : vector<16xf32>
        %sub3A_825 = arith.subf %mul3A_820, %mul3A_824 : vector<16xf32>
        %mul3A_826 = arith.mulf %min3A_821, %sub3A_825 : vector<16xf32>
        %add3A_827 = arith.addf %add3A_804, %mul3A_826 : vector<16xf32>
        %add3A_828 = arith.addf %add3A_805, %mul3A_820 : vector<16xf32>
        %get3A_829 = arith.index_cast %scan3A_299 : i32 to index
        %get3A_830 = arith.constant 368 : index
        %get3A_831 = tpu.vector_load %arg6[%get3A_829, %get3A_830] {strides = array<i32>} : memref<48x384xf32, #tpu.memory_space<vmem>>, vector<1x16xf32>,
        %get3A_832 = vector.shape_cast %get3A_831 : vector<1x16xf32> to vector<16xf32>
        %get3A_833 = arith.index_cast %scan3A_299 : i32 to index
        %get3A_834 = arith.constant 368 : index
        %get3A_835 = tpu.vector_load %arg8[%get3A_833, %get3A_834] {strides = array<i32>} : memref<48x384xf32, #tpu.memory_space<vmem>>, vector<1x16xf32>,
        %get3A_836 = vector.shape_cast %get3A_835 : vector<1x16xf32> to vector<16xf32>
        %get3A_837 = arith.index_cast %scan3A_299 : i32 to index
        %get3A_838 = arith.constant 368 : index
        %get3A_839 = tpu.vector_load %arg10[%get3A_837, %get3A_838] {strides = array<i32>} : memref<48x384xf32, #tpu.memory_space<vmem>>, vector<1x16xf32>,
        %get3A_840 = vector.shape_cast %get3A_839 : vector<1x16xf32> to vector<16xf32>
        %sub3A_841 = arith.subf %get3A_832, %get3A_836 : vector<16xf32>
        %abs3A_842 = math.absf %sub3A_841 : vector<16xf32>
        %mul3A_843 = arith.mulf %abs3A_842, %get3A_840 : vector<16xf32>
        %min3A_844 = arith.minimumf %mul3A_843, %get3A_840 : vector<16xf32>
        %mul3A_845 = arith.constant 5.000000e-01 : f32
        %mul3A_846 = vector.broadcast %mul3A_845 : f32 to vector<16xf32>
        %mul3A_847 = arith.mulf %mul3A_846, %min3A_844 : vector<16xf32>
        %sub3A_848 = arith.subf %mul3A_843, %mul3A_847 : vector<16xf32>
        %mul3A_849 = arith.mulf %min3A_844, %sub3A_848 : vector<16xf32>
        %add3A_850 = arith.addf %add3A_827, %mul3A_849 : vector<16xf32>
        %add3A_851 = arith.addf %add3A_828, %mul3A_843 : vector<16xf32>
        scf.yield %add3A_850, %add3A_851 : vector<16xf32>, vector<16xf32>
      }
      %scan3A_162 = arith.constant 48 : i32
      %get3A = arith.constant 0 : i32
      %get3A_163 = arith.index_cast %get3A : i32 to index
      %get3A_164 = arith.constant 0 : index
      %get3A_165 = tpu.vector_load %arg11[%get3A_163, %get3A_164] {strides = array<i32>} : memref<2x16xf32, #tpu.memory_space<vmem>>, vector<1x16xf32>,
      %get3A_166 = vector.shape_cast %get3A_165 : vector<1x16xf32> to vector<16xf32>
      %add3A_167 = arith.addf %get3A_166, %scan3A_161#0 : vector<16xf32>
      %swap3A_168 = arith.constant 0 : i32
      %swap3A_169 = arith.index_cast %swap3A_168 : i32 to index
      %swap3A_170 = arith.constant 0 : index
      %swap3A_171 = tpu.vector_load %arg11[%swap3A_169, %swap3A_170] {strides = array<i32>} : memref<2x16xf32, #tpu.memory_space<vmem>>, vector<1x16xf32>,
      %swap3A_172 = vector.shape_cast %swap3A_171 : vector<1x16xf32> to vector<16xf32>
      %swap3A_173 = vector.shape_cast %add3A_167 : vector<16xf32> to vector<1x16xf32>
      tpu.vector_store %arg11[%swap3A_169, %swap3A_170], %swap3A_173 {strides = array<i32>} : memref<2x16xf32, #tpu.memory_space<vmem>>, vector<1x16xf32>,
      %get3A_174 = arith.constant 1 : i32
      %get3A_175 = arith.index_cast %get3A_174 : i32 to index
      %get3A_176 = arith.constant 0 : index
      %get3A_177 = tpu.vector_load %arg11[%get3A_175, %get3A_176] {strides = array<i32>} : memref<2x16xf32, #tpu.memory_space<vmem>>, vector<1x16xf32>,
      %get3A_178 = vector.shape_cast %get3A_177 : vector<1x16xf32> to vector<16xf32>
      %add3A_179 = arith.addf %get3A_178, %scan3A_161#1 : vector<16xf32>
      %swap3A_180 = arith.constant 1 : i32
      %swap3A_181 = arith.index_cast %swap3A_180 : i32 to index
      %swap3A_182 = arith.constant 0 : index
      %swap3A_183 = tpu.vector_load %arg11[%swap3A_181, %swap3A_182] {strides = array<i32>} : memref<2x16xf32, #tpu.memory_space<vmem>>, vector<1x16xf32>,
      %swap3A_184 = vector.shape_cast %swap3A_183 : vector<1x16xf32> to vector<16xf32>
      %swap3A_185 = vector.shape_cast %add3A_179 : vector<16xf32> to vector<1x16xf32>
      tpu.vector_store %arg11[%swap3A_181, %swap3A_182], %swap3A_185 {strides = array<i32>} : memref<2x16xf32, #tpu.memory_space<vmem>>, vector<1x16xf32>,
      %add3A_186 = arith.constant 2 : i32
      %add3A_187 = arith.addi %mul3A_94, %add3A_186 : i32
      %lt3A_188 = arith.constant 8 : i32
      %lt3A_189 = arith.cmpi slt, %add3A_187, %lt3A_188 : i32
      %convert_element_type3A_190 = arith.extui %lt3A_189 : i1 to i32
      %cond3A_191 = arith.constant 0 : i32
      %cond3A_192 = arith.cmpi ne, %convert_element_type3A_190, %cond3A_191 : i32
      scf.if %cond3A_192 {
        %add3A_299 = arith.constant 2 : i32
        %add3A_300 = arith.addi %mul3A_94, %add3A_299 : i32
        %jit3A_301 = arith.constant 1 : i32
        %div3A_302 = arith.divsi %add3A_300, %jit3A_301 : i32
        %sign3A_303 = arith.constant 0 : i32
        %sign3A_304 = arith.cmpi sgt, %add3A_300, %sign3A_303 : i32
        %sign3A_305 = arith.extui %sign3A_304 : i1 to i32
        %sign3A_306 = arith.constant 0 : i32
        %sign3A_307 = arith.cmpi slt, %add3A_300, %sign3A_306 : i32
        %sign3A_308 = arith.extui %sign3A_307 : i1 to i32
        %sign3A_309 = arith.subi %sign3A_305, %sign3A_308 : i32
        %sign3A_310 = arith.constant 0 : i32
        %sign3A_311 = arith.cmpi sgt, %jit3A_301, %sign3A_310 : i32
        %sign3A_312 = arith.extui %sign3A_311 : i1 to i32
        %sign3A_313 = arith.constant 0 : i32
        %sign3A_314 = arith.cmpi slt, %jit3A_301, %sign3A_313 : i32
        %sign3A_315 = arith.extui %sign3A_314 : i1 to i32
        %sign3A_316 = arith.subi %sign3A_312, %sign3A_315 : i32
        %ne3A_317 = arith.cmpi ne, %sign3A_309, %sign3A_316 : i32
        %rem3A_318 = arith.remsi %add3A_300, %jit3A_301 : i32
        %ne3A_319 = arith.constant 0 : i32
        %ne3A_320 = arith.cmpi ne, %rem3A_318, %ne3A_319 : i32
        %and3A_321 = arith.andi %ne3A_317, %ne3A_320 : i1
        %sub3A_322 = arith.constant 1 : i32
        %sub3A_323 = arith.subi %div3A_302, %sub3A_322 : i32
        %select_n3A_324 = arith.select %and3A_321, %sub3A_323, %div3A_302 : i32
        %mul3A_325 = arith.constant 1 : i32
        %mul3A_326 = arith.muli %select_n3A_324, %mul3A_325 : i32
        %sub3A_327 = arith.subi %add3A_300, %mul3A_326 : i32
        %add3A_328 = arith.addi %add3A_37, %sub3A_327 : i32
        %mul3A_329 = arith.constant 48 : i32
        %mul3A_330 = arith.muli %select_n3A_324, %mul3A_329 : i32
        %dma_start3A_331 = arith.constant 0 : i32
        %dma_start3A_332 = tpu.memref_slice %arg2[%add3A_328, %mul3A_330, %dma_start3A_331] : memref<384x384x384xf32, #tpu.memory_space<hbm>> -> memref<1x48x384xf32, #tpu.memory_space<hbm>>
        %dma_start3A_333 = tpu.memref_squeeze %dma_start3A_332 : memref<1x48x384xf32, #tpu.memory_space<hbm>> -> memref<48x384xf32, #tpu.memory_space<hbm>>
        %dma_start3A_334 = arith.constant 0 : i32
        %dma_start3A_335 = tpu.memref_slice %arg2[%add3A_328, %mul3A_330, %dma_start3A_334] : memref<384x384x384xf32, #tpu.memory_space<hbm>> -> memref<1x48x384xf32, #tpu.memory_space<hbm>>
        %dma_start3A_336 = tpu.memref_squeeze %dma_start3A_335 : memref<1x48x384xf32, #tpu.memory_space<hbm>> -> memref<48x384xf32, #tpu.memory_space<hbm>>
        tpu.enqueue_dma source(%dma_start3A_336 : memref<48x384xf32, #tpu.memory_space<hbm>>) target(%arg6 : memref<48x384xf32, #tpu.memory_space<vmem>>) target_semaphore(%arg12 : memref<!tpu.dma_semaphore, #tpu.memory_space<semaphore_mem>>)
        %dma_start3A_337 = arith.constant 0 : i32
        %dma_start3A_338 = tpu.memref_slice %arg3[%add3A_328, %mul3A_330, %dma_start3A_337] : memref<384x384x384xf32, #tpu.memory_space<hbm>> -> memref<1x48x384xf32, #tpu.memory_space<hbm>>
        %dma_start3A_339 = tpu.memref_squeeze %dma_start3A_338 : memref<1x48x384xf32, #tpu.memory_space<hbm>> -> memref<48x384xf32, #tpu.memory_space<hbm>>
        %dma_start3A_340 = arith.constant 0 : i32
        %dma_start3A_341 = tpu.memref_slice %arg3[%add3A_328, %mul3A_330, %dma_start3A_340] : memref<384x384x384xf32, #tpu.memory_space<hbm>> -> memref<1x48x384xf32, #tpu.memory_space<hbm>>
        %dma_start3A_342 = tpu.memref_squeeze %dma_start3A_341 : memref<1x48x384xf32, #tpu.memory_space<hbm>> -> memref<48x384xf32, #tpu.memory_space<hbm>>
        tpu.enqueue_dma source(%dma_start3A_342 : memref<48x384xf32, #tpu.memory_space<hbm>>) target(%arg8 : memref<48x384xf32, #tpu.memory_space<vmem>>) target_semaphore(%arg14 : memref<!tpu.dma_semaphore, #tpu.memory_space<semaphore_mem>>)
      } else {
      }
      %mul3A_193 = arith.constant 2 : i32
      %mul3A_194 = arith.muli %scan3A_92, %mul3A_193 : i32
      %add3A_195 = arith.constant 1 : i32
      %add3A_196 = arith.addi %mul3A_194, %add3A_195 : i32
      %jit3A_197 = arith.constant 1 : i32
      %div3A_198 = arith.divsi %add3A_196, %jit3A_197 : i32
      %sign3A_199 = arith.constant 0 : i32
      %sign3A_200 = arith.cmpi sgt, %add3A_196, %sign3A_199 : i32
      %sign3A_201 = arith.extui %sign3A_200 : i1 to i32
      %sign3A_202 = arith.constant 0 : i32
      %sign3A_203 = arith.cmpi slt, %add3A_196, %sign3A_202 : i32
      %sign3A_204 = arith.extui %sign3A_203 : i1 to i32
      %sign3A_205 = arith.subi %sign3A_201, %sign3A_204 : i32
      %sign3A_206 = arith.constant 0 : i32
      %sign3A_207 = arith.cmpi sgt, %jit3A_197, %sign3A_206 : i32
      %sign3A_208 = arith.extui %sign3A_207 : i1 to i32
      %sign3A_209 = arith.constant 0 : i32
      %sign3A_210 = arith.cmpi slt, %jit3A_197, %sign3A_209 : i32
      %sign3A_211 = arith.extui %sign3A_210 : i1 to i32
      %sign3A_212 = arith.subi %sign3A_208, %sign3A_211 : i32
      %ne3A_213 = arith.cmpi ne, %sign3A_205, %sign3A_212 : i32
      %rem3A_214 = arith.remsi %add3A_196, %jit3A_197 : i32
      %ne3A_215 = arith.constant 0 : i32
      %ne3A_216 = arith.cmpi ne, %rem3A_214, %ne3A_215 : i32
      %and3A_217 = arith.andi %ne3A_213, %ne3A_216 : i1
      %sub3A_218 = arith.constant 1 : i32
      %sub3A_219 = arith.subi %div3A_198, %sub3A_218 : i32
      %select_n3A_220 = arith.select %and3A_217, %sub3A_219, %div3A_198 : i32
      %mul3A_221 = arith.constant 1 : i32
      %mul3A_222 = arith.muli %select_n3A_220, %mul3A_221 : i32
      %sub3A_223 = arith.subi %add3A_196, %mul3A_222 : i32
      %add3A_224 = arith.addi %add3A_37, %sub3A_223 : i32
      %mul3A_225 = arith.constant 48 : i32
      %mul3A_226 = arith.muli %select_n3A_220, %mul3A_225 : i32
      %jit3A_227 = arith.constant 1 : i32
      %eq3A_228 = arith.constant 0 : i32
      %eq3A_229 = arith.cmpi eq, %jit3A_227, %eq3A_228 : i32
      %jit3A_230 = arith.constant 1 : i32
      %select_n3A_231 = arith.select %eq3A_229, %jit3A_230, %jit3A_227 : i32
      %rem3A_232 = arith.remsi %add3A_196, %select_n3A_231 : i32
      %ne3A_233 = arith.constant 0 : i32
      %ne3A_234 = arith.cmpi ne, %rem3A_232, %ne3A_233 : i32
      %lt3A_235 = arith.constant 0 : i32
      %lt3A_236 = arith.cmpi slt, %rem3A_232, %lt3A_235 : i32
      %lt3A_237 = arith.constant 0 : i32
      %lt3A_238 = arith.cmpi slt, %select_n3A_231, %lt3A_237 : i32
      %ne3A_239 = arith.xori %lt3A_236, %lt3A_238 : i1
      %and3A_240 = arith.andi %ne3A_239, %ne3A_234 : i1
      %add3A_241 = arith.addi %rem3A_232, %select_n3A_231 : i32
      %select_n3A_242 = arith.select %and3A_240, %add3A_241, %rem3A_232 : i32
      %eq3A_243 = arith.constant 0 : i32
      %eq3A_244 = arith.cmpi eq, %select_n3A_242, %eq3A_243 : i32
      %convert_element_type3A_245 = arith.extui %eq3A_244 : i1 to i32
      %cond3A_246 = arith.constant 0 : i32
      %cond3A_247 = arith.cmpi ne, %convert_element_type3A_245, %cond3A_246 : i32
      scf.if %cond3A_247 {
        "tpu.region"() ({
          %run_scoped3A = tpu.sem_alloc : memref<!tpu.dma_semaphore, #tpu.memory_space<semaphore_mem>>
          %dma_start3A_299 = arith.constant 0 : i32
          %dma_start3A_300 = tpu.memref_slice %arg4[%select_n3A, %mul3A_226, %dma_start3A_299] : memref<4x384x384xf32, #tpu.memory_space<hbm>> -> memref<1x48x384xf32, #tpu.memory_space<hbm>>
          %dma_start3A_301 = tpu.memref_squeeze %dma_start3A_300 : memref<1x48x384xf32, #tpu.memory_space<hbm>> -> memref<48x384xf32, #tpu.memory_space<hbm>>
          %dma_start3A_302 = arith.constant 0 : i32
          %dma_start3A_303 = tpu.memref_slice %arg4[%select_n3A, %mul3A_226, %dma_start3A_302] : memref<4x384x384xf32, #tpu.memory_space<hbm>> -> memref<1x48x384xf32, #tpu.memory_space<hbm>>
          %dma_start3A_304 = tpu.memref_squeeze %dma_start3A_303 : memref<1x48x384xf32, #tpu.memory_space<hbm>> -> memref<48x384xf32, #tpu.memory_space<hbm>>
          tpu.enqueue_dma source(%dma_start3A_304 : memref<48x384xf32, #tpu.memory_space<hbm>>) target(%arg10 : memref<48x384xf32, #tpu.memory_space<vmem>>) target_semaphore(%run_scoped3A : memref<!tpu.dma_semaphore, #tpu.memory_space<semaphore_mem>>)
          %dma_wait3A_305 = arith.constant 0 : i32
          %dma_wait3A_306 = tpu.memref_slice %arg4[%select_n3A, %mul3A_226, %dma_wait3A_305] : memref<4x384x384xf32, #tpu.memory_space<hbm>> -> memref<1x48x384xf32, #tpu.memory_space<hbm>>
          %dma_wait3A_307 = tpu.memref_squeeze %dma_wait3A_306 : memref<1x48x384xf32, #tpu.memory_space<hbm>> -> memref<48x384xf32, #tpu.memory_space<hbm>>
          %dma_wait3A_308 = arith.constant 0 : i32
          %dma_wait3A_309 = tpu.memref_slice %arg4[%select_n3A, %mul3A_226, %dma_wait3A_308] : memref<4x384x384xf32, #tpu.memory_space<hbm>> -> memref<1x48x384xf32, #tpu.memory_space<hbm>>
          %dma_wait3A_310 = tpu.memref_squeeze %dma_wait3A_309 : memref<1x48x384xf32, #tpu.memory_space<hbm>> -> memref<48x384xf32, #tpu.memory_space<hbm>>
          tpu.wait_dma2 semaphore(%run_scoped3A : memref<!tpu.dma_semaphore, #tpu.memory_space<semaphore_mem>>) src(%dma_wait3A_310 : memref<48x384xf32, #tpu.memory_space<hbm>>) dst(%arg10 : memref<48x384xf32, #tpu.memory_space<vmem>>)
          tpu.yield
        }) : () -> ()
      } else {
      }
      %dma_wait3A_248 = arith.constant 0 : i32
      %dma_wait3A_249 = tpu.memref_slice %arg2[%add3A_224, %mul3A_226, %dma_wait3A_248] : memref<384x384x384xf32, #tpu.memory_space<hbm>> -> memref<1x48x384xf32, #tpu.memory_space<hbm>>
      %dma_wait3A_250 = tpu.memref_squeeze %dma_wait3A_249 : memref<1x48x384xf32, #tpu.memory_space<hbm>> -> memref<48x384xf32, #tpu.memory_space<hbm>>
      %dma_wait3A_251 = arith.constant 0 : i32
      %dma_wait3A_252 = tpu.memref_slice %arg2[%add3A_224, %mul3A_226, %dma_wait3A_251] : memref<384x384x384xf32, #tpu.memory_space<hbm>> -> memref<1x48x384xf32, #tpu.memory_space<hbm>>
      %dma_wait3A_253 = tpu.memref_squeeze %dma_wait3A_252 : memref<1x48x384xf32, #tpu.memory_space<hbm>> -> memref<48x384xf32, #tpu.memory_space<hbm>>
      tpu.wait_dma2 semaphore(%arg13 : memref<!tpu.dma_semaphore, #tpu.memory_space<semaphore_mem>>) src(%dma_wait3A_253 : memref<48x384xf32, #tpu.memory_space<hbm>>) dst(%arg7 : memref<48x384xf32, #tpu.memory_space<vmem>>)
      %dma_wait3A_254 = arith.constant 0 : i32
      %dma_wait3A_255 = tpu.memref_slice %arg3[%add3A_224, %mul3A_226, %dma_wait3A_254] : memref<384x384x384xf32, #tpu.memory_space<hbm>> -> memref<1x48x384xf32, #tpu.memory_space<hbm>>
      %dma_wait3A_256 = tpu.memref_squeeze %dma_wait3A_255 : memref<1x48x384xf32, #tpu.memory_space<hbm>> -> memref<48x384xf32, #tpu.memory_space<hbm>>
      %dma_wait3A_257 = arith.constant 0 : i32
      %dma_wait3A_258 = tpu.memref_slice %arg3[%add3A_224, %mul3A_226, %dma_wait3A_257] : memref<384x384x384xf32, #tpu.memory_space<hbm>> -> memref<1x48x384xf32, #tpu.memory_space<hbm>>
      %dma_wait3A_259 = tpu.memref_squeeze %dma_wait3A_258 : memref<1x48x384xf32, #tpu.memory_space<hbm>> -> memref<48x384xf32, #tpu.memory_space<hbm>>
      tpu.wait_dma2 semaphore(%arg15 : memref<!tpu.dma_semaphore, #tpu.memory_space<semaphore_mem>>) src(%dma_wait3A_259 : memref<48x384xf32, #tpu.memory_space<hbm>>) dst(%arg9 : memref<48x384xf32, #tpu.memory_space<vmem>>)
      %broadcast_in_dim3A_260 = arith.constant 0.000000e+00 : f32
      %broadcast_in_dim3A_261 = vector.broadcast %broadcast_in_dim3A_260 : f32 to vector<16xf32>
      %scan3A_262 = arith.constant 0 : i32
      %scan3A_263 = arith.constant 48 : i32
      %scan3A_264 = arith.addi %scan3A_262, %scan3A_263 : i32
      %scan3A_265 = arith.constant 1 : i32
      %scan3A_266:2 = scf.for %scan3A_299 = %scan3A_262 to %scan3A_264 step %scan3A_265 iter_args(%scan3A_300 = %broadcast_in_dim3A_261, %scan3A_301 = %broadcast_in_dim3A_261) -> (vector<16xf32>, vector<16xf32>)  : i32 {
        %get3A_302 = arith.index_cast %scan3A_299 : i32 to index
        %get3A_303 = arith.constant 0 : index
        %get3A_304 = tpu.vector_load %arg7[%get3A_302, %get3A_303] {strides = array<i32>} : memref<48x384xf32, #tpu.memory_space<vmem>>, vector<1x16xf32>,
        %get3A_305 = vector.shape_cast %get3A_304 : vector<1x16xf32> to vector<16xf32>
        %get3A_306 = arith.index_cast %scan3A_299 : i32 to index
        %get3A_307 = arith.constant 0 : index
        %get3A_308 = tpu.vector_load %arg9[%get3A_306, %get3A_307] {strides = array<i32>} : memref<48x384xf32, #tpu.memory_space<vmem>>, vector<1x16xf32>,
        %get3A_309 = vector.shape_cast %get3A_308 : vector<1x16xf32> to vector<16xf32>
        %get3A_310 = arith.index_cast %scan3A_299 : i32 to index
        %get3A_311 = arith.constant 0 : index
        %get3A_312 = tpu.vector_load %arg10[%get3A_310, %get3A_311] {strides = array<i32>} : memref<48x384xf32, #tpu.memory_space<vmem>>, vector<1x16xf32>,
        %get3A_313 = vector.shape_cast %get3A_312 : vector<1x16xf32> to vector<16xf32>
        %sub3A_314 = arith.subf %get3A_305, %get3A_309 : vector<16xf32>
        %abs3A = math.absf %sub3A_314 : vector<16xf32>
        %mul3A_315 = arith.mulf %abs3A, %get3A_313 : vector<16xf32>
        %min3A = arith.minimumf %mul3A_315, %get3A_313 : vector<16xf32>
        %mul3A_316 = arith.constant 5.000000e-01 : f32
        %mul3A_317 = vector.broadcast %mul3A_316 : f32 to vector<16xf32>
        %mul3A_318 = arith.mulf %mul3A_317, %min3A : vector<16xf32>
        %sub3A_319 = arith.subf %mul3A_315, %mul3A_318 : vector<16xf32>
        %mul3A_320 = arith.mulf %min3A, %sub3A_319 : vector<16xf32>
        %add3A_321 = arith.addf %scan3A_300, %mul3A_320 : vector<16xf32>
        %add3A_322 = arith.addf %scan3A_301, %mul3A_315 : vector<16xf32>
        %get3A_323 = arith.index_cast %scan3A_299 : i32 to index
        %get3A_324 = arith.constant 16 : index
        %get3A_325 = tpu.vector_load %arg7[%get3A_323, %get3A_324] {strides = array<i32>} : memref<48x384xf32, #tpu.memory_space<vmem>>, vector<1x16xf32>,
        %get3A_326 = vector.shape_cast %get3A_325 : vector<1x16xf32> to vector<16xf32>
        %get3A_327 = arith.index_cast %scan3A_299 : i32 to index
        %get3A_328 = arith.constant 16 : index
        %get3A_329 = tpu.vector_load %arg9[%get3A_327, %get3A_328] {strides = array<i32>} : memref<48x384xf32, #tpu.memory_space<vmem>>, vector<1x16xf32>,
        %get3A_330 = vector.shape_cast %get3A_329 : vector<1x16xf32> to vector<16xf32>
        %get3A_331 = arith.index_cast %scan3A_299 : i32 to index
        %get3A_332 = arith.constant 16 : index
        %get3A_333 = tpu.vector_load %arg10[%get3A_331, %get3A_332] {strides = array<i32>} : memref<48x384xf32, #tpu.memory_space<vmem>>, vector<1x16xf32>,
        %get3A_334 = vector.shape_cast %get3A_333 : vector<1x16xf32> to vector<16xf32>
        %sub3A_335 = arith.subf %get3A_326, %get3A_330 : vector<16xf32>
        %abs3A_336 = math.absf %sub3A_335 : vector<16xf32>
        %mul3A_337 = arith.mulf %abs3A_336, %get3A_334 : vector<16xf32>
        %min3A_338 = arith.minimumf %mul3A_337, %get3A_334 : vector<16xf32>
        %mul3A_339 = arith.constant 5.000000e-01 : f32
        %mul3A_340 = vector.broadcast %mul3A_339 : f32 to vector<16xf32>
        %mul3A_341 = arith.mulf %mul3A_340, %min3A_338 : vector<16xf32>
        %sub3A_342 = arith.subf %mul3A_337, %mul3A_341 : vector<16xf32>
        %mul3A_343 = arith.mulf %min3A_338, %sub3A_342 : vector<16xf32>
        %add3A_344 = arith.addf %add3A_321, %mul3A_343 : vector<16xf32>
        %add3A_345 = arith.addf %add3A_322, %mul3A_337 : vector<16xf32>
        %get3A_346 = arith.index_cast %scan3A_299 : i32 to index
        %get3A_347 = arith.constant 32 : index
        %get3A_348 = tpu.vector_load %arg7[%get3A_346, %get3A_347] {strides = array<i32>} : memref<48x384xf32, #tpu.memory_space<vmem>>, vector<1x16xf32>,
        %get3A_349 = vector.shape_cast %get3A_348 : vector<1x16xf32> to vector<16xf32>
        %get3A_350 = arith.index_cast %scan3A_299 : i32 to index
        %get3A_351 = arith.constant 32 : index
        %get3A_352 = tpu.vector_load %arg9[%get3A_350, %get3A_351] {strides = array<i32>} : memref<48x384xf32, #tpu.memory_space<vmem>>, vector<1x16xf32>,
        %get3A_353 = vector.shape_cast %get3A_352 : vector<1x16xf32> to vector<16xf32>
        %get3A_354 = arith.index_cast %scan3A_299 : i32 to index
        %get3A_355 = arith.constant 32 : index
        %get3A_356 = tpu.vector_load %arg10[%get3A_354, %get3A_355] {strides = array<i32>} : memref<48x384xf32, #tpu.memory_space<vmem>>, vector<1x16xf32>,
        %get3A_357 = vector.shape_cast %get3A_356 : vector<1x16xf32> to vector<16xf32>
        %sub3A_358 = arith.subf %get3A_349, %get3A_353 : vector<16xf32>
        %abs3A_359 = math.absf %sub3A_358 : vector<16xf32>
        %mul3A_360 = arith.mulf %abs3A_359, %get3A_357 : vector<16xf32>
        %min3A_361 = arith.minimumf %mul3A_360, %get3A_357 : vector<16xf32>
        %mul3A_362 = arith.constant 5.000000e-01 : f32
        %mul3A_363 = vector.broadcast %mul3A_362 : f32 to vector<16xf32>
        %mul3A_364 = arith.mulf %mul3A_363, %min3A_361 : vector<16xf32>
        %sub3A_365 = arith.subf %mul3A_360, %mul3A_364 : vector<16xf32>
        %mul3A_366 = arith.mulf %min3A_361, %sub3A_365 : vector<16xf32>
        %add3A_367 = arith.addf %add3A_344, %mul3A_366 : vector<16xf32>
        %add3A_368 = arith.addf %add3A_345, %mul3A_360 : vector<16xf32>
        %get3A_369 = arith.index_cast %scan3A_299 : i32 to index
        %get3A_370 = arith.constant 48 : index
        %get3A_371 = tpu.vector_load %arg7[%get3A_369, %get3A_370] {strides = array<i32>} : memref<48x384xf32, #tpu.memory_space<vmem>>, vector<1x16xf32>,
        %get3A_372 = vector.shape_cast %get3A_371 : vector<1x16xf32> to vector<16xf32>
        %get3A_373 = arith.index_cast %scan3A_299 : i32 to index
        %get3A_374 = arith.constant 48 : index
        %get3A_375 = tpu.vector_load %arg9[%get3A_373, %get3A_374] {strides = array<i32>} : memref<48x384xf32, #tpu.memory_space<vmem>>, vector<1x16xf32>,
        %get3A_376 = vector.shape_cast %get3A_375 : vector<1x16xf32> to vector<16xf32>
        %get3A_377 = arith.index_cast %scan3A_299 : i32 to index
        %get3A_378 = arith.constant 48 : index
        %get3A_379 = tpu.vector_load %arg10[%get3A_377, %get3A_378] {strides = array<i32>} : memref<48x384xf32, #tpu.memory_space<vmem>>, vector<1x16xf32>,
        %get3A_380 = vector.shape_cast %get3A_379 : vector<1x16xf32> to vector<16xf32>
        %sub3A_381 = arith.subf %get3A_372, %get3A_376 : vector<16xf32>
        %abs3A_382 = math.absf %sub3A_381 : vector<16xf32>
        %mul3A_383 = arith.mulf %abs3A_382, %get3A_380 : vector<16xf32>
        %min3A_384 = arith.minimumf %mul3A_383, %get3A_380 : vector<16xf32>
        %mul3A_385 = arith.constant 5.000000e-01 : f32
        %mul3A_386 = vector.broadcast %mul3A_385 : f32 to vector<16xf32>
        %mul3A_387 = arith.mulf %mul3A_386, %min3A_384 : vector<16xf32>
        %sub3A_388 = arith.subf %mul3A_383, %mul3A_387 : vector<16xf32>
        %mul3A_389 = arith.mulf %min3A_384, %sub3A_388 : vector<16xf32>
        %add3A_390 = arith.addf %add3A_367, %mul3A_389 : vector<16xf32>
        %add3A_391 = arith.addf %add3A_368, %mul3A_383 : vector<16xf32>
        %get3A_392 = arith.index_cast %scan3A_299 : i32 to index
        %get3A_393 = arith.constant 64 : index
        %get3A_394 = tpu.vector_load %arg7[%get3A_392, %get3A_393] {strides = array<i32>} : memref<48x384xf32, #tpu.memory_space<vmem>>, vector<1x16xf32>,
        %get3A_395 = vector.shape_cast %get3A_394 : vector<1x16xf32> to vector<16xf32>
        %get3A_396 = arith.index_cast %scan3A_299 : i32 to index
        %get3A_397 = arith.constant 64 : index
        %get3A_398 = tpu.vector_load %arg9[%get3A_396, %get3A_397] {strides = array<i32>} : memref<48x384xf32, #tpu.memory_space<vmem>>, vector<1x16xf32>,
        %get3A_399 = vector.shape_cast %get3A_398 : vector<1x16xf32> to vector<16xf32>
        %get3A_400 = arith.index_cast %scan3A_299 : i32 to index
        %get3A_401 = arith.constant 64 : index
        %get3A_402 = tpu.vector_load %arg10[%get3A_400, %get3A_401] {strides = array<i32>} : memref<48x384xf32, #tpu.memory_space<vmem>>, vector<1x16xf32>,
        %get3A_403 = vector.shape_cast %get3A_402 : vector<1x16xf32> to vector<16xf32>
        %sub3A_404 = arith.subf %get3A_395, %get3A_399 : vector<16xf32>
        %abs3A_405 = math.absf %sub3A_404 : vector<16xf32>
        %mul3A_406 = arith.mulf %abs3A_405, %get3A_403 : vector<16xf32>
        %min3A_407 = arith.minimumf %mul3A_406, %get3A_403 : vector<16xf32>
        %mul3A_408 = arith.constant 5.000000e-01 : f32
        %mul3A_409 = vector.broadcast %mul3A_408 : f32 to vector<16xf32>
        %mul3A_410 = arith.mulf %mul3A_409, %min3A_407 : vector<16xf32>
        %sub3A_411 = arith.subf %mul3A_406, %mul3A_410 : vector<16xf32>
        %mul3A_412 = arith.mulf %min3A_407, %sub3A_411 : vector<16xf32>
        %add3A_413 = arith.addf %add3A_390, %mul3A_412 : vector<16xf32>
        %add3A_414 = arith.addf %add3A_391, %mul3A_406 : vector<16xf32>
        %get3A_415 = arith.index_cast %scan3A_299 : i32 to index
        %get3A_416 = arith.constant 80 : index
        %get3A_417 = tpu.vector_load %arg7[%get3A_415, %get3A_416] {strides = array<i32>} : memref<48x384xf32, #tpu.memory_space<vmem>>, vector<1x16xf32>,
        %get3A_418 = vector.shape_cast %get3A_417 : vector<1x16xf32> to vector<16xf32>
        %get3A_419 = arith.index_cast %scan3A_299 : i32 to index
        %get3A_420 = arith.constant 80 : index
        %get3A_421 = tpu.vector_load %arg9[%get3A_419, %get3A_420] {strides = array<i32>} : memref<48x384xf32, #tpu.memory_space<vmem>>, vector<1x16xf32>,
        %get3A_422 = vector.shape_cast %get3A_421 : vector<1x16xf32> to vector<16xf32>
        %get3A_423 = arith.index_cast %scan3A_299 : i32 to index
        %get3A_424 = arith.constant 80 : index
        %get3A_425 = tpu.vector_load %arg10[%get3A_423, %get3A_424] {strides = array<i32>} : memref<48x384xf32, #tpu.memory_space<vmem>>, vector<1x16xf32>,
        %get3A_426 = vector.shape_cast %get3A_425 : vector<1x16xf32> to vector<16xf32>
        %sub3A_427 = arith.subf %get3A_418, %get3A_422 : vector<16xf32>
        %abs3A_428 = math.absf %sub3A_427 : vector<16xf32>
        %mul3A_429 = arith.mulf %abs3A_428, %get3A_426 : vector<16xf32>
        %min3A_430 = arith.minimumf %mul3A_429, %get3A_426 : vector<16xf32>
        %mul3A_431 = arith.constant 5.000000e-01 : f32
        %mul3A_432 = vector.broadcast %mul3A_431 : f32 to vector<16xf32>
        %mul3A_433 = arith.mulf %mul3A_432, %min3A_430 : vector<16xf32>
        %sub3A_434 = arith.subf %mul3A_429, %mul3A_433 : vector<16xf32>
        %mul3A_435 = arith.mulf %min3A_430, %sub3A_434 : vector<16xf32>
        %add3A_436 = arith.addf %add3A_413, %mul3A_435 : vector<16xf32>
        %add3A_437 = arith.addf %add3A_414, %mul3A_429 : vector<16xf32>
        %get3A_438 = arith.index_cast %scan3A_299 : i32 to index
        %get3A_439 = arith.constant 96 : index
        %get3A_440 = tpu.vector_load %arg7[%get3A_438, %get3A_439] {strides = array<i32>} : memref<48x384xf32, #tpu.memory_space<vmem>>, vector<1x16xf32>,
        %get3A_441 = vector.shape_cast %get3A_440 : vector<1x16xf32> to vector<16xf32>
        %get3A_442 = arith.index_cast %scan3A_299 : i32 to index
        %get3A_443 = arith.constant 96 : index
        %get3A_444 = tpu.vector_load %arg9[%get3A_442, %get3A_443] {strides = array<i32>} : memref<48x384xf32, #tpu.memory_space<vmem>>, vector<1x16xf32>,
        %get3A_445 = vector.shape_cast %get3A_444 : vector<1x16xf32> to vector<16xf32>
        %get3A_446 = arith.index_cast %scan3A_299 : i32 to index
        %get3A_447 = arith.constant 96 : index
        %get3A_448 = tpu.vector_load %arg10[%get3A_446, %get3A_447] {strides = array<i32>} : memref<48x384xf32, #tpu.memory_space<vmem>>, vector<1x16xf32>,
        %get3A_449 = vector.shape_cast %get3A_448 : vector<1x16xf32> to vector<16xf32>
        %sub3A_450 = arith.subf %get3A_441, %get3A_445 : vector<16xf32>
        %abs3A_451 = math.absf %sub3A_450 : vector<16xf32>
        %mul3A_452 = arith.mulf %abs3A_451, %get3A_449 : vector<16xf32>
        %min3A_453 = arith.minimumf %mul3A_452, %get3A_449 : vector<16xf32>
        %mul3A_454 = arith.constant 5.000000e-01 : f32
        %mul3A_455 = vector.broadcast %mul3A_454 : f32 to vector<16xf32>
        %mul3A_456 = arith.mulf %mul3A_455, %min3A_453 : vector<16xf32>
        %sub3A_457 = arith.subf %mul3A_452, %mul3A_456 : vector<16xf32>
        %mul3A_458 = arith.mulf %min3A_453, %sub3A_457 : vector<16xf32>
        %add3A_459 = arith.addf %add3A_436, %mul3A_458 : vector<16xf32>
        %add3A_460 = arith.addf %add3A_437, %mul3A_452 : vector<16xf32>
        %get3A_461 = arith.index_cast %scan3A_299 : i32 to index
        %get3A_462 = arith.constant 112 : index
        %get3A_463 = tpu.vector_load %arg7[%get3A_461, %get3A_462] {strides = array<i32>} : memref<48x384xf32, #tpu.memory_space<vmem>>, vector<1x16xf32>,
        %get3A_464 = vector.shape_cast %get3A_463 : vector<1x16xf32> to vector<16xf32>
        %get3A_465 = arith.index_cast %scan3A_299 : i32 to index
        %get3A_466 = arith.constant 112 : index
        %get3A_467 = tpu.vector_load %arg9[%get3A_465, %get3A_466] {strides = array<i32>} : memref<48x384xf32, #tpu.memory_space<vmem>>, vector<1x16xf32>,
        %get3A_468 = vector.shape_cast %get3A_467 : vector<1x16xf32> to vector<16xf32>
        %get3A_469 = arith.index_cast %scan3A_299 : i32 to index
        %get3A_470 = arith.constant 112 : index
        %get3A_471 = tpu.vector_load %arg10[%get3A_469, %get3A_470] {strides = array<i32>} : memref<48x384xf32, #tpu.memory_space<vmem>>, vector<1x16xf32>,
        %get3A_472 = vector.shape_cast %get3A_471 : vector<1x16xf32> to vector<16xf32>
        %sub3A_473 = arith.subf %get3A_464, %get3A_468 : vector<16xf32>
        %abs3A_474 = math.absf %sub3A_473 : vector<16xf32>
        %mul3A_475 = arith.mulf %abs3A_474, %get3A_472 : vector<16xf32>
        %min3A_476 = arith.minimumf %mul3A_475, %get3A_472 : vector<16xf32>
        %mul3A_477 = arith.constant 5.000000e-01 : f32
        %mul3A_478 = vector.broadcast %mul3A_477 : f32 to vector<16xf32>
        %mul3A_479 = arith.mulf %mul3A_478, %min3A_476 : vector<16xf32>
        %sub3A_480 = arith.subf %mul3A_475, %mul3A_479 : vector<16xf32>
        %mul3A_481 = arith.mulf %min3A_476, %sub3A_480 : vector<16xf32>
        %add3A_482 = arith.addf %add3A_459, %mul3A_481 : vector<16xf32>
        %add3A_483 = arith.addf %add3A_460, %mul3A_475 : vector<16xf32>
        %get3A_484 = arith.index_cast %scan3A_299 : i32 to index
        %get3A_485 = arith.constant 128 : index
        %get3A_486 = tpu.vector_load %arg7[%get3A_484, %get3A_485] {strides = array<i32>} : memref<48x384xf32, #tpu.memory_space<vmem>>, vector<1x16xf32>,
        %get3A_487 = vector.shape_cast %get3A_486 : vector<1x16xf32> to vector<16xf32>
        %get3A_488 = arith.index_cast %scan3A_299 : i32 to index
        %get3A_489 = arith.constant 128 : index
        %get3A_490 = tpu.vector_load %arg9[%get3A_488, %get3A_489] {strides = array<i32>} : memref<48x384xf32, #tpu.memory_space<vmem>>, vector<1x16xf32>,
        %get3A_491 = vector.shape_cast %get3A_490 : vector<1x16xf32> to vector<16xf32>
        %get3A_492 = arith.index_cast %scan3A_299 : i32 to index
        %get3A_493 = arith.constant 128 : index
        %get3A_494 = tpu.vector_load %arg10[%get3A_492, %get3A_493] {strides = array<i32>} : memref<48x384xf32, #tpu.memory_space<vmem>>, vector<1x16xf32>,
        %get3A_495 = vector.shape_cast %get3A_494 : vector<1x16xf32> to vector<16xf32>
        %sub3A_496 = arith.subf %get3A_487, %get3A_491 : vector<16xf32>
        %abs3A_497 = math.absf %sub3A_496 : vector<16xf32>
        %mul3A_498 = arith.mulf %abs3A_497, %get3A_495 : vector<16xf32>
        %min3A_499 = arith.minimumf %mul3A_498, %get3A_495 : vector<16xf32>
        %mul3A_500 = arith.constant 5.000000e-01 : f32
        %mul3A_501 = vector.broadcast %mul3A_500 : f32 to vector<16xf32>
        %mul3A_502 = arith.mulf %mul3A_501, %min3A_499 : vector<16xf32>
        %sub3A_503 = arith.subf %mul3A_498, %mul3A_502 : vector<16xf32>
        %mul3A_504 = arith.mulf %min3A_499, %sub3A_503 : vector<16xf32>
        %add3A_505 = arith.addf %add3A_482, %mul3A_504 : vector<16xf32>
        %add3A_506 = arith.addf %add3A_483, %mul3A_498 : vector<16xf32>
        %get3A_507 = arith.index_cast %scan3A_299 : i32 to index
        %get3A_508 = arith.constant 144 : index
        %get3A_509 = tpu.vector_load %arg7[%get3A_507, %get3A_508] {strides = array<i32>} : memref<48x384xf32, #tpu.memory_space<vmem>>, vector<1x16xf32>,
        %get3A_510 = vector.shape_cast %get3A_509 : vector<1x16xf32> to vector<16xf32>
        %get3A_511 = arith.index_cast %scan3A_299 : i32 to index
        %get3A_512 = arith.constant 144 : index
        %get3A_513 = tpu.vector_load %arg9[%get3A_511, %get3A_512] {strides = array<i32>} : memref<48x384xf32, #tpu.memory_space<vmem>>, vector<1x16xf32>,
        %get3A_514 = vector.shape_cast %get3A_513 : vector<1x16xf32> to vector<16xf32>
        %get3A_515 = arith.index_cast %scan3A_299 : i32 to index
        %get3A_516 = arith.constant 144 : index
        %get3A_517 = tpu.vector_load %arg10[%get3A_515, %get3A_516] {strides = array<i32>} : memref<48x384xf32, #tpu.memory_space<vmem>>, vector<1x16xf32>,
        %get3A_518 = vector.shape_cast %get3A_517 : vector<1x16xf32> to vector<16xf32>
        %sub3A_519 = arith.subf %get3A_510, %get3A_514 : vector<16xf32>
        %abs3A_520 = math.absf %sub3A_519 : vector<16xf32>
        %mul3A_521 = arith.mulf %abs3A_520, %get3A_518 : vector<16xf32>
        %min3A_522 = arith.minimumf %mul3A_521, %get3A_518 : vector<16xf32>
        %mul3A_523 = arith.constant 5.000000e-01 : f32
        %mul3A_524 = vector.broadcast %mul3A_523 : f32 to vector<16xf32>
        %mul3A_525 = arith.mulf %mul3A_524, %min3A_522 : vector<16xf32>
        %sub3A_526 = arith.subf %mul3A_521, %mul3A_525 : vector<16xf32>
        %mul3A_527 = arith.mulf %min3A_522, %sub3A_526 : vector<16xf32>
        %add3A_528 = arith.addf %add3A_505, %mul3A_527 : vector<16xf32>
        %add3A_529 = arith.addf %add3A_506, %mul3A_521 : vector<16xf32>
        %get3A_530 = arith.index_cast %scan3A_299 : i32 to index
        %get3A_531 = arith.constant 160 : index
        %get3A_532 = tpu.vector_load %arg7[%get3A_530, %get3A_531] {strides = array<i32>} : memref<48x384xf32, #tpu.memory_space<vmem>>, vector<1x16xf32>,
        %get3A_533 = vector.shape_cast %get3A_532 : vector<1x16xf32> to vector<16xf32>
        %get3A_534 = arith.index_cast %scan3A_299 : i32 to index
        %get3A_535 = arith.constant 160 : index
        %get3A_536 = tpu.vector_load %arg9[%get3A_534, %get3A_535] {strides = array<i32>} : memref<48x384xf32, #tpu.memory_space<vmem>>, vector<1x16xf32>,
        %get3A_537 = vector.shape_cast %get3A_536 : vector<1x16xf32> to vector<16xf32>
        %get3A_538 = arith.index_cast %scan3A_299 : i32 to index
        %get3A_539 = arith.constant 160 : index
        %get3A_540 = tpu.vector_load %arg10[%get3A_538, %get3A_539] {strides = array<i32>} : memref<48x384xf32, #tpu.memory_space<vmem>>, vector<1x16xf32>,
        %get3A_541 = vector.shape_cast %get3A_540 : vector<1x16xf32> to vector<16xf32>
        %sub3A_542 = arith.subf %get3A_533, %get3A_537 : vector<16xf32>
        %abs3A_543 = math.absf %sub3A_542 : vector<16xf32>
        %mul3A_544 = arith.mulf %abs3A_543, %get3A_541 : vector<16xf32>
        %min3A_545 = arith.minimumf %mul3A_544, %get3A_541 : vector<16xf32>
        %mul3A_546 = arith.constant 5.000000e-01 : f32
        %mul3A_547 = vector.broadcast %mul3A_546 : f32 to vector<16xf32>
        %mul3A_548 = arith.mulf %mul3A_547, %min3A_545 : vector<16xf32>
        %sub3A_549 = arith.subf %mul3A_544, %mul3A_548 : vector<16xf32>
        %mul3A_550 = arith.mulf %min3A_545, %sub3A_549 : vector<16xf32>
        %add3A_551 = arith.addf %add3A_528, %mul3A_550 : vector<16xf32>
        %add3A_552 = arith.addf %add3A_529, %mul3A_544 : vector<16xf32>
        %get3A_553 = arith.index_cast %scan3A_299 : i32 to index
        %get3A_554 = arith.constant 176 : index
        %get3A_555 = tpu.vector_load %arg7[%get3A_553, %get3A_554] {strides = array<i32>} : memref<48x384xf32, #tpu.memory_space<vmem>>, vector<1x16xf32>,
        %get3A_556 = vector.shape_cast %get3A_555 : vector<1x16xf32> to vector<16xf32>
        %get3A_557 = arith.index_cast %scan3A_299 : i32 to index
        %get3A_558 = arith.constant 176 : index
        %get3A_559 = tpu.vector_load %arg9[%get3A_557, %get3A_558] {strides = array<i32>} : memref<48x384xf32, #tpu.memory_space<vmem>>, vector<1x16xf32>,
        %get3A_560 = vector.shape_cast %get3A_559 : vector<1x16xf32> to vector<16xf32>
        %get3A_561 = arith.index_cast %scan3A_299 : i32 to index
        %get3A_562 = arith.constant 176 : index
        %get3A_563 = tpu.vector_load %arg10[%get3A_561, %get3A_562] {strides = array<i32>} : memref<48x384xf32, #tpu.memory_space<vmem>>, vector<1x16xf32>,
        %get3A_564 = vector.shape_cast %get3A_563 : vector<1x16xf32> to vector<16xf32>
        %sub3A_565 = arith.subf %get3A_556, %get3A_560 : vector<16xf32>
        %abs3A_566 = math.absf %sub3A_565 : vector<16xf32>
        %mul3A_567 = arith.mulf %abs3A_566, %get3A_564 : vector<16xf32>
        %min3A_568 = arith.minimumf %mul3A_567, %get3A_564 : vector<16xf32>
        %mul3A_569 = arith.constant 5.000000e-01 : f32
        %mul3A_570 = vector.broadcast %mul3A_569 : f32 to vector<16xf32>
        %mul3A_571 = arith.mulf %mul3A_570, %min3A_568 : vector<16xf32>
        %sub3A_572 = arith.subf %mul3A_567, %mul3A_571 : vector<16xf32>
        %mul3A_573 = arith.mulf %min3A_568, %sub3A_572 : vector<16xf32>
        %add3A_574 = arith.addf %add3A_551, %mul3A_573 : vector<16xf32>
        %add3A_575 = arith.addf %add3A_552, %mul3A_567 : vector<16xf32>
        %get3A_576 = arith.index_cast %scan3A_299 : i32 to index
        %get3A_577 = arith.constant 192 : index
        %get3A_578 = tpu.vector_load %arg7[%get3A_576, %get3A_577] {strides = array<i32>} : memref<48x384xf32, #tpu.memory_space<vmem>>, vector<1x16xf32>,
        %get3A_579 = vector.shape_cast %get3A_578 : vector<1x16xf32> to vector<16xf32>
        %get3A_580 = arith.index_cast %scan3A_299 : i32 to index
        %get3A_581 = arith.constant 192 : index
        %get3A_582 = tpu.vector_load %arg9[%get3A_580, %get3A_581] {strides = array<i32>} : memref<48x384xf32, #tpu.memory_space<vmem>>, vector<1x16xf32>,
        %get3A_583 = vector.shape_cast %get3A_582 : vector<1x16xf32> to vector<16xf32>
        %get3A_584 = arith.index_cast %scan3A_299 : i32 to index
        %get3A_585 = arith.constant 192 : index
        %get3A_586 = tpu.vector_load %arg10[%get3A_584, %get3A_585] {strides = array<i32>} : memref<48x384xf32, #tpu.memory_space<vmem>>, vector<1x16xf32>,
        %get3A_587 = vector.shape_cast %get3A_586 : vector<1x16xf32> to vector<16xf32>
        %sub3A_588 = arith.subf %get3A_579, %get3A_583 : vector<16xf32>
        %abs3A_589 = math.absf %sub3A_588 : vector<16xf32>
        %mul3A_590 = arith.mulf %abs3A_589, %get3A_587 : vector<16xf32>
        %min3A_591 = arith.minimumf %mul3A_590, %get3A_587 : vector<16xf32>
        %mul3A_592 = arith.constant 5.000000e-01 : f32
        %mul3A_593 = vector.broadcast %mul3A_592 : f32 to vector<16xf32>
        %mul3A_594 = arith.mulf %mul3A_593, %min3A_591 : vector<16xf32>
        %sub3A_595 = arith.subf %mul3A_590, %mul3A_594 : vector<16xf32>
        %mul3A_596 = arith.mulf %min3A_591, %sub3A_595 : vector<16xf32>
        %add3A_597 = arith.addf %add3A_574, %mul3A_596 : vector<16xf32>
        %add3A_598 = arith.addf %add3A_575, %mul3A_590 : vector<16xf32>
        %get3A_599 = arith.index_cast %scan3A_299 : i32 to index
        %get3A_600 = arith.constant 208 : index
        %get3A_601 = tpu.vector_load %arg7[%get3A_599, %get3A_600] {strides = array<i32>} : memref<48x384xf32, #tpu.memory_space<vmem>>, vector<1x16xf32>,
        %get3A_602 = vector.shape_cast %get3A_601 : vector<1x16xf32> to vector<16xf32>
        %get3A_603 = arith.index_cast %scan3A_299 : i32 to index
        %get3A_604 = arith.constant 208 : index
        %get3A_605 = tpu.vector_load %arg9[%get3A_603, %get3A_604] {strides = array<i32>} : memref<48x384xf32, #tpu.memory_space<vmem>>, vector<1x16xf32>,
        %get3A_606 = vector.shape_cast %get3A_605 : vector<1x16xf32> to vector<16xf32>
        %get3A_607 = arith.index_cast %scan3A_299 : i32 to index
        %get3A_608 = arith.constant 208 : index
        %get3A_609 = tpu.vector_load %arg10[%get3A_607, %get3A_608] {strides = array<i32>} : memref<48x384xf32, #tpu.memory_space<vmem>>, vector<1x16xf32>,
        %get3A_610 = vector.shape_cast %get3A_609 : vector<1x16xf32> to vector<16xf32>
        %sub3A_611 = arith.subf %get3A_602, %get3A_606 : vector<16xf32>
        %abs3A_612 = math.absf %sub3A_611 : vector<16xf32>
        %mul3A_613 = arith.mulf %abs3A_612, %get3A_610 : vector<16xf32>
        %min3A_614 = arith.minimumf %mul3A_613, %get3A_610 : vector<16xf32>
        %mul3A_615 = arith.constant 5.000000e-01 : f32
        %mul3A_616 = vector.broadcast %mul3A_615 : f32 to vector<16xf32>
        %mul3A_617 = arith.mulf %mul3A_616, %min3A_614 : vector<16xf32>
        %sub3A_618 = arith.subf %mul3A_613, %mul3A_617 : vector<16xf32>
        %mul3A_619 = arith.mulf %min3A_614, %sub3A_618 : vector<16xf32>
        %add3A_620 = arith.addf %add3A_597, %mul3A_619 : vector<16xf32>
        %add3A_621 = arith.addf %add3A_598, %mul3A_613 : vector<16xf32>
        %get3A_622 = arith.index_cast %scan3A_299 : i32 to index
        %get3A_623 = arith.constant 224 : index
        %get3A_624 = tpu.vector_load %arg7[%get3A_622, %get3A_623] {strides = array<i32>} : memref<48x384xf32, #tpu.memory_space<vmem>>, vector<1x16xf32>,
        %get3A_625 = vector.shape_cast %get3A_624 : vector<1x16xf32> to vector<16xf32>
        %get3A_626 = arith.index_cast %scan3A_299 : i32 to index
        %get3A_627 = arith.constant 224 : index
        %get3A_628 = tpu.vector_load %arg9[%get3A_626, %get3A_627] {strides = array<i32>} : memref<48x384xf32, #tpu.memory_space<vmem>>, vector<1x16xf32>,
        %get3A_629 = vector.shape_cast %get3A_628 : vector<1x16xf32> to vector<16xf32>
        %get3A_630 = arith.index_cast %scan3A_299 : i32 to index
        %get3A_631 = arith.constant 224 : index
        %get3A_632 = tpu.vector_load %arg10[%get3A_630, %get3A_631] {strides = array<i32>} : memref<48x384xf32, #tpu.memory_space<vmem>>, vector<1x16xf32>,
        %get3A_633 = vector.shape_cast %get3A_632 : vector<1x16xf32> to vector<16xf32>
        %sub3A_634 = arith.subf %get3A_625, %get3A_629 : vector<16xf32>
        %abs3A_635 = math.absf %sub3A_634 : vector<16xf32>
        %mul3A_636 = arith.mulf %abs3A_635, %get3A_633 : vector<16xf32>
        %min3A_637 = arith.minimumf %mul3A_636, %get3A_633 : vector<16xf32>
        %mul3A_638 = arith.constant 5.000000e-01 : f32
        %mul3A_639 = vector.broadcast %mul3A_638 : f32 to vector<16xf32>
        %mul3A_640 = arith.mulf %mul3A_639, %min3A_637 : vector<16xf32>
        %sub3A_641 = arith.subf %mul3A_636, %mul3A_640 : vector<16xf32>
        %mul3A_642 = arith.mulf %min3A_637, %sub3A_641 : vector<16xf32>
        %add3A_643 = arith.addf %add3A_620, %mul3A_642 : vector<16xf32>
        %add3A_644 = arith.addf %add3A_621, %mul3A_636 : vector<16xf32>
        %get3A_645 = arith.index_cast %scan3A_299 : i32 to index
        %get3A_646 = arith.constant 240 : index
        %get3A_647 = tpu.vector_load %arg7[%get3A_645, %get3A_646] {strides = array<i32>} : memref<48x384xf32, #tpu.memory_space<vmem>>, vector<1x16xf32>,
        %get3A_648 = vector.shape_cast %get3A_647 : vector<1x16xf32> to vector<16xf32>
        %get3A_649 = arith.index_cast %scan3A_299 : i32 to index
        %get3A_650 = arith.constant 240 : index
        %get3A_651 = tpu.vector_load %arg9[%get3A_649, %get3A_650] {strides = array<i32>} : memref<48x384xf32, #tpu.memory_space<vmem>>, vector<1x16xf32>,
        %get3A_652 = vector.shape_cast %get3A_651 : vector<1x16xf32> to vector<16xf32>
        %get3A_653 = arith.index_cast %scan3A_299 : i32 to index
        %get3A_654 = arith.constant 240 : index
        %get3A_655 = tpu.vector_load %arg10[%get3A_653, %get3A_654] {strides = array<i32>} : memref<48x384xf32, #tpu.memory_space<vmem>>, vector<1x16xf32>,
        %get3A_656 = vector.shape_cast %get3A_655 : vector<1x16xf32> to vector<16xf32>
        %sub3A_657 = arith.subf %get3A_648, %get3A_652 : vector<16xf32>
        %abs3A_658 = math.absf %sub3A_657 : vector<16xf32>
        %mul3A_659 = arith.mulf %abs3A_658, %get3A_656 : vector<16xf32>
        %min3A_660 = arith.minimumf %mul3A_659, %get3A_656 : vector<16xf32>
        %mul3A_661 = arith.constant 5.000000e-01 : f32
        %mul3A_662 = vector.broadcast %mul3A_661 : f32 to vector<16xf32>
        %mul3A_663 = arith.mulf %mul3A_662, %min3A_660 : vector<16xf32>
        %sub3A_664 = arith.subf %mul3A_659, %mul3A_663 : vector<16xf32>
        %mul3A_665 = arith.mulf %min3A_660, %sub3A_664 : vector<16xf32>
        %add3A_666 = arith.addf %add3A_643, %mul3A_665 : vector<16xf32>
        %add3A_667 = arith.addf %add3A_644, %mul3A_659 : vector<16xf32>
        %get3A_668 = arith.index_cast %scan3A_299 : i32 to index
        %get3A_669 = arith.constant 256 : index
        %get3A_670 = tpu.vector_load %arg7[%get3A_668, %get3A_669] {strides = array<i32>} : memref<48x384xf32, #tpu.memory_space<vmem>>, vector<1x16xf32>,
        %get3A_671 = vector.shape_cast %get3A_670 : vector<1x16xf32> to vector<16xf32>
        %get3A_672 = arith.index_cast %scan3A_299 : i32 to index
        %get3A_673 = arith.constant 256 : index
        %get3A_674 = tpu.vector_load %arg9[%get3A_672, %get3A_673] {strides = array<i32>} : memref<48x384xf32, #tpu.memory_space<vmem>>, vector<1x16xf32>,
        %get3A_675 = vector.shape_cast %get3A_674 : vector<1x16xf32> to vector<16xf32>
        %get3A_676 = arith.index_cast %scan3A_299 : i32 to index
        %get3A_677 = arith.constant 256 : index
        %get3A_678 = tpu.vector_load %arg10[%get3A_676, %get3A_677] {strides = array<i32>} : memref<48x384xf32, #tpu.memory_space<vmem>>, vector<1x16xf32>,
        %get3A_679 = vector.shape_cast %get3A_678 : vector<1x16xf32> to vector<16xf32>
        %sub3A_680 = arith.subf %get3A_671, %get3A_675 : vector<16xf32>
        %abs3A_681 = math.absf %sub3A_680 : vector<16xf32>
        %mul3A_682 = arith.mulf %abs3A_681, %get3A_679 : vector<16xf32>
        %min3A_683 = arith.minimumf %mul3A_682, %get3A_679 : vector<16xf32>
        %mul3A_684 = arith.constant 5.000000e-01 : f32
        %mul3A_685 = vector.broadcast %mul3A_684 : f32 to vector<16xf32>
        %mul3A_686 = arith.mulf %mul3A_685, %min3A_683 : vector<16xf32>
        %sub3A_687 = arith.subf %mul3A_682, %mul3A_686 : vector<16xf32>
        %mul3A_688 = arith.mulf %min3A_683, %sub3A_687 : vector<16xf32>
        %add3A_689 = arith.addf %add3A_666, %mul3A_688 : vector<16xf32>
        %add3A_690 = arith.addf %add3A_667, %mul3A_682 : vector<16xf32>
        %get3A_691 = arith.index_cast %scan3A_299 : i32 to index
        %get3A_692 = arith.constant 272 : index
        %get3A_693 = tpu.vector_load %arg7[%get3A_691, %get3A_692] {strides = array<i32>} : memref<48x384xf32, #tpu.memory_space<vmem>>, vector<1x16xf32>,
        %get3A_694 = vector.shape_cast %get3A_693 : vector<1x16xf32> to vector<16xf32>
        %get3A_695 = arith.index_cast %scan3A_299 : i32 to index
        %get3A_696 = arith.constant 272 : index
        %get3A_697 = tpu.vector_load %arg9[%get3A_695, %get3A_696] {strides = array<i32>} : memref<48x384xf32, #tpu.memory_space<vmem>>, vector<1x16xf32>,
        %get3A_698 = vector.shape_cast %get3A_697 : vector<1x16xf32> to vector<16xf32>
        %get3A_699 = arith.index_cast %scan3A_299 : i32 to index
        %get3A_700 = arith.constant 272 : index
        %get3A_701 = tpu.vector_load %arg10[%get3A_699, %get3A_700] {strides = array<i32>} : memref<48x384xf32, #tpu.memory_space<vmem>>, vector<1x16xf32>,
        %get3A_702 = vector.shape_cast %get3A_701 : vector<1x16xf32> to vector<16xf32>
        %sub3A_703 = arith.subf %get3A_694, %get3A_698 : vector<16xf32>
        %abs3A_704 = math.absf %sub3A_703 : vector<16xf32>
        %mul3A_705 = arith.mulf %abs3A_704, %get3A_702 : vector<16xf32>
        %min3A_706 = arith.minimumf %mul3A_705, %get3A_702 : vector<16xf32>
        %mul3A_707 = arith.constant 5.000000e-01 : f32
        %mul3A_708 = vector.broadcast %mul3A_707 : f32 to vector<16xf32>
        %mul3A_709 = arith.mulf %mul3A_708, %min3A_706 : vector<16xf32>
        %sub3A_710 = arith.subf %mul3A_705, %mul3A_709 : vector<16xf32>
        %mul3A_711 = arith.mulf %min3A_706, %sub3A_710 : vector<16xf32>
        %add3A_712 = arith.addf %add3A_689, %mul3A_711 : vector<16xf32>
        %add3A_713 = arith.addf %add3A_690, %mul3A_705 : vector<16xf32>
        %get3A_714 = arith.index_cast %scan3A_299 : i32 to index
        %get3A_715 = arith.constant 288 : index
        %get3A_716 = tpu.vector_load %arg7[%get3A_714, %get3A_715] {strides = array<i32>} : memref<48x384xf32, #tpu.memory_space<vmem>>, vector<1x16xf32>,
        %get3A_717 = vector.shape_cast %get3A_716 : vector<1x16xf32> to vector<16xf32>
        %get3A_718 = arith.index_cast %scan3A_299 : i32 to index
        %get3A_719 = arith.constant 288 : index
        %get3A_720 = tpu.vector_load %arg9[%get3A_718, %get3A_719] {strides = array<i32>} : memref<48x384xf32, #tpu.memory_space<vmem>>, vector<1x16xf32>,
        %get3A_721 = vector.shape_cast %get3A_720 : vector<1x16xf32> to vector<16xf32>
        %get3A_722 = arith.index_cast %scan3A_299 : i32 to index
        %get3A_723 = arith.constant 288 : index
        %get3A_724 = tpu.vector_load %arg10[%get3A_722, %get3A_723] {strides = array<i32>} : memref<48x384xf32, #tpu.memory_space<vmem>>, vector<1x16xf32>,
        %get3A_725 = vector.shape_cast %get3A_724 : vector<1x16xf32> to vector<16xf32>
        %sub3A_726 = arith.subf %get3A_717, %get3A_721 : vector<16xf32>
        %abs3A_727 = math.absf %sub3A_726 : vector<16xf32>
        %mul3A_728 = arith.mulf %abs3A_727, %get3A_725 : vector<16xf32>
        %min3A_729 = arith.minimumf %mul3A_728, %get3A_725 : vector<16xf32>
        %mul3A_730 = arith.constant 5.000000e-01 : f32
        %mul3A_731 = vector.broadcast %mul3A_730 : f32 to vector<16xf32>
        %mul3A_732 = arith.mulf %mul3A_731, %min3A_729 : vector<16xf32>
        %sub3A_733 = arith.subf %mul3A_728, %mul3A_732 : vector<16xf32>
        %mul3A_734 = arith.mulf %min3A_729, %sub3A_733 : vector<16xf32>
        %add3A_735 = arith.addf %add3A_712, %mul3A_734 : vector<16xf32>
        %add3A_736 = arith.addf %add3A_713, %mul3A_728 : vector<16xf32>
        %get3A_737 = arith.index_cast %scan3A_299 : i32 to index
        %get3A_738 = arith.constant 304 : index
        %get3A_739 = tpu.vector_load %arg7[%get3A_737, %get3A_738] {strides = array<i32>} : memref<48x384xf32, #tpu.memory_space<vmem>>, vector<1x16xf32>,
        %get3A_740 = vector.shape_cast %get3A_739 : vector<1x16xf32> to vector<16xf32>
        %get3A_741 = arith.index_cast %scan3A_299 : i32 to index
        %get3A_742 = arith.constant 304 : index
        %get3A_743 = tpu.vector_load %arg9[%get3A_741, %get3A_742] {strides = array<i32>} : memref<48x384xf32, #tpu.memory_space<vmem>>, vector<1x16xf32>,
        %get3A_744 = vector.shape_cast %get3A_743 : vector<1x16xf32> to vector<16xf32>
        %get3A_745 = arith.index_cast %scan3A_299 : i32 to index
        %get3A_746 = arith.constant 304 : index
        %get3A_747 = tpu.vector_load %arg10[%get3A_745, %get3A_746] {strides = array<i32>} : memref<48x384xf32, #tpu.memory_space<vmem>>, vector<1x16xf32>,
        %get3A_748 = vector.shape_cast %get3A_747 : vector<1x16xf32> to vector<16xf32>
        %sub3A_749 = arith.subf %get3A_740, %get3A_744 : vector<16xf32>
        %abs3A_750 = math.absf %sub3A_749 : vector<16xf32>
        %mul3A_751 = arith.mulf %abs3A_750, %get3A_748 : vector<16xf32>
        %min3A_752 = arith.minimumf %mul3A_751, %get3A_748 : vector<16xf32>
        %mul3A_753 = arith.constant 5.000000e-01 : f32
        %mul3A_754 = vector.broadcast %mul3A_753 : f32 to vector<16xf32>
        %mul3A_755 = arith.mulf %mul3A_754, %min3A_752 : vector<16xf32>
        %sub3A_756 = arith.subf %mul3A_751, %mul3A_755 : vector<16xf32>
        %mul3A_757 = arith.mulf %min3A_752, %sub3A_756 : vector<16xf32>
        %add3A_758 = arith.addf %add3A_735, %mul3A_757 : vector<16xf32>
        %add3A_759 = arith.addf %add3A_736, %mul3A_751 : vector<16xf32>
        %get3A_760 = arith.index_cast %scan3A_299 : i32 to index
        %get3A_761 = arith.constant 320 : index
        %get3A_762 = tpu.vector_load %arg7[%get3A_760, %get3A_761] {strides = array<i32>} : memref<48x384xf32, #tpu.memory_space<vmem>>, vector<1x16xf32>,
        %get3A_763 = vector.shape_cast %get3A_762 : vector<1x16xf32> to vector<16xf32>
        %get3A_764 = arith.index_cast %scan3A_299 : i32 to index
        %get3A_765 = arith.constant 320 : index
        %get3A_766 = tpu.vector_load %arg9[%get3A_764, %get3A_765] {strides = array<i32>} : memref<48x384xf32, #tpu.memory_space<vmem>>, vector<1x16xf32>,
        %get3A_767 = vector.shape_cast %get3A_766 : vector<1x16xf32> to vector<16xf32>
        %get3A_768 = arith.index_cast %scan3A_299 : i32 to index
        %get3A_769 = arith.constant 320 : index
        %get3A_770 = tpu.vector_load %arg10[%get3A_768, %get3A_769] {strides = array<i32>} : memref<48x384xf32, #tpu.memory_space<vmem>>, vector<1x16xf32>,
        %get3A_771 = vector.shape_cast %get3A_770 : vector<1x16xf32> to vector<16xf32>
        %sub3A_772 = arith.subf %get3A_763, %get3A_767 : vector<16xf32>
        %abs3A_773 = math.absf %sub3A_772 : vector<16xf32>
        %mul3A_774 = arith.mulf %abs3A_773, %get3A_771 : vector<16xf32>
        %min3A_775 = arith.minimumf %mul3A_774, %get3A_771 : vector<16xf32>
        %mul3A_776 = arith.constant 5.000000e-01 : f32
        %mul3A_777 = vector.broadcast %mul3A_776 : f32 to vector<16xf32>
        %mul3A_778 = arith.mulf %mul3A_777, %min3A_775 : vector<16xf32>
        %sub3A_779 = arith.subf %mul3A_774, %mul3A_778 : vector<16xf32>
        %mul3A_780 = arith.mulf %min3A_775, %sub3A_779 : vector<16xf32>
        %add3A_781 = arith.addf %add3A_758, %mul3A_780 : vector<16xf32>
        %add3A_782 = arith.addf %add3A_759, %mul3A_774 : vector<16xf32>
        %get3A_783 = arith.index_cast %scan3A_299 : i32 to index
        %get3A_784 = arith.constant 336 : index
        %get3A_785 = tpu.vector_load %arg7[%get3A_783, %get3A_784] {strides = array<i32>} : memref<48x384xf32, #tpu.memory_space<vmem>>, vector<1x16xf32>,
        %get3A_786 = vector.shape_cast %get3A_785 : vector<1x16xf32> to vector<16xf32>
        %get3A_787 = arith.index_cast %scan3A_299 : i32 to index
        %get3A_788 = arith.constant 336 : index
        %get3A_789 = tpu.vector_load %arg9[%get3A_787, %get3A_788] {strides = array<i32>} : memref<48x384xf32, #tpu.memory_space<vmem>>, vector<1x16xf32>,
        %get3A_790 = vector.shape_cast %get3A_789 : vector<1x16xf32> to vector<16xf32>
        %get3A_791 = arith.index_cast %scan3A_299 : i32 to index
        %get3A_792 = arith.constant 336 : index
        %get3A_793 = tpu.vector_load %arg10[%get3A_791, %get3A_792] {strides = array<i32>} : memref<48x384xf32, #tpu.memory_space<vmem>>, vector<1x16xf32>,
        %get3A_794 = vector.shape_cast %get3A_793 : vector<1x16xf32> to vector<16xf32>
        %sub3A_795 = arith.subf %get3A_786, %get3A_790 : vector<16xf32>
        %abs3A_796 = math.absf %sub3A_795 : vector<16xf32>
        %mul3A_797 = arith.mulf %abs3A_796, %get3A_794 : vector<16xf32>
        %min3A_798 = arith.minimumf %mul3A_797, %get3A_794 : vector<16xf32>
        %mul3A_799 = arith.constant 5.000000e-01 : f32
        %mul3A_800 = vector.broadcast %mul3A_799 : f32 to vector<16xf32>
        %mul3A_801 = arith.mulf %mul3A_800, %min3A_798 : vector<16xf32>
        %sub3A_802 = arith.subf %mul3A_797, %mul3A_801 : vector<16xf32>
        %mul3A_803 = arith.mulf %min3A_798, %sub3A_802 : vector<16xf32>
        %add3A_804 = arith.addf %add3A_781, %mul3A_803 : vector<16xf32>
        %add3A_805 = arith.addf %add3A_782, %mul3A_797 : vector<16xf32>
        %get3A_806 = arith.index_cast %scan3A_299 : i32 to index
        %get3A_807 = arith.constant 352 : index
        %get3A_808 = tpu.vector_load %arg7[%get3A_806, %get3A_807] {strides = array<i32>} : memref<48x384xf32, #tpu.memory_space<vmem>>, vector<1x16xf32>,
        %get3A_809 = vector.shape_cast %get3A_808 : vector<1x16xf32> to vector<16xf32>
        %get3A_810 = arith.index_cast %scan3A_299 : i32 to index
        %get3A_811 = arith.constant 352 : index
        %get3A_812 = tpu.vector_load %arg9[%get3A_810, %get3A_811] {strides = array<i32>} : memref<48x384xf32, #tpu.memory_space<vmem>>, vector<1x16xf32>,
        %get3A_813 = vector.shape_cast %get3A_812 : vector<1x16xf32> to vector<16xf32>
        %get3A_814 = arith.index_cast %scan3A_299 : i32 to index
        %get3A_815 = arith.constant 352 : index
        %get3A_816 = tpu.vector_load %arg10[%get3A_814, %get3A_815] {strides = array<i32>} : memref<48x384xf32, #tpu.memory_space<vmem>>, vector<1x16xf32>,
        %get3A_817 = vector.shape_cast %get3A_816 : vector<1x16xf32> to vector<16xf32>
        %sub3A_818 = arith.subf %get3A_809, %get3A_813 : vector<16xf32>
        %abs3A_819 = math.absf %sub3A_818 : vector<16xf32>
        %mul3A_820 = arith.mulf %abs3A_819, %get3A_817 : vector<16xf32>
        %min3A_821 = arith.minimumf %mul3A_820, %get3A_817 : vector<16xf32>
        %mul3A_822 = arith.constant 5.000000e-01 : f32
        %mul3A_823 = vector.broadcast %mul3A_822 : f32 to vector<16xf32>
        %mul3A_824 = arith.mulf %mul3A_823, %min3A_821 : vector<16xf32>
        %sub3A_825 = arith.subf %mul3A_820, %mul3A_824 : vector<16xf32>
        %mul3A_826 = arith.mulf %min3A_821, %sub3A_825 : vector<16xf32>
        %add3A_827 = arith.addf %add3A_804, %mul3A_826 : vector<16xf32>
        %add3A_828 = arith.addf %add3A_805, %mul3A_820 : vector<16xf32>
        %get3A_829 = arith.index_cast %scan3A_299 : i32 to index
        %get3A_830 = arith.constant 368 : index
        %get3A_831 = tpu.vector_load %arg7[%get3A_829, %get3A_830] {strides = array<i32>} : memref<48x384xf32, #tpu.memory_space<vmem>>, vector<1x16xf32>,
        %get3A_832 = vector.shape_cast %get3A_831 : vector<1x16xf32> to vector<16xf32>
        %get3A_833 = arith.index_cast %scan3A_299 : i32 to index
        %get3A_834 = arith.constant 368 : index
        %get3A_835 = tpu.vector_load %arg9[%get3A_833, %get3A_834] {strides = array<i32>} : memref<48x384xf32, #tpu.memory_space<vmem>>, vector<1x16xf32>,
        %get3A_836 = vector.shape_cast %get3A_835 : vector<1x16xf32> to vector<16xf32>
        %get3A_837 = arith.index_cast %scan3A_299 : i32 to index
        %get3A_838 = arith.constant 368 : index
        %get3A_839 = tpu.vector_load %arg10[%get3A_837, %get3A_838] {strides = array<i32>} : memref<48x384xf32, #tpu.memory_space<vmem>>, vector<1x16xf32>,
        %get3A_840 = vector.shape_cast %get3A_839 : vector<1x16xf32> to vector<16xf32>
        %sub3A_841 = arith.subf %get3A_832, %get3A_836 : vector<16xf32>
        %abs3A_842 = math.absf %sub3A_841 : vector<16xf32>
        %mul3A_843 = arith.mulf %abs3A_842, %get3A_840 : vector<16xf32>
        %min3A_844 = arith.minimumf %mul3A_843, %get3A_840 : vector<16xf32>
        %mul3A_845 = arith.constant 5.000000e-01 : f32
        %mul3A_846 = vector.broadcast %mul3A_845 : f32 to vector<16xf32>
        %mul3A_847 = arith.mulf %mul3A_846, %min3A_844 : vector<16xf32>
        %sub3A_848 = arith.subf %mul3A_843, %mul3A_847 : vector<16xf32>
        %mul3A_849 = arith.mulf %min3A_844, %sub3A_848 : vector<16xf32>
        %add3A_850 = arith.addf %add3A_827, %mul3A_849 : vector<16xf32>
        %add3A_851 = arith.addf %add3A_828, %mul3A_843 : vector<16xf32>
        scf.yield %add3A_850, %add3A_851 : vector<16xf32>, vector<16xf32>
      }
      %scan3A_267 = arith.constant 48 : i32
      %get3A_268 = arith.constant 0 : i32
      %get3A_269 = arith.index_cast %get3A_268 : i32 to index
      %get3A_270 = arith.constant 0 : index
      %get3A_271 = tpu.vector_load %arg11[%get3A_269, %get3A_270] {strides = array<i32>} : memref<2x16xf32, #tpu.memory_space<vmem>>, vector<1x16xf32>,
      %get3A_272 = vector.shape_cast %get3A_271 : vector<1x16xf32> to vector<16xf32>
      %add3A_273 = arith.addf %get3A_272, %scan3A_266#0 : vector<16xf32>
      %swap3A_274 = arith.constant 0 : i32
      %swap3A_275 = arith.index_cast %swap3A_274 : i32 to index
      %swap3A_276 = arith.constant 0 : index
      %swap3A_277 = tpu.vector_load %arg11[%swap3A_275, %swap3A_276] {strides = array<i32>} : memref<2x16xf32, #tpu.memory_space<vmem>>, vector<1x16xf32>,
      %swap3A_278 = vector.shape_cast %swap3A_277 : vector<1x16xf32> to vector<16xf32>
      %swap3A_279 = vector.shape_cast %add3A_273 : vector<16xf32> to vector<1x16xf32>
      tpu.vector_store %arg11[%swap3A_275, %swap3A_276], %swap3A_279 {strides = array<i32>} : memref<2x16xf32, #tpu.memory_space<vmem>>, vector<1x16xf32>,
      %get3A_280 = arith.constant 1 : i32
      %get3A_281 = arith.index_cast %get3A_280 : i32 to index
      %get3A_282 = arith.constant 0 : index
      %get3A_283 = tpu.vector_load %arg11[%get3A_281, %get3A_282] {strides = array<i32>} : memref<2x16xf32, #tpu.memory_space<vmem>>, vector<1x16xf32>,
      %get3A_284 = vector.shape_cast %get3A_283 : vector<1x16xf32> to vector<16xf32>
      %add3A_285 = arith.addf %get3A_284, %scan3A_266#1 : vector<16xf32>
      %swap3A_286 = arith.constant 1 : i32
      %swap3A_287 = arith.index_cast %swap3A_286 : i32 to index
      %swap3A_288 = arith.constant 0 : index
      %swap3A_289 = tpu.vector_load %arg11[%swap3A_287, %swap3A_288] {strides = array<i32>} : memref<2x16xf32, #tpu.memory_space<vmem>>, vector<1x16xf32>,
      %swap3A_290 = vector.shape_cast %swap3A_289 : vector<1x16xf32> to vector<16xf32>
      %swap3A_291 = vector.shape_cast %add3A_285 : vector<16xf32> to vector<1x16xf32>
      tpu.vector_store %arg11[%swap3A_287, %swap3A_288], %swap3A_291 {strides = array<i32>} : memref<2x16xf32, #tpu.memory_space<vmem>>, vector<1x16xf32>,
      %add3A_292 = arith.constant 2 : i32
      %add3A_293 = arith.addi %add3A_196, %add3A_292 : i32
      %lt3A_294 = arith.constant 8 : i32
      %lt3A_295 = arith.cmpi slt, %add3A_293, %lt3A_294 : i32
      %convert_element_type3A_296 = arith.extui %lt3A_295 : i1 to i32
      %cond3A_297 = arith.constant 0 : i32
      %cond3A_298 = arith.cmpi ne, %convert_element_type3A_296, %cond3A_297 : i32
      scf.if %cond3A_298 {
        %add3A_299 = arith.constant 2 : i32
        %add3A_300 = arith.addi %add3A_196, %add3A_299 : i32
        %jit3A_301 = arith.constant 1 : i32
        %div3A_302 = arith.divsi %add3A_300, %jit3A_301 : i32
        %sign3A_303 = arith.constant 0 : i32
        %sign3A_304 = arith.cmpi sgt, %add3A_300, %sign3A_303 : i32
        %sign3A_305 = arith.extui %sign3A_304 : i1 to i32
        %sign3A_306 = arith.constant 0 : i32
        %sign3A_307 = arith.cmpi slt, %add3A_300, %sign3A_306 : i32
        %sign3A_308 = arith.extui %sign3A_307 : i1 to i32
        %sign3A_309 = arith.subi %sign3A_305, %sign3A_308 : i32
        %sign3A_310 = arith.constant 0 : i32
        %sign3A_311 = arith.cmpi sgt, %jit3A_301, %sign3A_310 : i32
        %sign3A_312 = arith.extui %sign3A_311 : i1 to i32
        %sign3A_313 = arith.constant 0 : i32
        %sign3A_314 = arith.cmpi slt, %jit3A_301, %sign3A_313 : i32
        %sign3A_315 = arith.extui %sign3A_314 : i1 to i32
        %sign3A_316 = arith.subi %sign3A_312, %sign3A_315 : i32
        %ne3A_317 = arith.cmpi ne, %sign3A_309, %sign3A_316 : i32
        %rem3A_318 = arith.remsi %add3A_300, %jit3A_301 : i32
        %ne3A_319 = arith.constant 0 : i32
        %ne3A_320 = arith.cmpi ne, %rem3A_318, %ne3A_319 : i32
        %and3A_321 = arith.andi %ne3A_317, %ne3A_320 : i1
        %sub3A_322 = arith.constant 1 : i32
        %sub3A_323 = arith.subi %div3A_302, %sub3A_322 : i32
        %select_n3A_324 = arith.select %and3A_321, %sub3A_323, %div3A_302 : i32
        %mul3A_325 = arith.constant 1 : i32
        %mul3A_326 = arith.muli %select_n3A_324, %mul3A_325 : i32
        %sub3A_327 = arith.subi %add3A_300, %mul3A_326 : i32
        %add3A_328 = arith.addi %add3A_37, %sub3A_327 : i32
        %mul3A_329 = arith.constant 48 : i32
        %mul3A_330 = arith.muli %select_n3A_324, %mul3A_329 : i32
        %dma_start3A_331 = arith.constant 0 : i32
        %dma_start3A_332 = tpu.memref_slice %arg2[%add3A_328, %mul3A_330, %dma_start3A_331] : memref<384x384x384xf32, #tpu.memory_space<hbm>> -> memref<1x48x384xf32, #tpu.memory_space<hbm>>
        %dma_start3A_333 = tpu.memref_squeeze %dma_start3A_332 : memref<1x48x384xf32, #tpu.memory_space<hbm>> -> memref<48x384xf32, #tpu.memory_space<hbm>>
        %dma_start3A_334 = arith.constant 0 : i32
        %dma_start3A_335 = tpu.memref_slice %arg2[%add3A_328, %mul3A_330, %dma_start3A_334] : memref<384x384x384xf32, #tpu.memory_space<hbm>> -> memref<1x48x384xf32, #tpu.memory_space<hbm>>
        %dma_start3A_336 = tpu.memref_squeeze %dma_start3A_335 : memref<1x48x384xf32, #tpu.memory_space<hbm>> -> memref<48x384xf32, #tpu.memory_space<hbm>>
        tpu.enqueue_dma source(%dma_start3A_336 : memref<48x384xf32, #tpu.memory_space<hbm>>) target(%arg7 : memref<48x384xf32, #tpu.memory_space<vmem>>) target_semaphore(%arg13 : memref<!tpu.dma_semaphore, #tpu.memory_space<semaphore_mem>>)
        %dma_start3A_337 = arith.constant 0 : i32
        %dma_start3A_338 = tpu.memref_slice %arg3[%add3A_328, %mul3A_330, %dma_start3A_337] : memref<384x384x384xf32, #tpu.memory_space<hbm>> -> memref<1x48x384xf32, #tpu.memory_space<hbm>>
        %dma_start3A_339 = tpu.memref_squeeze %dma_start3A_338 : memref<1x48x384xf32, #tpu.memory_space<hbm>> -> memref<48x384xf32, #tpu.memory_space<hbm>>
        %dma_start3A_340 = arith.constant 0 : i32
        %dma_start3A_341 = tpu.memref_slice %arg3[%add3A_328, %mul3A_330, %dma_start3A_340] : memref<384x384x384xf32, #tpu.memory_space<hbm>> -> memref<1x48x384xf32, #tpu.memory_space<hbm>>
        %dma_start3A_342 = tpu.memref_squeeze %dma_start3A_341 : memref<1x48x384xf32, #tpu.memory_space<hbm>> -> memref<48x384xf32, #tpu.memory_space<hbm>>
        tpu.enqueue_dma source(%dma_start3A_342 : memref<48x384xf32, #tpu.memory_space<hbm>>) target(%arg9 : memref<48x384xf32, #tpu.memory_space<vmem>>) target_semaphore(%arg15 : memref<!tpu.dma_semaphore, #tpu.memory_space<semaphore_mem>>)
      } else {
      }
    }
    %scan3A_91 = arith.constant 4 : i32
    "tpu.region"() ({
      %run_scoped3A = tpu.sem_alloc : memref<!tpu.dma_semaphore, #tpu.memory_space<semaphore_mem>>
      %dma_start3A_92 = arith.constant 0 : i32
      %dma_start3A_93 = arith.constant 0 : i32
      %dma_start3A_94 = tpu.memref_slice %arg5[%add3A, %dma_start3A_92, %dma_start3A_93] : memref<32x2x16xf32, #tpu.memory_space<hbm>> -> memref<1x2x16xf32, #tpu.memory_space<hbm>>
      %dma_start3A_95 = tpu.memref_squeeze %dma_start3A_94 : memref<1x2x16xf32, #tpu.memory_space<hbm>> -> memref<2x16xf32, #tpu.memory_space<hbm>>
      %dma_start3A_96 = arith.constant 0 : i32
      %dma_start3A_97 = arith.constant 0 : i32
      %dma_start3A_98 = tpu.memref_slice %arg5[%add3A, %dma_start3A_96, %dma_start3A_97] : memref<32x2x16xf32, #tpu.memory_space<hbm>> -> memref<1x2x16xf32, #tpu.memory_space<hbm>>
      %dma_start3A_99 = tpu.memref_squeeze %dma_start3A_98 : memref<1x2x16xf32, #tpu.memory_space<hbm>> -> memref<2x16xf32, #tpu.memory_space<hbm>>
      tpu.enqueue_dma source(%arg11 : memref<2x16xf32, #tpu.memory_space<vmem>>) target(%dma_start3A_99 : memref<2x16xf32, #tpu.memory_space<hbm>>) target_semaphore(%run_scoped3A : memref<!tpu.dma_semaphore, #tpu.memory_space<semaphore_mem>>)
      %dma_wait3A = arith.constant 0 : i32
      %dma_wait3A_100 = arith.constant 0 : i32
      %dma_wait3A_101 = tpu.memref_slice %arg5[%add3A, %dma_wait3A, %dma_wait3A_100] : memref<32x2x16xf32, #tpu.memory_space<hbm>> -> memref<1x2x16xf32, #tpu.memory_space<hbm>>
      %dma_wait3A_102 = tpu.memref_squeeze %dma_wait3A_101 : memref<1x2x16xf32, #tpu.memory_space<hbm>> -> memref<2x16xf32, #tpu.memory_space<hbm>>
      %dma_wait3A_103 = arith.constant 0 : i32
      %dma_wait3A_104 = arith.constant 0 : i32
      %dma_wait3A_105 = tpu.memref_slice %arg5[%add3A, %dma_wait3A_103, %dma_wait3A_104] : memref<32x2x16xf32, #tpu.memory_space<hbm>> -> memref<1x2x16xf32, #tpu.memory_space<hbm>>
      %dma_wait3A_106 = tpu.memref_squeeze %dma_wait3A_105 : memref<1x2x16xf32, #tpu.memory_space<hbm>> -> memref<2x16xf32, #tpu.memory_space<hbm>>
      tpu.wait_dma2 semaphore(%run_scoped3A : memref<!tpu.dma_semaphore, #tpu.memory_space<semaphore_mem>>) src(%arg11 : memref<2x16xf32, #tpu.memory_space<vmem>>) dst(%dma_wait3A_106 : memref<2x16xf32, #tpu.memory_space<hbm>>)
      tpu.yield
    }) : () -> ()
    return
  }
}

module attributes {stable_mosaic.version = 14 : i64} {
  func.func @_tc_body(%arg0: i32, %arg1: i32, %arg2: memref<8x384x384xf32, #tpu.memory_space<vmem>>, %arg3: memref<8x384x384xf32, #tpu.memory_space<vmem>>, %arg4: memref<1x384x384xf32, #tpu.memory_space<vmem>>, %arg5: memref<3xf32, #tpu.memory_space<smem>>) attributes {dimension_semantics = [#tpu.dimension_semantics<arbitrary>, #tpu.dimension_semantics<arbitrary>], iteration_bounds = array<i64: 4, 11>, scalar_prefetch = 0 : i64, scratch_operands = 0 : i64, tpu.core_type = #tpu.core_type<tc>, window_params = [{transform_indices = @transform_0, window_bounds = array<i64: 8, 384, 384>}, {transform_indices = @transform_1, window_bounds = array<i64: 8, 384, 384>}, {transform_indices = @transform_2, window_bounds = array<i64: 1, 384, 384>}, {transform_indices = @transform_3, window_bounds = array<i64: 3>}]} {
    %eq3A = arith.constant 0 : i32
    %eq3A_0 = arith.cmpi eq, %arg0, %eq3A : i32
    %eq3A_1 = arith.constant 0 : i32
    %eq3A_2 = arith.cmpi eq, %arg1, %eq3A_1 : i32
    %and3A = arith.andi %eq3A_0, %eq3A_2 : i1
    %convert_element_type3A = arith.extui %and3A : i1 to i32
    %cond3A = arith.constant 0 : i32
    %cond3A_3 = arith.cmpi ne, %convert_element_type3A, %cond3A : i32
    scf.if %cond3A_3 {
      %swap3A_31 = arith.constant 0.000000e+00 : f32
      %swap3A_32 = arith.constant 0 : index
      %swap3A_33 = memref.load %arg5[%swap3A_32] : memref<3xf32, #tpu.memory_space<smem>>
      memref.store %swap3A_31, %arg5[%swap3A_32] : memref<3xf32, #tpu.memory_space<smem>>
      %swap3A_34 = arith.constant 0.000000e+00 : f32
      %swap3A_35 = arith.constant 1 : index
      %swap3A_36 = memref.load %arg5[%swap3A_35] : memref<3xf32, #tpu.memory_space<smem>>
      memref.store %swap3A_34, %arg5[%swap3A_35] : memref<3xf32, #tpu.memory_space<smem>>
      %swap3A_37 = arith.constant 0.000000e+00 : f32
      %swap3A_38 = arith.constant 2 : index
      %swap3A_39 = memref.load %arg5[%swap3A_38] : memref<3xf32, #tpu.memory_space<smem>>
      memref.store %swap3A_37, %arg5[%swap3A_38] : memref<3xf32, #tpu.memory_space<smem>>
    } else {
    }
    %broadcast_in_dim3A = arith.constant 0.000000e+00 : f32
    %broadcast_in_dim3A_4 = vector.broadcast %broadcast_in_dim3A : f32 to vector<16x384xf32>
    %scan3A = arith.constant 0 : i32
    %scan3A_5 = arith.constant 24 : i32
    %scan3A_6 = arith.addi %scan3A, %scan3A_5 : i32
    %scan3A_7 = arith.constant 1 : i32
    %scan3A_8:2 = scf.for %scan3A_31 = %scan3A to %scan3A_6 step %scan3A_7 iter_args(%scan3A_32 = %broadcast_in_dim3A_4, %scan3A_33 = %broadcast_in_dim3A_4) -> (vector<16x384xf32>, vector<16x384xf32>)  : i32 {
      %mul3A = arith.constant 16 : i32
      %mul3A_34 = arith.muli %scan3A_31, %mul3A : i32
      %get3A_35 = arith.constant 0 : index
      %get3A_36 = arith.index_cast %mul3A_34 : i32 to index
      %get3A_37 = arith.constant 0 : index
      %get3A_38 = vector.load %arg4[%get3A_35, %get3A_36, %get3A_37] : memref<1x384x384xf32, #tpu.memory_space<vmem>>, vector<1x16x384xf32>
      %get3A_39 = vector.shape_cast %get3A_38 : vector<1x16x384xf32> to vector<16x384xf32>
      %get3A_40 = arith.constant 0 : index
      %get3A_41 = arith.index_cast %mul3A_34 : i32 to index
      %get3A_42 = arith.constant 0 : index
      %get3A_43 = vector.load %arg2[%get3A_40, %get3A_41, %get3A_42] : memref<8x384x384xf32, #tpu.memory_space<vmem>>, vector<1x16x384xf32>
      %get3A_44 = vector.shape_cast %get3A_43 : vector<1x16x384xf32> to vector<16x384xf32>
      %get3A_45 = arith.constant 0 : index
      %get3A_46 = arith.index_cast %mul3A_34 : i32 to index
      %get3A_47 = arith.constant 0 : index
      %get3A_48 = vector.load %arg3[%get3A_45, %get3A_46, %get3A_47] : memref<8x384x384xf32, #tpu.memory_space<vmem>>, vector<1x16x384xf32>
      %get3A_49 = vector.shape_cast %get3A_48 : vector<1x16x384xf32> to vector<16x384xf32>
      %sub3A = arith.subf %get3A_44, %get3A_49 : vector<16x384xf32>
      %abs3A = math.absf %sub3A : vector<16x384xf32>
      %mul3A_50 = arith.mulf %abs3A, %get3A_39 : vector<16x384xf32>
      %min3A = arith.minimumf %mul3A_50, %get3A_39 : vector<16x384xf32>
      %mul3A_51 = arith.constant 5.000000e-01 : f32
      %mul3A_52 = vector.broadcast %mul3A_51 : f32 to vector<16x384xf32>
      %mul3A_53 = arith.mulf %mul3A_52, %min3A : vector<16x384xf32>
      %sub3A_54 = arith.subf %mul3A_50, %mul3A_53 : vector<16x384xf32>
      %mul3A_55 = arith.mulf %min3A, %sub3A_54 : vector<16x384xf32>
      %add3A_56 = arith.addf %scan3A_32, %mul3A_55 : vector<16x384xf32>
      %add3A_57 = arith.addf %scan3A_33, %mul3A_50 : vector<16x384xf32>
      %get3A_58 = arith.constant 1 : index
      %get3A_59 = arith.index_cast %mul3A_34 : i32 to index
      %get3A_60 = arith.constant 0 : index
      %get3A_61 = vector.load %arg2[%get3A_58, %get3A_59, %get3A_60] : memref<8x384x384xf32, #tpu.memory_space<vmem>>, vector<1x16x384xf32>
      %get3A_62 = vector.shape_cast %get3A_61 : vector<1x16x384xf32> to vector<16x384xf32>
      %get3A_63 = arith.constant 1 : index
      %get3A_64 = arith.index_cast %mul3A_34 : i32 to index
      %get3A_65 = arith.constant 0 : index
      %get3A_66 = vector.load %arg3[%get3A_63, %get3A_64, %get3A_65] : memref<8x384x384xf32, #tpu.memory_space<vmem>>, vector<1x16x384xf32>
      %get3A_67 = vector.shape_cast %get3A_66 : vector<1x16x384xf32> to vector<16x384xf32>
      %sub3A_68 = arith.subf %get3A_62, %get3A_67 : vector<16x384xf32>
      %abs3A_69 = math.absf %sub3A_68 : vector<16x384xf32>
      %mul3A_70 = arith.mulf %abs3A_69, %get3A_39 : vector<16x384xf32>
      %min3A_71 = arith.minimumf %mul3A_70, %get3A_39 : vector<16x384xf32>
      %mul3A_72 = arith.constant 5.000000e-01 : f32
      %mul3A_73 = vector.broadcast %mul3A_72 : f32 to vector<16x384xf32>
      %mul3A_74 = arith.mulf %mul3A_73, %min3A_71 : vector<16x384xf32>
      %sub3A_75 = arith.subf %mul3A_70, %mul3A_74 : vector<16x384xf32>
      %mul3A_76 = arith.mulf %min3A_71, %sub3A_75 : vector<16x384xf32>
      %add3A_77 = arith.addf %add3A_56, %mul3A_76 : vector<16x384xf32>
      %add3A_78 = arith.addf %add3A_57, %mul3A_70 : vector<16x384xf32>
      %get3A_79 = arith.constant 2 : index
      %get3A_80 = arith.index_cast %mul3A_34 : i32 to index
      %get3A_81 = arith.constant 0 : index
      %get3A_82 = vector.load %arg2[%get3A_79, %get3A_80, %get3A_81] : memref<8x384x384xf32, #tpu.memory_space<vmem>>, vector<1x16x384xf32>
      %get3A_83 = vector.shape_cast %get3A_82 : vector<1x16x384xf32> to vector<16x384xf32>
      %get3A_84 = arith.constant 2 : index
      %get3A_85 = arith.index_cast %mul3A_34 : i32 to index
      %get3A_86 = arith.constant 0 : index
      %get3A_87 = vector.load %arg3[%get3A_84, %get3A_85, %get3A_86] : memref<8x384x384xf32, #tpu.memory_space<vmem>>, vector<1x16x384xf32>
      %get3A_88 = vector.shape_cast %get3A_87 : vector<1x16x384xf32> to vector<16x384xf32>
      %sub3A_89 = arith.subf %get3A_83, %get3A_88 : vector<16x384xf32>
      %abs3A_90 = math.absf %sub3A_89 : vector<16x384xf32>
      %mul3A_91 = arith.mulf %abs3A_90, %get3A_39 : vector<16x384xf32>
      %min3A_92 = arith.minimumf %mul3A_91, %get3A_39 : vector<16x384xf32>
      %mul3A_93 = arith.constant 5.000000e-01 : f32
      %mul3A_94 = vector.broadcast %mul3A_93 : f32 to vector<16x384xf32>
      %mul3A_95 = arith.mulf %mul3A_94, %min3A_92 : vector<16x384xf32>
      %sub3A_96 = arith.subf %mul3A_91, %mul3A_95 : vector<16x384xf32>
      %mul3A_97 = arith.mulf %min3A_92, %sub3A_96 : vector<16x384xf32>
      %add3A_98 = arith.addf %add3A_77, %mul3A_97 : vector<16x384xf32>
      %add3A_99 = arith.addf %add3A_78, %mul3A_91 : vector<16x384xf32>
      %get3A_100 = arith.constant 3 : index
      %get3A_101 = arith.index_cast %mul3A_34 : i32 to index
      %get3A_102 = arith.constant 0 : index
      %get3A_103 = vector.load %arg2[%get3A_100, %get3A_101, %get3A_102] : memref<8x384x384xf32, #tpu.memory_space<vmem>>, vector<1x16x384xf32>
      %get3A_104 = vector.shape_cast %get3A_103 : vector<1x16x384xf32> to vector<16x384xf32>
      %get3A_105 = arith.constant 3 : index
      %get3A_106 = arith.index_cast %mul3A_34 : i32 to index
      %get3A_107 = arith.constant 0 : index
      %get3A_108 = vector.load %arg3[%get3A_105, %get3A_106, %get3A_107] : memref<8x384x384xf32, #tpu.memory_space<vmem>>, vector<1x16x384xf32>
      %get3A_109 = vector.shape_cast %get3A_108 : vector<1x16x384xf32> to vector<16x384xf32>
      %sub3A_110 = arith.subf %get3A_104, %get3A_109 : vector<16x384xf32>
      %abs3A_111 = math.absf %sub3A_110 : vector<16x384xf32>
      %mul3A_112 = arith.mulf %abs3A_111, %get3A_39 : vector<16x384xf32>
      %min3A_113 = arith.minimumf %mul3A_112, %get3A_39 : vector<16x384xf32>
      %mul3A_114 = arith.constant 5.000000e-01 : f32
      %mul3A_115 = vector.broadcast %mul3A_114 : f32 to vector<16x384xf32>
      %mul3A_116 = arith.mulf %mul3A_115, %min3A_113 : vector<16x384xf32>
      %sub3A_117 = arith.subf %mul3A_112, %mul3A_116 : vector<16x384xf32>
      %mul3A_118 = arith.mulf %min3A_113, %sub3A_117 : vector<16x384xf32>
      %add3A_119 = arith.addf %add3A_98, %mul3A_118 : vector<16x384xf32>
      %add3A_120 = arith.addf %add3A_99, %mul3A_112 : vector<16x384xf32>
      %get3A_121 = arith.constant 4 : index
      %get3A_122 = arith.index_cast %mul3A_34 : i32 to index
      %get3A_123 = arith.constant 0 : index
      %get3A_124 = vector.load %arg2[%get3A_121, %get3A_122, %get3A_123] : memref<8x384x384xf32, #tpu.memory_space<vmem>>, vector<1x16x384xf32>
      %get3A_125 = vector.shape_cast %get3A_124 : vector<1x16x384xf32> to vector<16x384xf32>
      %get3A_126 = arith.constant 4 : index
      %get3A_127 = arith.index_cast %mul3A_34 : i32 to index
      %get3A_128 = arith.constant 0 : index
      %get3A_129 = vector.load %arg3[%get3A_126, %get3A_127, %get3A_128] : memref<8x384x384xf32, #tpu.memory_space<vmem>>, vector<1x16x384xf32>
      %get3A_130 = vector.shape_cast %get3A_129 : vector<1x16x384xf32> to vector<16x384xf32>
      %sub3A_131 = arith.subf %get3A_125, %get3A_130 : vector<16x384xf32>
      %abs3A_132 = math.absf %sub3A_131 : vector<16x384xf32>
      %mul3A_133 = arith.mulf %abs3A_132, %get3A_39 : vector<16x384xf32>
      %min3A_134 = arith.minimumf %mul3A_133, %get3A_39 : vector<16x384xf32>
      %mul3A_135 = arith.constant 5.000000e-01 : f32
      %mul3A_136 = vector.broadcast %mul3A_135 : f32 to vector<16x384xf32>
      %mul3A_137 = arith.mulf %mul3A_136, %min3A_134 : vector<16x384xf32>
      %sub3A_138 = arith.subf %mul3A_133, %mul3A_137 : vector<16x384xf32>
      %mul3A_139 = arith.mulf %min3A_134, %sub3A_138 : vector<16x384xf32>
      %add3A_140 = arith.addf %add3A_119, %mul3A_139 : vector<16x384xf32>
      %add3A_141 = arith.addf %add3A_120, %mul3A_133 : vector<16x384xf32>
      %get3A_142 = arith.constant 5 : index
      %get3A_143 = arith.index_cast %mul3A_34 : i32 to index
      %get3A_144 = arith.constant 0 : index
      %get3A_145 = vector.load %arg2[%get3A_142, %get3A_143, %get3A_144] : memref<8x384x384xf32, #tpu.memory_space<vmem>>, vector<1x16x384xf32>
      %get3A_146 = vector.shape_cast %get3A_145 : vector<1x16x384xf32> to vector<16x384xf32>
      %get3A_147 = arith.constant 5 : index
      %get3A_148 = arith.index_cast %mul3A_34 : i32 to index
      %get3A_149 = arith.constant 0 : index
      %get3A_150 = vector.load %arg3[%get3A_147, %get3A_148, %get3A_149] : memref<8x384x384xf32, #tpu.memory_space<vmem>>, vector<1x16x384xf32>
      %get3A_151 = vector.shape_cast %get3A_150 : vector<1x16x384xf32> to vector<16x384xf32>
      %sub3A_152 = arith.subf %get3A_146, %get3A_151 : vector<16x384xf32>
      %abs3A_153 = math.absf %sub3A_152 : vector<16x384xf32>
      %mul3A_154 = arith.mulf %abs3A_153, %get3A_39 : vector<16x384xf32>
      %min3A_155 = arith.minimumf %mul3A_154, %get3A_39 : vector<16x384xf32>
      %mul3A_156 = arith.constant 5.000000e-01 : f32
      %mul3A_157 = vector.broadcast %mul3A_156 : f32 to vector<16x384xf32>
      %mul3A_158 = arith.mulf %mul3A_157, %min3A_155 : vector<16x384xf32>
      %sub3A_159 = arith.subf %mul3A_154, %mul3A_158 : vector<16x384xf32>
      %mul3A_160 = arith.mulf %min3A_155, %sub3A_159 : vector<16x384xf32>
      %add3A_161 = arith.addf %add3A_140, %mul3A_160 : vector<16x384xf32>
      %add3A_162 = arith.addf %add3A_141, %mul3A_154 : vector<16x384xf32>
      %get3A_163 = arith.constant 6 : index
      %get3A_164 = arith.index_cast %mul3A_34 : i32 to index
      %get3A_165 = arith.constant 0 : index
      %get3A_166 = vector.load %arg2[%get3A_163, %get3A_164, %get3A_165] : memref<8x384x384xf32, #tpu.memory_space<vmem>>, vector<1x16x384xf32>
      %get3A_167 = vector.shape_cast %get3A_166 : vector<1x16x384xf32> to vector<16x384xf32>
      %get3A_168 = arith.constant 6 : index
      %get3A_169 = arith.index_cast %mul3A_34 : i32 to index
      %get3A_170 = arith.constant 0 : index
      %get3A_171 = vector.load %arg3[%get3A_168, %get3A_169, %get3A_170] : memref<8x384x384xf32, #tpu.memory_space<vmem>>, vector<1x16x384xf32>
      %get3A_172 = vector.shape_cast %get3A_171 : vector<1x16x384xf32> to vector<16x384xf32>
      %sub3A_173 = arith.subf %get3A_167, %get3A_172 : vector<16x384xf32>
      %abs3A_174 = math.absf %sub3A_173 : vector<16x384xf32>
      %mul3A_175 = arith.mulf %abs3A_174, %get3A_39 : vector<16x384xf32>
      %min3A_176 = arith.minimumf %mul3A_175, %get3A_39 : vector<16x384xf32>
      %mul3A_177 = arith.constant 5.000000e-01 : f32
      %mul3A_178 = vector.broadcast %mul3A_177 : f32 to vector<16x384xf32>
      %mul3A_179 = arith.mulf %mul3A_178, %min3A_176 : vector<16x384xf32>
      %sub3A_180 = arith.subf %mul3A_175, %mul3A_179 : vector<16x384xf32>
      %mul3A_181 = arith.mulf %min3A_176, %sub3A_180 : vector<16x384xf32>
      %add3A_182 = arith.addf %add3A_161, %mul3A_181 : vector<16x384xf32>
      %add3A_183 = arith.addf %add3A_162, %mul3A_175 : vector<16x384xf32>
      %get3A_184 = arith.constant 7 : index
      %get3A_185 = arith.index_cast %mul3A_34 : i32 to index
      %get3A_186 = arith.constant 0 : index
      %get3A_187 = vector.load %arg2[%get3A_184, %get3A_185, %get3A_186] : memref<8x384x384xf32, #tpu.memory_space<vmem>>, vector<1x16x384xf32>
      %get3A_188 = vector.shape_cast %get3A_187 : vector<1x16x384xf32> to vector<16x384xf32>
      %get3A_189 = arith.constant 7 : index
      %get3A_190 = arith.index_cast %mul3A_34 : i32 to index
      %get3A_191 = arith.constant 0 : index
      %get3A_192 = vector.load %arg3[%get3A_189, %get3A_190, %get3A_191] : memref<8x384x384xf32, #tpu.memory_space<vmem>>, vector<1x16x384xf32>
      %get3A_193 = vector.shape_cast %get3A_192 : vector<1x16x384xf32> to vector<16x384xf32>
      %sub3A_194 = arith.subf %get3A_188, %get3A_193 : vector<16x384xf32>
      %abs3A_195 = math.absf %sub3A_194 : vector<16x384xf32>
      %mul3A_196 = arith.mulf %abs3A_195, %get3A_39 : vector<16x384xf32>
      %min3A_197 = arith.minimumf %mul3A_196, %get3A_39 : vector<16x384xf32>
      %mul3A_198 = arith.constant 5.000000e-01 : f32
      %mul3A_199 = vector.broadcast %mul3A_198 : f32 to vector<16x384xf32>
      %mul3A_200 = arith.mulf %mul3A_199, %min3A_197 : vector<16x384xf32>
      %sub3A_201 = arith.subf %mul3A_196, %mul3A_200 : vector<16x384xf32>
      %mul3A_202 = arith.mulf %min3A_197, %sub3A_201 : vector<16x384xf32>
      %add3A_203 = arith.addf %add3A_182, %mul3A_202 : vector<16x384xf32>
      %add3A_204 = arith.addf %add3A_183, %mul3A_196 : vector<16x384xf32>
      scf.yield %add3A_203, %add3A_204 : vector<16x384xf32>, vector<16x384xf32>
    }
    %scan3A_9 = arith.constant 24 : i32
    %get3A = arith.constant 0 : index
    %get3A_10 = memref.load %arg5[%get3A] : memref<3xf32, #tpu.memory_space<smem>>
    %reduce_sum3A = vector.shape_cast %scan3A_8#0 : vector<16x384xf32> to vector<1x16x384xf32>
    %reduce_sum3A_11 = arith.constant dense<0.000000e+00> : vector<1xf32>
    %reduce_sum3A_12 = vector.multi_reduction <add>, %reduce_sum3A, %reduce_sum3A_11 [1, 2] : vector<1x16x384xf32> to vector<1xf32>
    %reduce_sum3A_13 = vector.shape_cast %reduce_sum3A_12 : vector<1xf32> to vector<1x1x1xf32>
    %reduce_sum3A_14 = vector.extract %reduce_sum3A_13[0, 0, 0] : f32 from vector<1x1x1xf32>
    %add3A = arith.addf %get3A_10, %reduce_sum3A_14 : f32
    %swap3A = arith.constant 0 : index
    %swap3A_15 = memref.load %arg5[%swap3A] : memref<3xf32, #tpu.memory_space<smem>>
    memref.store %add3A, %arg5[%swap3A] : memref<3xf32, #tpu.memory_space<smem>>
    %get3A_16 = arith.constant 1 : index
    %get3A_17 = memref.load %arg5[%get3A_16] : memref<3xf32, #tpu.memory_space<smem>>
    %reduce_sum3A_18 = vector.shape_cast %scan3A_8#1 : vector<16x384xf32> to vector<1x16x384xf32>
    %reduce_sum3A_19 = arith.constant dense<0.000000e+00> : vector<1xf32>
    %reduce_sum3A_20 = vector.multi_reduction <add>, %reduce_sum3A_18, %reduce_sum3A_19 [1, 2] : vector<1x16x384xf32> to vector<1xf32>
    %reduce_sum3A_21 = vector.shape_cast %reduce_sum3A_20 : vector<1xf32> to vector<1x1x1xf32>
    %reduce_sum3A_22 = vector.extract %reduce_sum3A_21[0, 0, 0] : f32 from vector<1x1x1xf32>
    %add3A_23 = arith.addf %get3A_17, %reduce_sum3A_22 : f32
    %swap3A_24 = arith.constant 1 : index
    %swap3A_25 = memref.load %arg5[%swap3A_24] : memref<3xf32, #tpu.memory_space<smem>>
    memref.store %add3A_23, %arg5[%swap3A_24] : memref<3xf32, #tpu.memory_space<smem>>
    %eq3A_26 = arith.constant 0 : i32
    %eq3A_27 = arith.cmpi eq, %arg1, %eq3A_26 : i32
    %convert_element_type3A_28 = arith.extui %eq3A_27 : i1 to i32
    %cond3A_29 = arith.constant 0 : i32
    %cond3A_30 = arith.cmpi ne, %convert_element_type3A_28, %cond3A_29 : i32
    scf.if %cond3A_30 {
      %get3A_31 = arith.constant 2 : index
      %get3A_32 = memref.load %arg5[%get3A_31] : memref<3xf32, #tpu.memory_space<smem>>
      %get3A_33 = arith.constant 0 : index
      %get3A_34 = arith.constant 0 : index
      %get3A_35 = arith.constant 0 : index
      %get3A_36 = vector.load %arg4[%get3A_33, %get3A_34, %get3A_35] : memref<1x384x384xf32, #tpu.memory_space<vmem>>, vector<1x384x384xf32>
      %get3A_37 = vector.shape_cast %get3A_36 : vector<1x384x384xf32> to vector<384x384xf32>
      %reduce_sum3A_38 = vector.shape_cast %get3A_37 : vector<384x384xf32> to vector<1x384x384xf32>
      %reduce_sum3A_39 = arith.constant dense<0.000000e+00> : vector<1xf32>
      %reduce_sum3A_40 = vector.multi_reduction <add>, %reduce_sum3A_38, %reduce_sum3A_39 [1, 2] : vector<1x384x384xf32> to vector<1xf32>
      %reduce_sum3A_41 = vector.shape_cast %reduce_sum3A_40 : vector<1xf32> to vector<1x1x1xf32>
      %reduce_sum3A_42 = vector.extract %reduce_sum3A_41[0, 0, 0] : f32 from vector<1x1x1xf32>
      %add3A_43 = arith.addf %get3A_32, %reduce_sum3A_42 : f32
      %swap3A_44 = arith.constant 2 : index
      %swap3A_45 = memref.load %arg5[%swap3A_44] : memref<3xf32, #tpu.memory_space<smem>>
      memref.store %add3A_43, %arg5[%swap3A_44] : memref<3xf32, #tpu.memory_space<smem>>
    } else {
    }
    return
  }
  func.func @transform_0(%arg0: i32, %arg1: i32) -> (i32, i32, i32) {
    %mul3A = arith.constant 12 : i32
    %mul3A_0 = arith.muli %arg0, %mul3A : i32
    %add3A = arith.addi %mul3A_0, %arg1 : i32
    %c0_i32 = arith.constant 0 : i32
    %c0_i32_1 = arith.constant 0 : i32
    %c0_i32_2 = arith.constant 0 : i32
    return %add3A, %c0_i32, %c0_i32_1 : i32, i32, i32
  }
  func.func @transform_1(%arg0: i32, %arg1: i32) -> (i32, i32, i32) {
    %mul3A = arith.constant 12 : i32
    %mul3A_0 = arith.muli %arg0, %mul3A : i32
    %add3A = arith.addi %mul3A_0, %arg1 : i32
    %c0_i32 = arith.constant 0 : i32
    %c0_i32_1 = arith.constant 0 : i32
    %c0_i32_2 = arith.constant 0 : i32
    return %add3A, %c0_i32, %c0_i32_1 : i32, i32, i32
  }
  func.func @transform_2(%arg0: i32, %arg1: i32) -> (i32, i32, i32) {
    %c0_i32 = arith.constant 0 : i32
    %c0_i32_0 = arith.constant 0 : i32
    %c0_i32_1 = arith.constant 0 : i32
    return %arg0, %c0_i32, %c0_i32_0 : i32, i32, i32
  }
  func.func @transform_3(%arg0: i32, %arg1: i32) -> i32 {
    %c0_i32 = arith.constant 0 : i32
    %c0_i32_0 = arith.constant 0 : i32
    return %c0_i32 : i32
  }
}

</mosaic_0001>

<sc_bundles>
// kernel: kernel.4.cloned.1.call-start
scs
__scs_entry_jumppad:
0x0: {  	(pc) =	sbr.rel $0x88, $3  }
0x1: {  	(tag) =	ssettag $0x0;
	lr =	simm.s32 $0x1  }
0x2: {  	[smem:$0x3F9E] =	sst lr;
	_ =	strace $0xD0000000  }
0x3: {  	_ = 	snop  }
0x4: {  	_ = 	snop  }
0x5: {  	_ = 	snop  }
0x6: {  	_ = 	snop  }
0x7: {  	_ = 	snop  }
__scs_overlays_trampoline_lowered:
0x8: {  	[smem:$0x3FAD] =	sst s0  }
0x9: {  	[smem:$0x3FAE] =	sst s1  }
0xa: {  	[smem:$0x3FAF] =	sst s2  }
0xb: {  	[smem:$0x3FB0] =	sst s3  }
0xc: {  	[smem:$0x3FB1] =	sst s4  }
0xd: {  	[smem:$0x3FB2] =	sst s5  }
0xe: {  	[smem:$0x3FB3] =	sst s6  }
0xf: {  	[smem:$0x3FB4] =	sst s7  }
0x10: {  	[smem:$0x3FB5] =	sst s8  }
0x11: {  	[smem:$0x3FB6] =	sst s9;
	s0 =	simm.s32 @!p0 $0x0  }
0x12: {  	s1 =	sld [smem:$0x3F9C];
	s0 =	simm.s32 @p0 $0x1  }
0x13: {  	[smem:$0x3FB7] =	sst s0;
	s0 =	simm.s32 @!p1 $0x0  }
0x14: {  	s2 =	sld [smem:$0x3F9B];
	s0 =	simm.s32 @p1 $0x1  }
0x15: {  	[smem:$0x3FB8] =	sst s0;
	s0 =	simm.s32 @!p2 $0x0  }
0x16: {  	s3 =	sld [smem:$0x3FDB];
	s0 =	simm.s32 @p2 $0x1  }
0x17: {  	s4 =	simm.s32 $0x1BF5;
	[smem:$0x3FBA] =	sst s0  }
0x18: {  	s0 =	sld [smem:$0x3F9D];
	_ =	swait.ge [sflag:s4], $0x0  }
0x19: {  	s7 =	sld [smem:$0x3F9E]  }
0x1a: {  	s8 =	sadd.s32 $0xFFFFE003, lr  }
0x1b: {  	s9 =	sadd.s32 $0xFFFFFEF7, lr;
	s5 =	simm.s32 $0xFFFFFFFF;
	p2 =	slt.u32 s8, $0xFFFFF086  }
0x1c: {  	p1 =	slt.u32 s9, $0xF7A;
	s5 =	simm.s32 @!p2 $0x0  }
0x1d: {  	s5 =	simm.s32 @p1 $0x1;
	p0 =	seq.s32 s7, s2  }
0x1e: {  	s7 =	smul.u32 @!p0 $0xF7A, s2;
	p2 =	seq.s32 @!p0 s5, $0x0  }
0x1f: {  	s9 =	smul.u32 $0xF7A, s1;
	s8 =	simm.s32 @!p0 $0x1BF5;
	p2 =	por !p2, p0  }
0x20: {  	[sflag:s8] =	ssyncset.s32 @!p0 $0xFFFFF086;
	s6 =	sadd.s32 @!p0 s3, s7;
	s7 =	simm.s32 @!p0 $0x108  }
0x21: {  	s3 =	sadd.s32 s3, s9;
	s6 =	sadd.s32 @!p0 $0x88, s6;
	s7 =	simm.s32 @p2 $0x1082  }
0x22: {  	[simem:s7], [sflag:s8] =	dma.local @!p0 [hbm:s6], $0xF7A  }
0x23: {  	s9 =	sor.u32 $0xD0000000, s2;
	s6 =	simm.s32 $0x108;
	_ =	swait.ge @!p0 [sflag:s8], $0x0  }
0x24: {  	s3 =	sadd.s32 $0x88, s3;
	s6 =	simm.s32 @!p1 $0x1082;
	[sflag:s4] =	ssyncset.s32 $0xFFFFF086  }
0x25: {  	[simem:s6], [sflag:s4] =	dma.local [hbm:s3], $0xF7A  }
0x26: {  	[smem:$0x3F9E] =	sst s1;
	(tag) =	ssettag s2;
	_ =	strace s9  }
0x27: {  	s1 =	sld [smem:$0x3FAE]  }
0x28: {  	s2 =	sld [smem:$0x3FAF]  }
0x29: {  	s4 =	sld [smem:$0x3FB1]  }
0x2a: {  	p0 =	seq.s32 s5, $0x0;
	s5 =	sld [smem:$0x3FB2]  }
0x2b: {  	s6 =	sld [smem:$0x3FB3]  }
0x2c: {  	s7 =	sld [smem:$0x3FB4]  }
0x2d: {  	s3 =	simm.s32 $0x108;
	s8 =	sld [smem:$0x3FB5]  }
0x2e: {  	s3 =	simm.s32 @!p0 $0x1082;
	s9 =	sld [smem:$0x3FB6]  }
0x2f: {  	lr =	sadd.s32 s0, s3;
	s0 =	sld [smem:$0x3FAD]  }
0x30: {  	s3 =	sld [smem:$0x3FB0]  }
0x31: {  	[smem:$0x3FB9] =	sst s10  }
0x32: {  	s10 =	sld [smem:$0x3FB7];
	_ =	sdelay $0x3  }
0x33: {  	p0 =	seq.s32 s10, $0x1;
	s10 =	sld [smem:$0x3FB9];
	_ =	sdelay $0x3  }
0x34: {  	[smem:$0x3FB9] =	sst s10  }
0x35: {  	s10 =	sld [smem:$0x3FB8];
	_ =	sdelay $0x3  }
0x36: {  	p1 =	seq.s32 s10, $0x1;
	s10 =	sld [smem:$0x3FB9];
	_ =	sdelay $0x3  }
0x37: {  	[smem:$0x3FB9] =	sst s10  }
0x38: {  	s10 =	sld [smem:$0x3FBA]  }
0x39: {  	_ = 	snop;
	(pc) =	sbr.ind lr, $3  }
0x3a: {  	_ = 	snop  }
0x3b: {  	_ = 	snop  }
0x3c: {  	p2 =	seq.s32 s10, $0x1;
	s10 =	sld [smem:$0x3FB9]  }
0x3d: {  	_ =	shalt  }
0x3e: {  	_ =	shalt  }
0x3f: {  	_ =	shalt  }
0x40: {  	_ =	shalt  }
0x41: {  	_ =	shalt  }
0x42: {  	_ =	shalt  }
0x43: {  	_ =	shalt  }
0x44: {  	_ =	shalt  }
0x45: {  	_ =	shalt  }
0x46: {  	_ =	shalt  }
0x47: {  	_ =	shalt  }
0x48: {  	_ =	shalt  }
0x49: {  	_ =	shalt  }
0x4a: {  	_ =	shalt  }
0x4b: {  	_ =	shalt  }
0x4c: {  	_ =	shalt  }
0x4d: {  	_ =	shalt  }
0x4e: {  	_ =	shalt  }
0x4f: {  	_ =	shalt  }
0x50: {  	_ =	shalt  }
0x51: {  	_ =	shalt  }
0x52: {  	_ =	shalt  }
0x53: {  	_ =	shalt  }
0x54: {  	_ =	shalt  }
0x55: {  	_ =	shalt  }
0x56: {  	_ =	shalt  }
0x57: {  	_ =	shalt  }
0x58: {  	_ =	shalt  }
0x59: {  	_ =	shalt  }
0x5a: {  	_ =	shalt  }
0x5b: {  	_ =	shalt  }
0x5c: {  	_ =	shalt  }
0x5d: {  	_ =	shalt  }
0x5e: {  	_ =	shalt  }
0x5f: {  	_ =	shalt  }
0x60: {  	_ =	shalt  }
0x61: {  	_ =	shalt  }
0x62: {  	_ =	shalt  }
0x63: {  	_ =	shalt  }
0x64: {  	_ =	shalt  }
0x65: {  	_ =	shalt  }
0x66: {  	_ =	shalt  }
0x67: {  	_ =	shalt  }
0x68: {  	_ =	shalt  }
0x69: {  	_ =	shalt  }
0x6a: {  	_ =	shalt  }
0x6b: {  	_ =	shalt  }
0x6c: {  	_ =	shalt  }
0x6d: {  	_ =	shalt  }
0x6e: {  	_ =	shalt  }
0x6f: {  	_ =	shalt  }
0x70: {  	_ =	shalt  }
0x71: {  	_ =	shalt  }
0x72: {  	_ =	shalt  }
0x73: {  	_ =	shalt  }
0x74: {  	_ =	shalt  }
0x75: {  	_ =	shalt  }
0x76: {  	_ =	shalt  }
0x77: {  	_ =	shalt  }
0x78: {  	_ =	shalt  }
0x79: {  	_ =	shalt  }
0x7a: {  	_ =	shalt  }
0x7b: {  	_ =	shalt  }
0x7c: {  	_ =	shalt  }
0x7d: {  	_ =	shalt  }
0x7e: {  	_ =	shalt  }
0x7f: {  	_ =	shalt  }
0x80: {  	_ =	shalt  }
0x81: {  	_ =	shalt  }
0x82: {  	_ =	shalt  }
0x83: {  	_ =	shalt  }
0x84: {  	_ =	shalt  }
0x85: {  	_ =	shalt  }
0x86: {  	_ =	shalt  }
0x87: {  	_ =	shalt  }
.Lfunc_end0:
.L_simem_size_0:
called_computation_lowered:
.L_overlay_start_0:
0x88: {  	s2 =	sld [smem:$0x3FD9]  }
0x89: {  	s3 =	sld [smem:$0x3FFE];
	_ =	sdelay $0x1  }
0x8a: {  	s1 =	srdreg.scid  }
0x8b: {  	s0 =	sand.u32 $0x1, s1  }
0x8c: {  	s17 =	sshll.u32 s0, $0xA;
	s2 =	sadd.s32 s3, s2  }
0x8d: {  	s2 =	sadd.s32 s2, s17  }
0x8e: {  	[smem:$0x3FC5] =	sst s2  }
0x8f: {  	_ = 	snop  }
0x90: {  	s2 =	sld [smem:$0x3FC9]  }
0x91: {  	s18 =	sld [smem:$0x3FC8];
	(tm) =	ssettm $0x1  }
0x92: {  	s4 =	sld [smem:$0x3FFB];
	_ =	sdelay $0x3  }
0x93: {  	_ =	strace s4  }
0x94: {  	s4 =	sld [smem:$0x3FFC];
	_ =	sdelay $0x3  }
0x95: {  	_ =	strace s4  }
0x96: {  	s4 =	sld [smem:$0x3FFD];
	_ =	sdelay $0x3  }
0x97: {  	_ =	strace s4  }
0x98: {  	_ =	strace $0x8FFFFFFF  }
0x99: {  	s19 =	sld [smem:$0x3FDB];
	_ =	sdelay $0x1  }
0x9a: {  	s5 =	simm.s32 $_scs_section_size  }
0x9b: {  	s6 =	simm.s32 $_size__tile_overlayer_lowered;
	s7 =	simm.s32 $_tile_overlayer_lowered  }
0x9c: {  	s22 =	simm.s32 $0x1BFF;
	s21 =	sshll.u32 s7, $0x1;
	s4 =	sadd.s32 s5, s19  }
0x9d: {  	s8 =	simm.s32 $0x0;
	s20 =	sshll.u32 s6, $0x1;
	s6 =	sadd.s32 s21, s4  }
0x9e: {  	[timem:s8], [sflag:s22] =	dma.local [hbm:s6], s20  }
0x9f: {  	_ =	swait.ge [sflag:s22], s20  }
0xa0: {  	s5 =	ssub.s32 $0x0, s20;
	[sflag:s22] =	ssyncset.done $0x0  }
0xa1: {  	[sflag:s22] =	ssyncadd.s32 s5;
	_ =	sdelay $0x1  }
0xa2: {  	s23 =	simm.s32 $0x1B8B  }
0xa3: {  	_ =	swait.ge [sflag:s23], $0x1  }
0xa4: {  	[sflag:s23] =	ssyncset.done $0x0  }
0xa5: {  	s25 =	simm.s32 $0x1B8E;
	s24 =	sld [smem:$0x3FFE];
	[sflag:s23] =	ssyncadd.s32 $0xFFFFFFFF  }
0xa6: {  	s26 =	simm.s32 $execute0_lowered;
	[smem:$0x3FD2] =	sst s25  }
0xa7: {  	s6 =	sshll.u32 s26, $0x1;
	_ =	strace $0x80000046;
	[dreg:$0x1] =	wrdreg $0xFFFFFFFF  }
0xa8: {  	s28 =	simm.s32 $_size_execute0_lowered;
	s4 =	sadd.s32 s4, s6;
	[dreg:$0x0] =	wrdreg $0x0  }
0xa9: {  	s6 =	sshll.u32 s28, $0x1;
	[dreg:$0x2] =	wrdreg s4  }
0xaa: {  	[dreg:$0x3] =	wrdreg s6  }
0xab: {  	[dreg:$0x4] =	wrdreg $0xC0  }
0xac: {  	_ =	task [dreg:s8], $0x5FFFF  }
0xad: {  	[dreg:$0x1] =	wrdreg $0xFFFFFFFF  }
0xae: {  	[dreg:$0x0] =	wrdreg $0x60  }
0xaf: {  	[dreg:$0x2] =	wrdreg s2  }
0xb0: {  	[dreg:$0x3] =	wrdreg s18  }
0xb1: {  	[dreg:$0x4] =	wrdreg s24  }
0xb2: {  	[dreg:$0x5] =	wrdreg $0x9  }
0xb3: {  	_ =	task.clear_ibuf [dreg:s8], $0x6FFFF;
	_ =	strace $0x90000046  }
0xb4: {  	s29 =	simm.s32 $0x9;
	_ =	strace $0x80000048  }
0xb5: {  	_ =	swait.ge [sflag:s29], $0x1  }
0xb6: {  	[sflag:s29] =	ssyncadd.s32 $0xFFFFFFFF  }
0xb7: {  	_ =	strace $0x90000048  }
0xb8: {  	_ =	sfence  }
0xb9: {  	s30 =	sld [smem:$0x0];
	_ =	sdelay $0x2  }
0xba: {  	s31 =	sshll.u32 s1, $0xD;
	s1 =	sshrl.u32 s1, $0x2  }
0xbb: {  	s3 =	sand.u32 $0x4000, s31;
	s1 =	sadd.s32 s1, s30  }
0xbc: {  	s0 =	sor.u32 s3, s0;
	s1 =	sshll.u32 s1, $0x11  }
0xbd: {  	s0 =	sor.u32 s1, s0  }
0xbe: {  	s0 =	sadd.s32 $0x8F2B, s0  }
0xbf: {  	[sflag:s0] =	ssyncadd.remote.s32 $0x1  }
0xc0: {  	_ =	sfence.sel $0xFFFF  }
0xc1: {  	[dreg:$0x0] =	wrdreg $0xFFFFFFFF;
	(pc) =	sbr.abs _section_cstart, $3  }
0xc2: {  	[dreg:$0x1] =	wrdreg $0xFFFFFFFF  }
0xc3: {  	_ =	task.clear_ibuf [dreg:s8], $0x2FFFF;
	_ =	strace $0x9FFFFFFF  }
0xc4: {  	(tm) =	ssettm $0x7FFFFFFF  }
0xc5: {  	_ =	shalt  }
tec
execute0_lowered:
.L_overlay_start_1:
0x0: {  	(tag) =	ssettag $0x1  }
0x1: {  	s1 =	srdreg.scid;
	s3 =	rddreg [dreg:$0x1]  }
0x2: {  	s0 =	stileid.u32;
	s4 =	rddreg [dreg:$0x2];
	s15 =	simm.s32 $0x4800  }
0x3: {  	s16 =	simm.s32 $0xD800;
	s17 =	simm.s32 $0x12000;
	s18 =	simm.s32 $0x5  }
0x4: {  	s19 =	simm.s32 $0x1;
	s20 =	simm.s32 $0x3;
	s21 =	simm.s32 $0x2  }
0x5: {  	s22 =	simm.s32 $0x4;
	s23 =	simm.s32 $0x16800;
	s24 =	simm.s32 $0x0  }
0x6: {  	s6 =	sand.u32 $0x1, s1;
	s2 =	sshll.u32 s0, $0x1;
	s11 =	sshrl.u32 s0, $0x2  }
0x7: {  	s1 =	rddreg [dreg:$0x0];
	s7 =	sor.u32 s6, s2;
	s30 =	smul.u32 $0x60, s11  }
0x8: {  	s2 =	rddreg [dreg:$0x3];
	s9 =	ssub.s32 $0x2, s6;
	s5 =	sand.u32 $0x7, s7  }
0x9: {  	s11 =	smul.u32 $0x24000, s11;
	s7 =	sshll.u32 s7, $0x5;
	s8 =	sor.u32 s5, s30  }
0xa: {  	s31 =	sshrl.u32 s9, $0x1;
	s5 =	simm.s32 $0x0;
	s8 =	smul.u32 $0x24000, s8  }
.Ltmp0:
0xb: {  	s12 =	sadd.s32 s7, s4;
	s13 =	ssub.s32 s9, s31;
	(pc) =	sbr.rel .LBB2_1-.Ltmp0, $4  }
0xc: {  	[smem:$0x7FF] =	sst s5;
	s12 =	sadd.s32 $0x12000, s12;
	s6 =	sadd.s32 $0xC60000, s8  }
0xd: {  	s13 =	smax.u32 s13, $0x1;
	_ =	strace $0x80000047;
	s10 =	sshrl.u32 s6, $0x3  }
0xe: {  	s14 =	sadd.s32 $0x900, s10;
	s7 =	sadd.s32 s1, s10;
	s8 =	sadd.s32 s3, s10  }
0xf: {  	v0 =	vimm.f32 $0.0e+00;
	s9 =	sadd.s32 s1, s14;
	s10 =	sadd.s32 s3, s14;
	s14 =	simm.s32 $0x9000  }
.LBB2_8:
0x10: {  	s24 =	sadd.s32 $0x1, s24  }
0x11: {  	p0 =	sne.s32 s24, s13  }
.Ltmp1:
0x12: {  	_ = 	snop;
	(pc) =	sbr.rel @!p0 .LBB2_9-.Ltmp1, $4  }
0x13: {  	[hbm4b:s12+s5] =	stream.linear.scatter [tilespmem:s23], [sflag:$0x5], $0x100, $0x38;
	[tilespmem:$0x16900] =	vst v63  }
0x14: {  	_ =	swait.ge [sflag:s18], $0x100  }
0x15: {  	[sflag:s18] =	ssyncset.done $0x0  }
0x16: {  	[sflag:s18] =	ssyncadd.s32 $0xFFFFFF00  }
.LBB2_1:
0x17: {  	[tilespmem:$0x16800] =	vst v0  }
0x18: {  	[tilespmem:$0x16880] =	vst v0  }
0x19: {  	[tilespmem:s5], [sflag:$0x1] =	stream.linear.gather [hbm4b:s7+s5], $0x4800, $0x38;
	[tilespmem:$0x16900] =	vst v63  }
0x1a: {  	_ = 	snop  }
0x1b: {  	[tilespmem:s14], [sflag:$0x3] =	stream.linear.gather [hbm4b:s8+s5], $0x4800, $0x38;
	[tilespmem:$0x16900] =	vst v63  }
0x1c: {  	_ = 	snop  }
0x1d: {  	[tilespmem:s15], [sflag:$0x2] =	stream.linear.gather [hbm4b:s9+s5], $0x4800, $0x38;
	[tilespmem:$0x16900] =	vst v63  }
0x1e: {  	s25 =	simm.s32 $0x0  }
0x1f: {  	[tilespmem:s16], [sflag:$0x4] =	stream.linear.gather [hbm4b:s10+s5], $0x4800, $0x38;
	[tilespmem:$0x16900] =	vst v63  }
.LBB2_2:
0x20: {  	s26 =	smul.u32 $0x9000, s25;
	_ =	sdelay $0x1  }
0x21: {  	s26 =	sadd.s32 s11, s26  }
0x22: {  	s26 =	sshrl.u32 s26, $0x3  }
0x23: {  	s28 =	simm.s32 $0x0;
	s26 =	sadd.s32 s4, s26  }
0x24: {  	[tilespmem:s17], [sflag:$0x5] =	stream.linear.gather [hbm4b:s26+s28], $0x4800, $0x38;
	[tilespmem:$0x16900] =	vst v63  }
0x25: {  	_ =	swait.ge [sflag:s18], $0x4800  }
0x26: {  	[sflag:s18] =	ssyncset.done $0x0  }
0x27: {  	[sflag:s18] =	ssyncadd.s32 $0xFFFFB800  }
0x28: {  	_ =	swait.ge [sflag:s19], $0x4800  }
0x29: {  	[sflag:s19] =	ssyncset.done $0x0  }
0x2a: {  	s31 =	simm.s32 $0x0;
	[sflag:s19] =	ssyncadd.s32 $0xFFFFB800  }
0x2b: {  	s26 =	smul.u32 $0xC00, s31;
	_ =	swait.ge [sflag:s20], $0x4800  }
0x2c: {  	s29 =	sand.u32 $0x380, s28;
	[sflag:s20] =	ssyncset.done $0x0  }
0x2d: {  	s26 =	sor.u32 s29, s26;
	[sflag:s20] =	ssyncadd.s32 $0xFFFFB800  }
0x2e: {  	v1 =	vld [tilespmem:s26+$0x12870]  }
0x2f: {  	v2 =	vld [tilespmem:s26+$0x12860]  }
0x30: {  	v7 =	vld [tilespmem:s26+$0x870]  }
0x31: {  	v8 =	vld [tilespmem:s26+$0x9870]  }
0x32: {  	v3 =	vld [tilespmem:s26+$0x12850]  }
0x33: {  	v9 =	vld [tilespmem:s26+$0x860]  }
0x34: {  	v10 =	vld [tilespmem:s26+$0x9860]  }
0x35: {  	v4 =	vld [tilespmem:s26+$0x12840]  }
0x36: {  	v11 =	vld [tilespmem:s26+$0x850]  }
0x37: {  	v12 =	vld [tilespmem:s26+$0x9850]  }
0x38: {  	v5 =	vld [tilespmem:s26+$0x12830]  }
0x39: {  	v13 =	vld [tilespmem:s26+$0x840]  }
0x3a: {  	v14 =	vld [tilespmem:s26+$0x9840]  }
0x3b: {  	v6 =	vld [tilespmem:s26+$0x12820]  }
0x3c: {  	v16 =	vld [tilespmem:s26+$0x830]  }
0x3d: {  	v17 =	vld [tilespmem:s26+$0x9830]  }
0x3e: {  	v19 =	vld [tilespmem:s26+$0x820]  }
0x3f: {  	v20 =	vld [tilespmem:s26+$0x9820]  }
0x40: {  	v21 =	vld [tilespmem:s26+$0x810]  }
0x41: {  	v22 =	vld [tilespmem:s26+$0x9810]  }
0x42: {  	v23 =	vld [tilespmem:s26+$0x800]  }
0x43: {  	v24 =	vld [tilespmem:s26+$0x9800]  }
0x44: {  	v26 =	vld [tilespmem:s26+$0x470]  }
0x45: {  	v27 =	vld [tilespmem:s26+$0x9470]  }
0x46: {  	v28 =	vld [tilespmem:s26+$0x460]  }
0x47: {  	v29 =	vld [tilespmem:s26+$0x9460]  }
0x48: {  	v30 =	vld [tilespmem:s26+$0x450]  }
0x49: {  	v31 =	vld [tilespmem:s26+$0x9450]  }
0x4a: {  	v32 =	vld [tilespmem:s26+$0x440]  }
0x4b: {  	v33 =	vld [tilespmem:s26+$0x9440]  }
0x4c: {  	v36 =	vld [tilespmem:s26+$0x430]  }
0x4d: {  	v37 =	vld [tilespmem:s26+$0x9430]  }
0x4e: {  	v39 =	vld [tilespmem:s26+$0x420]  }
0x4f: {  	v40 =	vld [tilespmem:s26+$0x9420]  }
0x50: {  	v41 =	vld [tilespmem:s26+$0x410]  }
0x51: {  	v42 =	vld [tilespmem:s26+$0x9410]  }
0x52: {  	v43 =	vld [tilespmem:s26+$0x400]  }
0x53: {  	v44 =	vld [tilespmem:s26+$0x9400]  }
0x54: {  	v45 =	vld [tilespmem:s26+$0x70]  }
0x55: {  	v46 =	vld [tilespmem:s26+$0x9070]  }
0x56: {  	v47 =	vld [tilespmem:s26+$0x60]  }
0x57: {  	v48 =	vld [tilespmem:s26+$0x9060]  }
0x58: {  	v49 =	vld [tilespmem:s26+$0x50]  }
0x59: {  	v50 =	vld [tilespmem:s26+$0x9050]  }
0x5a: {  	v51 =	vld [tilespmem:s26+$0x40]  }
0x5b: {  	v52 =	vld [tilespmem:s26+$0x9040]  }
0x5c: {  	v53 =	vld [tilespmem:s26+$0x30]  }
0x5d: {  	v55 =	vld [tilespmem:s26+$0x20];
	v54 =	vsub.f32 v7, v8  }
0x5e: {  	v63 =	vld [tilespmem:s26+$0x9000];
	v15 =	vsub.f32 v11, v12;
	v12 =	vsub.f32 v9, v10  }
0x5f: {  	v11 =	vld [tilespmem:s26+$0x9030];
	v16 =	vsub.f32 v16, v17;
	v18 =	vsub.f32 v13, v14  }
0x60: {  	v13 =	vld [tilespmem:s26+$0x9020];
	v21 =	vsub.f32 v21, v22;
	v25 =	vsub.f32 v19, v20  }
0x61: {  	v20 =	vld [tilespmem:s26+$0x10];
	v14 =	vsub.f32 v26, v27;
	v34 =	vsub.f32 v23, v24  }
0x62: {  	v22 =	vld [tilespmem:s26+$0x9010];
	v35 =	vsub.f32 v30, v31;
	v38 =	vsub.f32 v28, v29  }
0x63: {  	v30 =	vld [tilespmem:s26+$0x0];
	v27 =	vsub.f32 v36, v37;
	v31 =	vsub.f32 v32, v33  }
0x64: {  	v32 =	vsub.f32 v41, v42;
	v7 =	vld [tilespmem:s26+$0x12810];
	v39 =	vsub.f32 v39, v40  }
0x65: {  	v17 =	vsub.f32 v45, v46;
	v33 =	vsub.f32 v43, v44;
	v8 =	vld [tilespmem:s26+$0x12800]  }
0x66: {  	v24 =	vsub.f32 v49, v50;
	v19 =	vsub.f32 v47, v48;
	v9 =	vld [tilespmem:s26+$0x12470]  }
0x67: {  	v29 =	vsub.f32 v51, v52;
	v10 =	vld [tilespmem:s26+$0x12460];
	v40 =	vand.u32 $0x7FFFFFFF, v12;
	v12 =	vand.u32 $0x7FFFFFFF, v54  }
0x68: {  	v23 =	vsub.f32 v53, v11;
	v26 =	vsub.f32 v20, v22;
	v20 =	vimm.f32 $0.0e+00;
	v11 =	vld [tilespmem:s26+$0x12450]  }
0x69: {  	s29 =	simm.s32 $0x1;
	v28 =	vsub.f32 v55, v13;
	v30 =	vsub.f32 v30, v63;
	v13 =	vld [tilespmem:s26+$0x12440];
	v22 =	vimm.f32 $0.0e+00  }
.LBB2_3:
0x6a: {  	p0 =	sne.s32 s29, $0x2F;
	v37 =	vld [tilespmem:s26+$0x12430];
	v41 =	vand.u32 $0x7FFFFFFF, v16;
	v16 =	vand.u32 $0x7FFFFFFF, v18;
	v15 =	vand.u32 $0x7FFFFFFF, v15  }
0x6b: {  	v42 =	vand.u32 $0x7FFFFFFF, v34;
	v43 =	vand.u32 $0x7FFFFFFF, v21;
	v18 =	vand.u32 $0x7FFFFFFF, v25;
	v36 =	vld [tilespmem:s26+$0x12420]  }
0x6c: {  	v44 =	vand.u32 $0x7FFFFFFF, v35;
	v25 =	vand.u32 $0x7FFFFFFF, v38;
	v35 =	vand.u32 $0x7FFFFFFF, v14;
	v34 =	vld [tilespmem:s26+$0x12410]  }
0x6d: {  	v38 =	vand.u32 $0x7FFFFFFF, v39;
	v39 =	vand.u32 $0x7FFFFFFF, v27;
	v31 =	vand.u32 $0x7FFFFFFF, v31;
	v45 =	vld [tilespmem:s26+$0x12400]  }
0x6e: {  	v32 =	vand.u32 $0x7FFFFFFF, v32;
	v14 =	vmul.f32 v40, v2;
	v12 =	vmul.f32 v12, v1;
	v46 =	vld [tilespmem:s26+$0x12070]  }
0x6f: {  	v48 =	vand.u32 $0x7FFFFFFF, v33;
	v16 =	vmul.f32 v16, v4;
	v15 =	vmul.f32 v15, v3;
	v47 =	vld [tilespmem:s26+$0x12060]  }
0x70: {  	v50 =	vand.u32 $0x7FFFFFFF, v17;
	v18 =	vmul.f32 v18, v6;
	v17 =	vmul.f32 v41, v5;
	v49 =	vld [tilespmem:s26+$0x12000]  }
0x71: {  	v51 =	vand.u32 $0x7FFFFFFF, v19;
	v21 =	vmul.f32 v42, v8;
	v19 =	vmul.f32 v43, v7;
	v41 =	vld [tilespmem:s26+$0x12050]  }
0x72: {  	v24 =	vand.u32 $0x7FFFFFFF, v24;
	v27 =	vmul.f32 v25, v10;
	v25 =	vmul.f32 v35, v9;
	v52 =	vld [tilespmem:s26+$0x12010]  }
0x73: {  	v29 =	vand.u32 $0x7FFFFFFF, v29;
	v33 =	vmul.f32 v44, v11;
	v35 =	vmul.f32 v31, v13;
	v53 =	vld [tilespmem:s26+$0x12020]  }
0x74: {  	v30 =	vand.u32 $0x7FFFFFFF, v30;
	v40 =	vmul.f32 v39, v37;
	v42 =	vmul.f32 v38, v36;
	v31 =	vld [tilespmem:s26+$0x12030]  }
0x75: {  	v28 =	vand.u32 $0x7FFFFFFF, v28;
	v43 =	vmul.f32 v32, v34;
	v30 =	vmul.f32 v30, v49  }
0x76: {  	v26 =	vand.u32 $0x7FFFFFFF, v26;
	v48 =	vmul.f32 v48, v45;
	v39 =	vmul.f32 v50, v46;
	v32 =	vld [tilespmem:s26+$0x12040]  }
0x77: {  	s26 =	sshrl.u32 s29, $0x3;
	v38 =	vmin.f32 v30, v49;
	v44 =	vmul.f32 v26, v52;
	v49 =	vmul.f32 v51, v47  }
0x78: {  	v23 =	vand.u32 $0x7FFFFFFF, v23;
	s28 =	sadd.s32 $0x80, s28;
	s26 =	smul.u32 $0xC00, s26;
	v26 =	vmul.f32 $5.000000000e-01, v38;
	v28 =	vmul.f32 v28, v53  }
0x79: {  	s30 =	sand.u32 $0x380, s28;
	v50 =	vmin.f32 v44, v52;
	v51 =	vmul.f32 v23, v31;
	v52 =	vmul.f32 v24, v41  }
0x7a: {  	s26 =	sor.u32 s30, s26;
	v23 =	vsub.f32 v30, v26;
	v24 =	vmul.f32 $5.000000000e-01, v50;
	v53 =	vmin.f32 v28, v53  }
0x7b: {  	v26 =	vld [tilespmem:s26+$0x12870];
	v54 =	vmul.f32 $5.000000000e-01, v53;
	v55 =	vmul.f32 v29, v32  }
0x7c: {  	v31 =	vmin.f32 v51, v31;
	v29 =	vld [tilespmem:s26+$0x12860];
	v38 =	vmul.f32 v23, v38;
	v56 =	vsub.f32 v44, v24  }
0x7d: {  	v57 =	vmul.f32 $5.000000000e-01, v31;
	v23 =	vld [tilespmem:s26+$0x870];
	v54 =	vsub.f32 v28, v54;
	v32 =	vmin.f32 v55, v32  }
0x7e: {  	v22 =	vadd.f32 v30, v22;
	v24 =	vld [tilespmem:s26+$0x9870];
	v58 =	vadd.f32 v38, v20;
	v30 =	vmul.f32 v56, v50  }
0x7f: {  	v41 =	vmin.f32 v52, v41;
	v50 =	vsub.f32 v51, v57;
	v56 =	vmul.f32 $5.000000000e-01, v32;
	v38 =	vld [tilespmem:s26+$0x12850]  }
0x80: {  	v57 =	vadd.f32 v44, v22;
	v53 =	vmul.f32 v54, v53;
	v20 =	vld [tilespmem:s26+$0x860];
	v30 =	vadd.f32 v30, v58  }
0x81: {  	v47 =	vmin.f32 v49, v47;
	v54 =	vsub.f32 v55, v56;
	v56 =	vmul.f32 $5.000000000e-01, v41;
	v22 =	vld [tilespmem:s26+$0x9860]  }
0x82: {  	v50 =	vmul.f32 v50, v31;
	v44 =	vld [tilespmem:s26+$0x12840];
	v30 =	vadd.f32 v53, v30;
	v53 =	vadd.f32 v28, v57  }
0x83: {  	v46 =	vmin.f32 v39, v46;
	v56 =	vsub.f32 v52, v56;
	v57 =	vmul.f32 $5.000000000e-01, v47;
	v28 =	vld [tilespmem:s26+$0x850]  }
0x84: {  	v32 =	vmul.f32 v54, v32;
	v31 =	vld [tilespmem:s26+$0x9850];
	v50 =	vadd.f32 v50, v30;
	v51 =	vadd.f32 v51, v53  }
0x85: {  	v45 =	vmin.f32 v48, v45;
	v54 =	vsub.f32 v49, v57;
	v57 =	vmul.f32 $5.000000000e-01, v46;
	v53 =	vld [tilespmem:s26+$0x12830]  }
0x86: {  	v41 =	vmul.f32 v56, v41;
	v30 =	vld [tilespmem:s26+$0x840];
	v50 =	vadd.f32 v32, v50;
	v51 =	vadd.f32 v55, v51  }
0x87: {  	v56 =	vmul.f32 $5.000000000e-01, v45;
	v55 =	vsub.f32 v39, v57;
	v57 =	vmin.f32 v43, v34;
	v32 =	vld [tilespmem:s26+$0x9840]  }
0x88: {  	v47 =	vmul.f32 v54, v47;
	v58 =	vld [tilespmem:s26+$0x12820];
	v41 =	vadd.f32 v41, v50;
	v50 =	vadd.f32 v52, v51  }
0x89: {  	v54 =	vmin.f32 v42, v36;
	v51 =	vsub.f32 v48, v56;
	v52 =	vmul.f32 $5.000000000e-01, v57;
	v34 =	vld [tilespmem:s26+$0x830]  }
0x8a: {  	v46 =	vmul.f32 v55, v46;
	v36 =	vld [tilespmem:s26+$0x9830];
	v41 =	vadd.f32 v47, v41;
	v47 =	vadd.f32 v49, v50  }
0x8b: {  	v55 =	vmin.f32 v40, v37;
	v50 =	vsub.f32 v43, v52;
	v52 =	vmul.f32 $5.000000000e-01, v54;
	v49 =	vld [tilespmem:s26+$0x12810]  }
0x8c: {  	v45 =	vmul.f32 v51, v45;
	v37 =	vld [tilespmem:s26+$0x820];
	v41 =	vadd.f32 v46, v41;
	v46 =	vadd.f32 v39, v47  }
0x8d: {  	v51 =	vmul.f32 $5.000000000e-01, v55;
	v47 =	vsub.f32 v42, v52;
	v52 =	vmin.f32 v35, v13;
	v39 =	vld [tilespmem:s26+$0x9820]  }
0x8e: {  	v13 =	vld [tilespmem:s26+$0x810];
	v45 =	vadd.f32 v45, v41;
	v46 =	vadd.f32 v48, v46;
	v48 =	vmul.f32 v50, v57  }
0x8f: {  	v56 =	vmin.f32 v33, v11;
	v50 =	vsub.f32 v40, v51;
	v51 =	vmul.f32 $5.000000000e-01, v52;
	v41 =	vld [tilespmem:s26+$0x9810]  }
0x90: {  	v47 =	vmul.f32 v47, v54;
	v11 =	vld [tilespmem:s26+$0x800];
	v45 =	vadd.f32 v48, v45;
	v46 =	vadd.f32 v43, v46  }
0x91: {  	v54 =	vmin.f32 v27, v10;
	v48 =	vsub.f32 v35, v51;
	v51 =	vmul.f32 $5.000000000e-01, v56;
	v43 =	vld [tilespmem:s26+$0x9800]  }
0x92: {  	v10 =	vld [tilespmem:s26+$0x470];
	v45 =	vadd.f32 v47, v45;
	v46 =	vadd.f32 v42, v46;
	v47 =	vmul.f32 v50, v55  }
0x93: {  	v50 =	vsub.f32 v33, v51;
	v51 =	vmul.f32 $5.000000000e-01, v54;
	v55 =	vmin.f32 v25, v9;
	v42 =	vld [tilespmem:s26+$0x9470]  }
0x94: {  	v9 =	vld [tilespmem:s26+$0x460];
	v45 =	vadd.f32 v47, v45;
	v46 =	vadd.f32 v40, v46;
	v47 =	vmul.f32 v48, v52  }
0x95: {  	v8 =	vmin.f32 v21, v8;
	v48 =	vsub.f32 v27, v51;
	v51 =	vmul.f32 $5.000000000e-01, v55;
	v40 =	vld [tilespmem:s26+$0x9460]  }
0x96: {  	v52 =	vld [tilespmem:s26+$0x450];
	v45 =	vadd.f32 v47, v45;
	v35 =	vadd.f32 v35, v46;
	v46 =	vmul.f32 v50, v56  }
0x97: {  	v50 =	vsub.f32 v25, v51;
	v51 =	vmul.f32 $5.000000000e-01, v8;
	v56 =	vmin.f32 v19, v7;
	v7 =	vmovc v49;
	v47 =	vld [tilespmem:s26+$0x9450]  }
0x98: {  	v49 =	vld [tilespmem:s26+$0x440];
	v45 =	vadd.f32 v46, v45;
	v33 =	vadd.f32 v33, v35;
	v35 =	vmul.f32 v48, v54  }
0x99: {  	v48 =	vsub.f32 v21, v51;
	v51 =	vmul.f32 $5.000000000e-01, v56;
	v54 =	vmin.f32 v18, v6;
	v6 =	vmovc v58;
	v46 =	vld [tilespmem:s26+$0x9440]  }
0x9a: {  	v57 =	vld [tilespmem:s26+$0x430];
	v35 =	vadd.f32 v35, v45;
	v27 =	vadd.f32 v27, v33;
	v33 =	vmul.f32 v50, v55  }
0x9b: {  	v50 =	vsub.f32 v19, v51;
	v51 =	vmul.f32 $5.000000000e-01, v54;
	v55 =	vmin.f32 v17, v5;
	v5 =	vmovc v53;
	v45 =	vld [tilespmem:s26+$0x9430]  }
0x9c: {  	v8 =	vmul.f32 v48, v8;
	v53 =	vld [tilespmem:s26+$0x420];
	v33 =	vadd.f32 v33, v35;
	v25 =	vadd.f32 v25, v27  }
0x9d: {  	v27 =	vsub.f32 v18, v51;
	v35 =	vmul.f32 $5.000000000e-01, v55;
	v51 =	vmin.f32 v16, v4;
	v4 =	vmovc v44;
	v48 =	vld [tilespmem:s26+$0x9420]  }
0x9e: {  	v44 =	vld [tilespmem:s26+$0x410];
	v8 =	vadd.f32 v8, v33;
	v21 =	vadd.f32 v21, v25;
	v25 =	vmul.f32 v50, v56  }
0x9f: {  	v35 =	vsub.f32 v17, v35;
	v50 =	vmul.f32 $5.000000000e-01, v51;
	v56 =	vmin.f32 v15, v3;
	v3 =	vmovc v38;
	v33 =	vld [tilespmem:s26+$0x9410]  }
0xa0: {  	v58 =	vld [tilespmem:s26+$0x400];
	v8 =	vadd.f32 v25, v8;
	v19 =	vadd.f32 v19, v21;
	v21 =	vmul.f32 v27, v54  }
0xa1: {  	v38 =	vmin.f32 v14, v2;
	v2 =	vmovc v29;
	v25 =	vsub.f32 v16, v50;
	v27 =	vmul.f32 $5.000000000e-01, v56;
	v54 =	vld [tilespmem:s26+$0x9400]  }
0xa2: {  	v29 =	vld [tilespmem:s26+$0x70];
	v8 =	vadd.f32 v21, v8;
	v18 =	vadd.f32 v18, v19;
	v19 =	vmul.f32 v35, v55  }
0xa3: {  	v21 =	vsub.f32 v15, v27;
	v27 =	vmul.f32 $5.000000000e-01, v38;
	v35 =	vmin.f32 v12, v1;
	v1 =	vmovc v26;
	v50 =	vld [tilespmem:s26+$0x9070]  }
0xa4: {  	v26 =	vld [tilespmem:s26+$0x60];
	v8 =	vadd.f32 v19, v8;
	v17 =	vadd.f32 v17, v18;
	v18 =	vmul.f32 v25, v51  }
0xa5: {  	v25 =	vsub.f32 v14, v27;
	v27 =	vmul.f32 $5.000000000e-01, v35;
	v19 =	vld [tilespmem:s26+$0x9060]  }
0xa6: {  	v51 =	vld [tilespmem:s26+$0x50];
	v8 =	vadd.f32 v18, v8;
	v16 =	vadd.f32 v16, v17;
	v17 =	vmul.f32 v21, v56  }
0xa7: {  	v56 =	vsub.f32 v23, v24;
	v18 =	vsub.f32 v12, v27;
	v55 =	vld [tilespmem:s26+$0x9050]  }
0xa8: {  	v59 =	vld [tilespmem:s26+$0x40];
	v8 =	vadd.f32 v17, v8;
	v16 =	vadd.f32 v15, v16;
	v17 =	vmul.f32 v25, v38  }
0xa9: {  	v61 =	vsub.f32 v20, v22;
	v15 =	vsub.f32 v28, v31;
	v60 =	vld [tilespmem:s26+$0x9040]  }
0xaa: {  	v23 =	vld [tilespmem:s26+$0x30];
	v8 =	vadd.f32 v17, v8;
	v14 =	vadd.f32 v14, v16;
	v17 =	vmul.f32 v18, v35  }
0xab: {  	v16 =	vsub.f32 v34, v36;
	v18 =	vsub.f32 v30, v32;
	v28 =	vld [tilespmem:s26+$0x9030]  }
0xac: {  	v30 =	vld [tilespmem:s26+$0x20];
	v20 =	vadd.f32 v17, v8;
	v22 =	vadd.f32 v12, v14  }
0xad: {  	v21 =	vsub.f32 v13, v41;
	v25 =	vsub.f32 v37, v39;
	v12 =	vld [tilespmem:s26+$0x9020]  }
0xae: {  	v34 =	vsub.f32 v11, v43;
	v14 =	vsub.f32 v10, v42;
	v13 =	vld [tilespmem:s26+$0x10]  }
0xaf: {  	v38 =	vsub.f32 v9, v40;
	v35 =	vsub.f32 v52, v47;
	v11 =	vld [tilespmem:s26+$0x9010]  }
0xb0: {  	v27 =	vsub.f32 v57, v45;
	v31 =	vsub.f32 v49, v46;
	v36 =	vld [tilespmem:s26+$0x0]  }
0xb1: {  	v39 =	vsub.f32 v53, v48;
	v32 =	vsub.f32 v44, v33;
	v37 =	vld [tilespmem:s26+$0x9000]  }
.Ltmp2:
0xb2: {  	v33 =	vsub.f32 v58, v54;
	v17 =	vsub.f32 v29, v50;
	v8 =	vld [tilespmem:s26+$0x12800];
	(pc) =	sbr.rel @p0 .LBB2_3-.Ltmp2, $4  }
0xb3: {  	v19 =	vsub.f32 v26, v19;
	v24 =	vsub.f32 v51, v55;
	v9 =	vld [tilespmem:s26+$0x12470]  }
0xb4: {  	v29 =	vsub.f32 v59, v60;
	v23 =	vsub.f32 v23, v28;
	v10 =	vld [tilespmem:s26+$0x12460]  }
0xb5: {  	v28 =	vsub.f32 v30, v12;
	v26 =	vsub.f32 v13, v11;
	v11 =	vld [tilespmem:s26+$0x12450]  }
0xb6: {  	s29 =	sadd.s32 $0x1, s29;
	v40 =	vand.u32 $0x7FFFFFFF, v61;
	v12 =	vand.u32 $0x7FFFFFFF, v56;
	v30 =	vsub.f32 v36, v37;
	v13 =	vld [tilespmem:s26+$0x12440]  }
0xb7: {  	v37 =	vand.u32 $0x7FFFFFFF, v16;
	v16 =	vand.u32 $0x7FFFFFFF, v18;
	v15 =	vand.u32 $0x7FFFFFFF, v15  }
0xb8: {  	v36 =	vld [tilespmem:s26+$0x12430];
	v34 =	vand.u32 $0x7FFFFFFF, v34;
	v42 =	vand.u32 $0x7FFFFFFF, v21;
	v18 =	vand.u32 $0x7FFFFFFF, v25  }
0xb9: {  	v41 =	vld [tilespmem:s26+$0x12420];
	v35 =	vand.u32 $0x7FFFFFFF, v35;
	v25 =	vand.u32 $0x7FFFFFFF, v38;
	v56 =	vand.u32 $0x7FFFFFFF, v14  }
0xba: {  	v44 =	vld [tilespmem:s26+$0x12400];
	v39 =	vand.u32 $0x7FFFFFFF, v39;
	v27 =	vand.u32 $0x7FFFFFFF, v27;
	v31 =	vand.u32 $0x7FFFFFFF, v31  }
0xbb: {  	v45 =	vld [tilespmem:s26+$0x12070];
	v32 =	vand.u32 $0x7FFFFFFF, v32;
	v14 =	vmul.f32 v40, v2;
	v33 =	vand.u32 $0x7FFFFFFF, v33  }
0xbc: {  	v57 =	vld [tilespmem:s26+$0x12000];
	v47 =	vand.u32 $0x7FFFFFFF, v17;
	v16 =	vmul.f32 v16, v4;
	v15 =	vmul.f32 v15, v3  }
0xbd: {  	v46 =	vld [tilespmem:s26+$0x12060];
	v58 =	vand.u32 $0x7FFFFFFF, v19;
	v18 =	vmul.f32 v18, v6;
	v17 =	vmul.f32 v37, v5  }
0xbe: {  	v59 =	vld [tilespmem:s26+$0x12010];
	v29 =	vand.u32 $0x7FFFFFFF, v29;
	v21 =	vmul.f32 v34, v8;
	v19 =	vmul.f32 v42, v7  }
0xbf: {  	v60 =	vld [tilespmem:s26+$0x12020];
	v28 =	vand.u32 $0x7FFFFFFF, v28;
	v42 =	vmul.f32 v25, v10;
	v25 =	vmul.f32 v56, v9  }
0xc0: {  	v48 =	vld [tilespmem:s26+$0x12030];
	v30 =	vand.u32 $0x7FFFFFFF, v30;
	v35 =	vmul.f32 v35, v11;
	v31 =	vmul.f32 v31, v13  }
0xc1: {  	v26 =	vand.u32 $0x7FFFFFFF, v26;
	v49 =	vld [tilespmem:s26+$0x12040];
	v39 =	vmul.f32 v39, v41;
	v30 =	vmul.f32 v30, v57  }
0xc2: {  	v50 =	vld [tilespmem:s26+$0x12050];
	v23 =	vand.u32 $0x7FFFFFFF, v23;
	v27 =	vmul.f32 v27, v36;
	v47 =	vmul.f32 v47, v45  }
0xc3: {  	v33 =	vmul.f32 v33, v44;
	v26 =	vmul.f32 v26, v59;
	v40 =	vmin.f32 v30, v57  }
0xc4: {  	v24 =	vand.u32 $0x7FFFFFFF, v24;
	v28 =	vmul.f32 v28, v60;
	v51 =	vmul.f32 $5.000000000e-01, v40  }
0xc5: {  	v34 =	vmul.f32 v58, v46;
	v23 =	vmul.f32 v23, v48;
	v37 =	vmin.f32 v26, v59  }
0xc6: {  	v29 =	vmul.f32 v29, v49;
	v52 =	vmul.f32 $5.000000000e-01, v37;
	v51 =	vsub.f32 v30, v51  }
0xc7: {  	v24 =	vmul.f32 v24, v50;
	v38 =	vmin.f32 v28, v60;
	v48 =	vmin.f32 v23, v48  }
0xc8: {  	v53 =	vmul.f32 $5.000000000e-01, v38;
	v61 =	vsub.f32 v26, v52;
	v40 =	vmul.f32 v51, v40  }
0xc9: {  	v49 =	vmin.f32 v29, v49;
	v22 =	vadd.f32 v30, v22;
	v63 =	vmul.f32 $5.000000000e-01, v48  }
0xca: {  	v62 =	vsub.f32 v28, v53;
	v37 =	vmul.f32 v61, v37;
	v20 =	vadd.f32 v40, v20  }
0xcb: {  	v50 =	vmin.f32 v24, v50;
	v55 =	vmul.f32 $5.000000000e-01, v49;
	v22 =	vadd.f32 v26, v22  }
0xcc: {  	v30 =	vsub.f32 v23, v63;
	v56 =	vmul.f32 v62, v38;
	v20 =	vadd.f32 v37, v20  }
0xcd: {  	v58 =	vmin.f32 v34, v46;
	v57 =	vmul.f32 $5.000000000e-01, v50;
	v22 =	vadd.f32 v28, v22  }
0xce: {  	v43 =	vld [tilespmem:s26+$0x12410];
	v26 =	vsub.f32 v29, v55;
	v30 =	vmul.f32 v30, v48;
	v20 =	vadd.f32 v56, v20  }
0xcf: {  	v60 =	vmin.f32 v47, v45;
	v59 =	vmul.f32 $5.000000000e-01, v58;
	v22 =	vadd.f32 v23, v22  }
0xd0: {  	v28 =	vsub.f32 v24, v57;
	v26 =	vmul.f32 v26, v49;
	v20 =	vadd.f32 v30, v20  }
0xd1: {  	v61 =	vmin.f32 v33, v44;
	v23 =	vsub.f32 v34, v59;
	v22 =	vadd.f32 v29, v22  }
0xd2: {  	v30 =	vmul.f32 $5.000000000e-01, v60;
	v20 =	vadd.f32 v26, v20;
	v26 =	vmul.f32 v28, v50  }
0xd3: {  	v32 =	vmul.f32 v32, v43;
	v29 =	vmul.f32 $5.000000000e-01, v61;
	v22 =	vadd.f32 v24, v22  }
0xd4: {  	v23 =	vmul.f32 v23, v58;
	v28 =	vsub.f32 v47, v30;
	v20 =	vadd.f32 v26, v20  }
0xd5: {  	v24 =	vsub.f32 v33, v29;
	v29 =	vmin.f32 v39, v41;
	v30 =	vmin.f32 v32, v43  }
0xd6: {  	v26 =	vmul.f32 $5.000000000e-01, v30;
	v20 =	vadd.f32 v23, v20;
	v23 =	vmul.f32 v28, v60  }
0xd7: {  	v62 =	vmin.f32 v27, v36;
	v22 =	vadd.f32 v34, v22;
	v28 =	vmul.f32 $5.000000000e-01, v29  }
0xd8: {  	v26 =	vsub.f32 v32, v26;
	v20 =	vadd.f32 v23, v20;
	v23 =	vmul.f32 v24, v61  }
0xd9: {  	v22 =	vadd.f32 v47, v22;
	v24 =	vsub.f32 v39, v28;
	v28 =	vmul.f32 $5.000000000e-01, v62  }
0xda: {  	v13 =	vmin.f32 v31, v13;
	v20 =	vadd.f32 v23, v20;
	v23 =	vmul.f32 v26, v30  }
0xdb: {  	v22 =	vadd.f32 v33, v22;
	v26 =	vsub.f32 v27, v28;
	v28 =	vmul.f32 $5.000000000e-01, v13  }
0xdc: {  	v11 =	vmin.f32 v35, v11;
	v20 =	vadd.f32 v23, v20;
	v23 =	vmul.f32 v24, v29  }
0xdd: {  	v22 =	vadd.f32 v32, v22;
	v24 =	vsub.f32 v31, v28;
	v28 =	vmul.f32 $5.000000000e-01, v11  }
0xde: {  	v10 =	vmin.f32 v42, v10;
	v20 =	vadd.f32 v23, v20;
	v23 =	vmul.f32 v26, v62  }
0xdf: {  	v9 =	vmin.f32 v25, v9;
	v22 =	vadd.f32 v39, v22;
	v26 =	vsub.f32 v35, v28  }
0xe0: {  	v28 =	vmul.f32 $5.000000000e-01, v10;
	v13 =	vmul.f32 v24, v13;
	v20 =	vadd.f32 v23, v20  }
0xe1: {  	v8 =	vmin.f32 v21, v8;
	v22 =	vadd.f32 v27, v22;
	v24 =	vmul.f32 $5.000000000e-01, v9  }
0xe2: {  	v23 =	vsub.f32 v42, v28;
	v11 =	vmul.f32 v26, v11;
	v13 =	vadd.f32 v13, v20  }
0xe3: {  	v7 =	vmin.f32 v19, v7;
	v20 =	vadd.f32 v31, v22;
	v22 =	vsub.f32 v25, v24  }
0xe4: {  	v24 =	vmul.f32 $5.000000000e-01, v8;
	v10 =	vmul.f32 v23, v10;
	v11 =	vadd.f32 v11, v13  }
0xe5: {  	v6 =	vmin.f32 v18, v6;
	v23 =	vmul.f32 $5.000000000e-01, v7;
	v13 =	vadd.f32 v35, v20  }
0xe6: {  	v20 =	vsub.f32 v21, v24;
	v9 =	vmul.f32 v22, v9;
	v10 =	vadd.f32 v10, v11  }
0xe7: {  	v5 =	vmin.f32 v17, v5;
	v22 =	vmul.f32 $5.000000000e-01, v6;
	v11 =	vadd.f32 v42, v13  }
0xe8: {  	v13 =	vsub.f32 v19, v23;
	v8 =	vmul.f32 v20, v8;
	v9 =	vadd.f32 v9, v10  }
0xe9: {  	v4 =	vmin.f32 v16, v4;
	v20 =	vmul.f32 $5.000000000e-01, v5;
	v10 =	vadd.f32 v25, v11  }
0xea: {  	v11 =	vsub.f32 v18, v22;
	v7 =	vmul.f32 v13, v7;
	v8 =	vadd.f32 v8, v9  }
0xeb: {  	v3 =	vmin.f32 v15, v3;
	v13 =	vmul.f32 $5.000000000e-01, v4;
	v9 =	vadd.f32 v21, v10  }
0xec: {  	v10 =	vsub.f32 v17, v20;
	v6 =	vmul.f32 v11, v6;
	v7 =	vadd.f32 v7, v8  }
0xed: {  	v2 =	vmin.f32 v14, v2;
	v11 =	vmul.f32 $5.000000000e-01, v3;
	v8 =	vadd.f32 v19, v9  }
0xee: {  	v9 =	vsub.f32 v16, v13;
	v5 =	vmul.f32 v10, v5;
	v6 =	vadd.f32 v6, v7  }
0xef: {  	v11 =	vsub.f32 v15, v11;
	v7 =	vmul.f32 v12, v1;
	v8 =	vadd.f32 v18, v8  }
0xf0: {  	v10 =	vmul.f32 $5.000000000e-01, v2;
	v4 =	vmul.f32 v9, v4;
	v5 =	vadd.f32 v5, v6  }
0xf1: {  	v3 =	vmul.f32 v11, v3;
	v1 =	vmin.f32 v7, v1;
	v6 =	vadd.f32 v17, v8  }
0xf2: {  	v8 =	vsub.f32 v14, v10;
	v9 =	vmul.f32 $5.000000000e-01, v1;
	v4 =	vadd.f32 v4, v5  }
0xf3: {  	v5 =	vadd.f32 v16, v6  }
0xf4: {  	p0 =	seq.s32 s25, $0x3;
	v2 =	vmul.f32 v8, v2;
	v6 =	vsub.f32 v7, v9;
	v3 =	vadd.f32 v3, v4  }
0xf5: {  	s26 =	smul.u32 @!p0 $0x60, s25;
	v4 =	vadd.f32 v15, v5;
	v5 =	vld [tilespmem:$0x16800]  }
0xf6: {  	v1 =	vmul.f32 v6, v1;
	v2 =	vadd.f32 v2, v3;
	v3 =	vld [tilespmem:$0x16880]  }
0xf7: {  	s28 =	sshrl.u32 @!p0 s26, $0x3;
	v4 =	vadd.f32 v14, v4  }
0xf8: {  	s28 =	smul.u32 @!p0 $0xC00, s28;
	v1 =	vadd.f32 v1, v2  }
0xf9: {  	v2 =	vadd.f32 v7, v4  }
0xfa: {  	s28 =	sadd.s32 @!p0 s6, s28;
	v1 =	vadd.f32 v5, v1  }
0xfb: {  	s28 =	sadd.s32 @!p0 $0x9000, s28;
	v2 =	vadd.f32 v3, v2  }
0xfc: {  	s26 =	simm.s32 @p0 $0x120;
	s28 =	sshrl.u32 @!p0 s28, $0x3;
	[tilespmem:$0x16800] =	vst v1  }
0xfd: {  	s30 =	simm.s32 @!p0 $0x0;
	s26 =	sshrl.u32 s26, $0x3;
	s29 =	sadd.s32 @!p0 s1, s28;
	[tilespmem:$0x16880] =	vst v2  }
0xfe: {  	[tilespmem:s30], [sflag:$0x1] =	stream.linear.gather @!p0 [hbm4b:s29+s30], $0x4800, $0x38;
	[tilespmem:$0x16900] =	vst v63  }
0xff: {  	s26 =	smul.u32 $0xC00, s26;
	s28 =	sadd.s32 @!p0 s3, s28;
	s29 =	simm.s32 @!p0 $0x9000  }
0x100: {  	[tilespmem:s29], [sflag:$0x3] =	stream.linear.gather @!p0 [hbm4b:s28+s30], $0x4800, $0x38;
	[tilespmem:$0x16900] =	vst v63  }
0x101: {  	s28 =	sadd.s32 s11, s26  }
0x102: {  	s28 =	sadd.s32 $0x4800, s28  }
0x103: {  	s28 =	sshrl.u32 s28, $0x3  }
0x104: {  	s29 =	simm.s32 $0x0;
	s28 =	sadd.s32 s4, s28  }
0x105: {  	[tilespmem:s17], [sflag:$0x5] =	stream.linear.gather [hbm4b:s28+s29], $0x4800, $0x38;
	[tilespmem:$0x16900] =	vst v63  }
0x106: {  	_ =	swait.ge [sflag:s18], $0x4800  }
0x107: {  	[sflag:s18] =	ssyncset.done $0x0  }
0x108: {  	[sflag:s18] =	ssyncadd.s32 $0xFFFFB800  }
0x109: {  	_ =	swait.ge [sflag:s21], $0x4800  }
0x10a: {  	[sflag:s21] =	ssyncset.done $0x0  }
0x10b: {  	s28 =	simm.s32 $0x0;
	[sflag:s21] =	ssyncadd.s32 $0xFFFFB800  }
0x10c: {  	s28 =	smul.u32 $0xC00, s28;
	_ =	swait.ge [sflag:s22], $0x4800  }
0x10d: {  	s30 =	sand.u32 $0x380, s29;
	[sflag:s22] =	ssyncset.done $0x0  }
0x10e: {  	s28 =	sor.u32 s30, s28;
	[sflag:s22] =	ssyncadd.s32 $0xFFFFB800  }
0x10f: {  	v1 =	vld [tilespmem:s28+$0x12870]  }
0x110: {  	v2 =	vld [tilespmem:s28+$0x12860]  }
0x111: {  	v7 =	vld [tilespmem:s28+$0x5070]  }
0x112: {  	v8 =	vld [tilespmem:s28+$0xE070]  }
0x113: {  	v3 =	vld [tilespmem:s28+$0x12850]  }
0x114: {  	v9 =	vld [tilespmem:s28+$0x5060]  }
0x115: {  	v10 =	vld [tilespmem:s28+$0xE060]  }
0x116: {  	v4 =	vld [tilespmem:s28+$0x12840]  }
0x117: {  	v11 =	vld [tilespmem:s28+$0x5050]  }
0x118: {  	v12 =	vld [tilespmem:s28+$0xE050]  }
0x119: {  	v5 =	vld [tilespmem:s28+$0x12830]  }
0x11a: {  	v13 =	vld [tilespmem:s28+$0x5040]  }
0x11b: {  	v14 =	vld [tilespmem:s28+$0xE040]  }
0x11c: {  	v6 =	vld [tilespmem:s28+$0x12820]  }
0x11d: {  	v16 =	vld [tilespmem:s28+$0x5030]  }
0x11e: {  	v17 =	vld [tilespmem:s28+$0xE030]  }
0x11f: {  	v19 =	vld [tilespmem:s28+$0x5020]  }
0x120: {  	v20 =	vld [tilespmem:s28+$0xE020]  }
0x121: {  	v21 =	vld [tilespmem:s28+$0x5010]  }
0x122: {  	v22 =	vld [tilespmem:s28+$0xE010]  }
0x123: {  	v23 =	vld [tilespmem:s28+$0x5000]  }
0x124: {  	v24 =	vld [tilespmem:s28+$0xE000]  }
0x125: {  	v26 =	vld [tilespmem:s28+$0x4C70]  }
0x126: {  	v27 =	vld [tilespmem:s28+$0xDC70]  }
0x127: {  	v28 =	vld [tilespmem:s28+$0x4C60]  }
0x128: {  	v29 =	vld [tilespmem:s28+$0xDC60]  }
0x129: {  	v30 =	vld [tilespmem:s28+$0x4C50]  }
0x12a: {  	v31 =	vld [tilespmem:s28+$0xDC50]  }
0x12b: {  	v32 =	vld [tilespmem:s28+$0x4C40]  }
0x12c: {  	v33 =	vld [tilespmem:s28+$0xDC40]  }
0x12d: {  	v36 =	vld [tilespmem:s28+$0x4C30]  }
0x12e: {  	v63 =	vld [tilespmem:s28+$0xDC30]  }
0x12f: {  	v39 =	vld [tilespmem:s28+$0x4C20]  }
0x130: {  	v40 =	vld [tilespmem:s28+$0xDC20]  }
0x131: {  	v41 =	vld [tilespmem:s28+$0x4C10]  }
0x132: {  	v42 =	vld [tilespmem:s28+$0xDC10]  }
0x133: {  	v43 =	vld [tilespmem:s28+$0x4C00]  }
0x134: {  	v44 =	vld [tilespmem:s28+$0xDC00]  }
0x135: {  	v45 =	vld [tilespmem:s28+$0x4870]  }
0x136: {  	v46 =	vld [tilespmem:s28+$0xD870]  }
0x137: {  	v47 =	vld [tilespmem:s28+$0x4860]  }
0x138: {  	v57 =	vld [tilespmem:s28+$0xD860]  }
0x139: {  	v58 =	vld [tilespmem:s28+$0x4850]  }
0x13a: {  	v59 =	vld [tilespmem:s28+$0xD850]  }
0x13b: {  	v60 =	vld [tilespmem:s28+$0x4840]  }
0x13c: {  	v61 =	vld [tilespmem:s28+$0xD840]  }
0x13d: {  	v62 =	vld [tilespmem:s28+$0x4830]  }
0x13e: {  	v55 =	vld [tilespmem:s28+$0x4820];
	v54 =	vsub.f32 v7, v8  }
0x13f: {  	v15 =	vsub.f32 v11, v12;
	v11 =	vld [tilespmem:s28+$0xD830];
	v12 =	vsub.f32 v9, v10  }
0x140: {  	v16 =	vsub.f32 v16, v17;
	v18 =	vsub.f32 v13, v14;
	v13 =	vld [tilespmem:s28+$0xD820]  }
0x141: {  	v21 =	vsub.f32 v21, v22;
	v25 =	vsub.f32 v19, v20;
	v20 =	vld [tilespmem:s28+$0x4810]  }
0x142: {  	v14 =	vsub.f32 v26, v27;
	v34 =	vsub.f32 v23, v24;
	v22 =	vld [tilespmem:s28+$0xD810]  }
0x143: {  	v35 =	vsub.f32 v30, v31;
	v38 =	vsub.f32 v28, v29;
	v30 =	vld [tilespmem:s28+$0x4800]  }
0x144: {  	v27 =	vsub.f32 v36, v63;
	v31 =	vsub.f32 v32, v33;
	v63 =	vld [tilespmem:s28+$0xD800]  }
0x145: {  	v32 =	vsub.f32 v41, v42;
	v7 =	vld [tilespmem:s28+$0x12810];
	v39 =	vsub.f32 v39, v40  }
0x146: {  	v17 =	vsub.f32 v45, v46;
	v33 =	vsub.f32 v43, v44;
	v8 =	vld [tilespmem:s28+$0x12800]  }
0x147: {  	v24 =	vsub.f32 v58, v59;
	v19 =	vsub.f32 v47, v57;
	v9 =	vld [tilespmem:s28+$0x12470]  }
0x148: {  	v29 =	vsub.f32 v60, v61;
	v10 =	vld [tilespmem:s28+$0x12460];
	v40 =	vand.u32 $0x7FFFFFFF, v12;
	v12 =	vand.u32 $0x7FFFFFFF, v54  }
0x149: {  	v23 =	vsub.f32 v62, v11;
	v26 =	vsub.f32 v20, v22;
	v20 =	vimm.f32 $0.0e+00;
	v11 =	vld [tilespmem:s28+$0x12450]  }
0x14a: {  	s30 =	simm.s32 $0x1;
	v28 =	vsub.f32 v55, v13;
	v30 =	vsub.f32 v30, v63;
	v13 =	vld [tilespmem:s28+$0x12440];
	v22 =	vimm.f32 $0.0e+00  }
.LBB2_5:
0x14b: {  	p1 =	sne.s32 s30, $0x2F;
	v37 =	vld [tilespmem:s28+$0x12430];
	v41 =	vand.u32 $0x7FFFFFFF, v16;
	v16 =	vand.u32 $0x7FFFFFFF, v18;
	v15 =	vand.u32 $0x7FFFFFFF, v15  }
0x14c: {  	v42 =	vand.u32 $0x7FFFFFFF, v34;
	v43 =	vand.u32 $0x7FFFFFFF, v21;
	v18 =	vand.u32 $0x7FFFFFFF, v25;
	v36 =	vld [tilespmem:s28+$0x12420]  }
0x14d: {  	v44 =	vand.u32 $0x7FFFFFFF, v35;
	v25 =	vand.u32 $0x7FFFFFFF, v38;
	v35 =	vand.u32 $0x7FFFFFFF, v14;
	v34 =	vld [tilespmem:s28+$0x12410]  }
0x14e: {  	v38 =	vand.u32 $0x7FFFFFFF, v39;
	v39 =	vand.u32 $0x7FFFFFFF, v27;
	v31 =	vand.u32 $0x7FFFFFFF, v31;
	v45 =	vld [tilespmem:s28+$0x12400]  }
0x14f: {  	v32 =	vand.u32 $0x7FFFFFFF, v32;
	v14 =	vmul.f32 v40, v2;
	v12 =	vmul.f32 v12, v1;
	v46 =	vld [tilespmem:s28+$0x12070]  }
0x150: {  	v48 =	vand.u32 $0x7FFFFFFF, v33;
	v16 =	vmul.f32 v16, v4;
	v15 =	vmul.f32 v15, v3;
	v47 =	vld [tilespmem:s28+$0x12060]  }
0x151: {  	v50 =	vand.u32 $0x7FFFFFFF, v17;
	v18 =	vmul.f32 v18, v6;
	v17 =	vmul.f32 v41, v5;
	v49 =	vld [tilespmem:s28+$0x12000]  }
0x152: {  	v51 =	vand.u32 $0x7FFFFFFF, v19;
	v21 =	vmul.f32 v42, v8;
	v19 =	vmul.f32 v43, v7;
	v41 =	vld [tilespmem:s28+$0x12050]  }
0x153: {  	v24 =	vand.u32 $0x7FFFFFFF, v24;
	v27 =	vmul.f32 v25, v10;
	v25 =	vmul.f32 v35, v9;
	v52 =	vld [tilespmem:s28+$0x12010]  }
0x154: {  	v29 =	vand.u32 $0x7FFFFFFF, v29;
	v33 =	vmul.f32 v44, v11;
	v35 =	vmul.f32 v31, v13;
	v53 =	vld [tilespmem:s28+$0x12020]  }
0x155: {  	v30 =	vand.u32 $0x7FFFFFFF, v30;
	v40 =	vmul.f32 v39, v37;
	v42 =	vmul.f32 v38, v36;
	v31 =	vld [tilespmem:s28+$0x12030]  }
0x156: {  	v28 =	vand.u32 $0x7FFFFFFF, v28;
	v43 =	vmul.f32 v32, v34;
	v30 =	vmul.f32 v30, v49  }
0x157: {  	v26 =	vand.u32 $0x7FFFFFFF, v26;
	v48 =	vmul.f32 v48, v45;
	v39 =	vmul.f32 v50, v46;
	v32 =	vld [tilespmem:s28+$0x12040]  }
0x158: {  	s28 =	sshrl.u32 s30, $0x3;
	v38 =	vmin.f32 v30, v49;
	v44 =	vmul.f32 v26, v52;
	v49 =	vmul.f32 v51, v47  }
0x159: {  	v23 =	vand.u32 $0x7FFFFFFF, v23;
	s29 =	sadd.s32 $0x80, s29;
	s28 =	smul.u32 $0xC00, s28;
	v26 =	vmul.f32 $5.000000000e-01, v38;
	v28 =	vmul.f32 v28, v53  }
0x15a: {  	s31 =	sand.u32 $0x380, s29;
	v50 =	vmin.f32 v44, v52;
	v51 =	vmul.f32 v23, v31;
	v52 =	vmul.f32 v24, v41  }
0x15b: {  	s28 =	sor.u32 s31, s28;
	v23 =	vsub.f32 v30, v26;
	v24 =	vmul.f32 $5.000000000e-01, v50;
	v53 =	vmin.f32 v28, v53  }
0x15c: {  	v26 =	vld [tilespmem:s28+$0x12870];
	v54 =	vmul.f32 $5.000000000e-01, v53;
	v55 =	vmul.f32 v29, v32  }
0x15d: {  	v31 =	vmin.f32 v51, v31;
	v29 =	vld [tilespmem:s28+$0x12860];
	v38 =	vmul.f32 v23, v38;
	v56 =	vsub.f32 v44, v24  }
0x15e: {  	v57 =	vmul.f32 $5.000000000e-01, v31;
	v23 =	vld [tilespmem:s28+$0x5070];
	v54 =	vsub.f32 v28, v54;
	v32 =	vmin.f32 v55, v32  }
0x15f: {  	v22 =	vadd.f32 v30, v22;
	v24 =	vld [tilespmem:s28+$0xE070];
	v58 =	vadd.f32 v38, v20;
	v30 =	vmul.f32 v56, v50  }
0x160: {  	v41 =	vmin.f32 v52, v41;
	v50 =	vsub.f32 v51, v57;
	v56 =	vmul.f32 $5.000000000e-01, v32;
	v38 =	vld [tilespmem:s28+$0x12850]  }
0x161: {  	v57 =	vadd.f32 v44, v22;
	v53 =	vmul.f32 v54, v53;
	v20 =	vld [tilespmem:s28+$0x5060];
	v30 =	vadd.f32 v30, v58  }
0x162: {  	v47 =	vmin.f32 v49, v47;
	v54 =	vsub.f32 v55, v56;
	v56 =	vmul.f32 $5.000000000e-01, v41;
	v22 =	vld [tilespmem:s28+$0xE060]  }
0x163: {  	v50 =	vmul.f32 v50, v31;
	v44 =	vld [tilespmem:s28+$0x12840];
	v30 =	vadd.f32 v53, v30;
	v53 =	vadd.f32 v28, v57  }
0x164: {  	v46 =	vmin.f32 v39, v46;
	v56 =	vsub.f32 v52, v56;
	v57 =	vmul.f32 $5.000000000e-01, v47;
	v28 =	vld [tilespmem:s28+$0x5050]  }
0x165: {  	v32 =	vmul.f32 v54, v32;
	v31 =	vld [tilespmem:s28+$0xE050];
	v50 =	vadd.f32 v50, v30;
	v51 =	vadd.f32 v51, v53  }
0x166: {  	v45 =	vmin.f32 v48, v45;
	v54 =	vsub.f32 v49, v57;
	v57 =	vmul.f32 $5.000000000e-01, v46;
	v53 =	vld [tilespmem:s28+$0x12830]  }
0x167: {  	v41 =	vmul.f32 v56, v41;
	v30 =	vld [tilespmem:s28+$0x5040];
	v50 =	vadd.f32 v32, v50;
	v51 =	vadd.f32 v55, v51  }
0x168: {  	v56 =	vmul.f32 $5.000000000e-01, v45;
	v55 =	vsub.f32 v39, v57;
	v57 =	vmin.f32 v43, v34;
	v32 =	vld [tilespmem:s28+$0xE040]  }
0x169: {  	v47 =	vmul.f32 v54, v47;
	v58 =	vld [tilespmem:s28+$0x12820];
	v41 =	vadd.f32 v41, v50;
	v50 =	vadd.f32 v52, v51  }
0x16a: {  	v54 =	vmin.f32 v42, v36;
	v51 =	vsub.f32 v48, v56;
	v52 =	vmul.f32 $5.000000000e-01, v57;
	v34 =	vld [tilespmem:s28+$0x5030]  }
0x16b: {  	v46 =	vmul.f32 v55, v46;
	v36 =	vld [tilespmem:s28+$0xE030];
	v41 =	vadd.f32 v47, v41;
	v47 =	vadd.f32 v49, v50  }
0x16c: {  	v55 =	vmin.f32 v40, v37;
	v50 =	vsub.f32 v43, v52;
	v52 =	vmul.f32 $5.000000000e-01, v54;
	v49 =	vld [tilespmem:s28+$0x12810]  }
0x16d: {  	v45 =	vmul.f32 v51, v45;
	v37 =	vld [tilespmem:s28+$0x5020];
	v41 =	vadd.f32 v46, v41;
	v46 =	vadd.f32 v39, v47  }
0x16e: {  	v51 =	vmul.f32 $5.000000000e-01, v55;
	v47 =	vsub.f32 v42, v52;
	v52 =	vmin.f32 v35, v13;
	v39 =	vld [tilespmem:s28+$0xE020]  }
0x16f: {  	v13 =	vld [tilespmem:s28+$0x5010];
	v45 =	vadd.f32 v45, v41;
	v46 =	vadd.f32 v48, v46;
	v48 =	vmul.f32 v50, v57  }
0x170: {  	v56 =	vmin.f32 v33, v11;
	v50 =	vsub.f32 v40, v51;
	v51 =	vmul.f32 $5.000000000e-01, v52;
	v41 =	vld [tilespmem:s28+$0xE010]  }
0x171: {  	v47 =	vmul.f32 v47, v54;
	v11 =	vld [tilespmem:s28+$0x5000];
	v45 =	vadd.f32 v48, v45;
	v46 =	vadd.f32 v43, v46  }
0x172: {  	v54 =	vmin.f32 v27, v10;
	v48 =	vsub.f32 v35, v51;
	v51 =	vmul.f32 $5.000000000e-01, v56;
	v43 =	vld [tilespmem:s28+$0xE000]  }
0x173: {  	v10 =	vld [tilespmem:s28+$0x4C70];
	v45 =	vadd.f32 v47, v45;
	v46 =	vadd.f32 v42, v46;
	v47 =	vmul.f32 v50, v55  }
0x174: {  	v50 =	vsub.f32 v33, v51;
	v51 =	vmul.f32 $5.000000000e-01, v54;
	v55 =	vmin.f32 v25, v9;
	v42 =	vld [tilespmem:s28+$0xDC70]  }
0x175: {  	v9 =	vld [tilespmem:s28+$0x4C60];
	v45 =	vadd.f32 v47, v45;
	v46 =	vadd.f32 v40, v46;
	v47 =	vmul.f32 v48, v52  }
0x176: {  	v8 =	vmin.f32 v21, v8;
	v48 =	vsub.f32 v27, v51;
	v51 =	vmul.f32 $5.000000000e-01, v55;
	v40 =	vld [tilespmem:s28+$0xDC60]  }
0x177: {  	v52 =	vld [tilespmem:s28+$0x4C50];
	v45 =	vadd.f32 v47, v45;
	v35 =	vadd.f32 v35, v46;
	v46 =	vmul.f32 v50, v56  }
0x178: {  	v50 =	vsub.f32 v25, v51;
	v51 =	vmul.f32 $5.000000000e-01, v8;
	v56 =	vmin.f32 v19, v7;
	v7 =	vmovc v49;
	v47 =	vld [tilespmem:s28+$0xDC50]  }
0x179: {  	v49 =	vld [tilespmem:s28+$0x4C40];
	v45 =	vadd.f32 v46, v45;
	v33 =	vadd.f32 v33, v35;
	v35 =	vmul.f32 v48, v54  }
0x17a: {  	v48 =	vsub.f32 v21, v51;
	v51 =	vmul.f32 $5.000000000e-01, v56;
	v54 =	vmin.f32 v18, v6;
	v6 =	vmovc v58;
	v46 =	vld [tilespmem:s28+$0xDC40]  }
0x17b: {  	v57 =	vld [tilespmem:s28+$0x4C30];
	v35 =	vadd.f32 v35, v45;
	v27 =	vadd.f32 v27, v33;
	v33 =	vmul.f32 v50, v55  }
0x17c: {  	v50 =	vsub.f32 v19, v51;
	v51 =	vmul.f32 $5.000000000e-01, v54;
	v55 =	vmin.f32 v17, v5;
	v5 =	vmovc v53;
	v45 =	vld [tilespmem:s28+$0xDC30]  }
0x17d: {  	v8 =	vmul.f32 v48, v8;
	v53 =	vld [tilespmem:s28+$0x4C20];
	v33 =	vadd.f32 v33, v35;
	v25 =	vadd.f32 v25, v27  }
0x17e: {  	v27 =	vsub.f32 v18, v51;
	v35 =	vmul.f32 $5.000000000e-01, v55;
	v51 =	vmin.f32 v16, v4;
	v4 =	vmovc v44;
	v48 =	vld [tilespmem:s28+$0xDC20]  }
0x17f: {  	v44 =	vld [tilespmem:s28+$0x4C10];
	v8 =	vadd.f32 v8, v33;
	v21 =	vadd.f32 v21, v25;
	v25 =	vmul.f32 v50, v56  }
0x180: {  	v35 =	vsub.f32 v17, v35;
	v50 =	vmul.f32 $5.000000000e-01, v51;
	v56 =	vmin.f32 v15, v3;
	v3 =	vmovc v38;
	v33 =	vld [tilespmem:s28+$0xDC10]  }
0x181: {  	v58 =	vld [tilespmem:s28+$0x4C00];
	v8 =	vadd.f32 v25, v8;
	v19 =	vadd.f32 v19, v21;
	v21 =	vmul.f32 v27, v54  }
0x182: {  	v38 =	vmin.f32 v14, v2;
	v2 =	vmovc v29;
	v25 =	vsub.f32 v16, v50;
	v27 =	vmul.f32 $5.000000000e-01, v56;
	v54 =	vld [tilespmem:s28+$0xDC00]  }
0x183: {  	v29 =	vld [tilespmem:s28+$0x4870];
	v8 =	vadd.f32 v21, v8;
	v18 =	vadd.f32 v18, v19;
	v19 =	vmul.f32 v35, v55  }
0x184: {  	v21 =	vsub.f32 v15, v27;
	v27 =	vmul.f32 $5.000000000e-01, v38;
	v35 =	vmin.f32 v12, v1;
	v1 =	vmovc v26;
	v50 =	vld [tilespmem:s28+$0xD870]  }
0x185: {  	v26 =	vld [tilespmem:s28+$0x4860];
	v8 =	vadd.f32 v19, v8;
	v17 =	vadd.f32 v17, v18;
	v18 =	vmul.f32 v25, v51  }
0x186: {  	v25 =	vsub.f32 v14, v27;
	v27 =	vmul.f32 $5.000000000e-01, v35;
	v19 =	vld [tilespmem:s28+$0xD860]  }
0x187: {  	v51 =	vld [tilespmem:s28+$0x4850];
	v8 =	vadd.f32 v18, v8;
	v16 =	vadd.f32 v16, v17;
	v17 =	vmul.f32 v21, v56  }
0x188: {  	v56 =	vsub.f32 v23, v24;
	v18 =	vsub.f32 v12, v27;
	v55 =	vld [tilespmem:s28+$0xD850]  }
0x189: {  	v59 =	vld [tilespmem:s28+$0x4840];
	v8 =	vadd.f32 v17, v8;
	v16 =	vadd.f32 v15, v16;
	v17 =	vmul.f32 v25, v38  }
0x18a: {  	v61 =	vsub.f32 v20, v22;
	v15 =	vsub.f32 v28, v31;
	v60 =	vld [tilespmem:s28+$0xD840]  }
0x18b: {  	v23 =	vld [tilespmem:s28+$0x4830];
	v8 =	vadd.f32 v17, v8;
	v14 =	vadd.f32 v14, v16;
	v17 =	vmul.f32 v18, v35  }
0x18c: {  	v16 =	vsub.f32 v34, v36;
	v18 =	vsub.f32 v30, v32;
	v28 =	vld [tilespmem:s28+$0xD830]  }
0x18d: {  	v30 =	vld [tilespmem:s28+$0x4820];
	v20 =	vadd.f32 v17, v8;
	v22 =	vadd.f32 v12, v14  }
0x18e: {  	v21 =	vsub.f32 v13, v41;
	v25 =	vsub.f32 v37, v39;
	v12 =	vld [tilespmem:s28+$0xD820]  }
0x18f: {  	v34 =	vsub.f32 v11, v43;
	v14 =	vsub.f32 v10, v42;
	v13 =	vld [tilespmem:s28+$0x4810]  }
0x190: {  	v38 =	vsub.f32 v9, v40;
	v35 =	vsub.f32 v52, v47;
	v11 =	vld [tilespmem:s28+$0xD810]  }
0x191: {  	v27 =	vsub.f32 v57, v45;
	v31 =	vsub.f32 v49, v46;
	v36 =	vld [tilespmem:s28+$0x4800]  }
0x192: {  	v39 =	vsub.f32 v53, v48;
	v32 =	vsub.f32 v44, v33;
	v37 =	vld [tilespmem:s28+$0xD800]  }
.Ltmp3:
0x193: {  	v33 =	vsub.f32 v58, v54;
	v17 =	vsub.f32 v29, v50;
	v8 =	vld [tilespmem:s28+$0x12800];
	(pc) =	sbr.rel @p1 .LBB2_5-.Ltmp3, $4  }
0x194: {  	v19 =	vsub.f32 v26, v19;
	v24 =	vsub.f32 v51, v55;
	v9 =	vld [tilespmem:s28+$0x12470]  }
0x195: {  	v29 =	vsub.f32 v59, v60;
	v23 =	vsub.f32 v23, v28;
	v10 =	vld [tilespmem:s28+$0x12460]  }
0x196: {  	v28 =	vsub.f32 v30, v12;
	v26 =	vsub.f32 v13, v11;
	v11 =	vld [tilespmem:s28+$0x12450]  }
0x197: {  	s30 =	sadd.s32 $0x1, s30;
	v40 =	vand.u32 $0x7FFFFFFF, v61;
	v12 =	vand.u32 $0x7FFFFFFF, v56;
	v30 =	vsub.f32 v36, v37;
	v13 =	vld [tilespmem:s28+$0x12440]  }
0x198: {  	v37 =	vand.u32 $0x7FFFFFFF, v16;
	v51 =	vand.u32 $0x7FFFFFFF, v18;
	v15 =	vand.u32 $0x7FFFFFFF, v15  }
0x199: {  	v36 =	vld [tilespmem:s28+$0x12430];
	v34 =	vand.u32 $0x7FFFFFFF, v34;
	v42 =	vand.u32 $0x7FFFFFFF, v21;
	v52 =	vand.u32 $0x7FFFFFFF, v25  }
0x19a: {  	v41 =	vld [tilespmem:s28+$0x12420];
	v35 =	vand.u32 $0x7FFFFFFF, v35;
	v53 =	vand.u32 $0x7FFFFFFF, v38;
	v54 =	vand.u32 $0x7FFFFFFF, v14  }
0x19b: {  	v43 =	vld [tilespmem:s28+$0x12410];
	v39 =	vand.u32 $0x7FFFFFFF, v39;
	v27 =	vand.u32 $0x7FFFFFFF, v27;
	v31 =	vand.u32 $0x7FFFFFFF, v31  }
0x19c: {  	v44 =	vld [tilespmem:s28+$0x12400];
	v32 =	vand.u32 $0x7FFFFFFF, v32;
	v14 =	vmul.f32 v40, v2;
	v33 =	vand.u32 $0x7FFFFFFF, v33  }
0x19d: {  	v55 =	vld [tilespmem:s28+$0x12000];
	v47 =	vand.u32 $0x7FFFFFFF, v17;
	v16 =	vmul.f32 v51, v4;
	v15 =	vmul.f32 v15, v3  }
0x19e: {  	v45 =	vld [tilespmem:s28+$0x12070];
	v56 =	vand.u32 $0x7FFFFFFF, v19;
	v18 =	vmul.f32 v52, v6;
	v17 =	vmul.f32 v37, v5  }
0x19f: {  	v57 =	vld [tilespmem:s28+$0x12010];
	v29 =	vand.u32 $0x7FFFFFFF, v29;
	v21 =	vmul.f32 v34, v8;
	v19 =	vmul.f32 v42, v7  }
0x1a0: {  	v58 =	vld [tilespmem:s28+$0x12020];
	v28 =	vand.u32 $0x7FFFFFFF, v28;
	v25 =	vmul.f32 v54, v9;
	v42 =	vmul.f32 v53, v10  }
0x1a1: {  	v48 =	vld [tilespmem:s28+$0x12030];
	v30 =	vand.u32 $0x7FFFFFFF, v30;
	v35 =	vmul.f32 v35, v11;
	v31 =	vmul.f32 v31, v13  }
0x1a2: {  	v46 =	vld [tilespmem:s28+$0x12060];
	v26 =	vand.u32 $0x7FFFFFFF, v26;
	v39 =	vmul.f32 v39, v41;
	v30 =	vmul.f32 v30, v55  }
0x1a3: {  	v49 =	vld [tilespmem:s28+$0x12040];
	v23 =	vand.u32 $0x7FFFFFFF, v23;
	v27 =	vmul.f32 v27, v36;
	v32 =	vmul.f32 v32, v43  }
0x1a4: {  	v47 =	vmul.f32 v47, v45;
	v26 =	vmul.f32 v26, v57;
	v40 =	vmin.f32 v30, v55  }
0x1a5: {  	v50 =	vld [tilespmem:s28+$0x12050];
	v24 =	vand.u32 $0x7FFFFFFF, v24;
	v33 =	vmul.f32 v33, v44;
	v51 =	vmul.f32 $5.000000000e-01, v40  }
0x1a6: {  	v28 =	vmul.f32 v28, v58;
	v23 =	vmul.f32 v23, v48;
	v37 =	vmin.f32 v26, v57  }
0x1a7: {  	v34 =	vmul.f32 v56, v46;
	v52 =	vmul.f32 $5.000000000e-01, v37;
	v51 =	vsub.f32 v30, v51  }
0x1a8: {  	v29 =	vmul.f32 v29, v49;
	v38 =	vmin.f32 v28, v58;
	v48 =	vmin.f32 v23, v48  }
0x1a9: {  	v53 =	vmul.f32 $5.000000000e-01, v38;
	v59 =	vsub.f32 v26, v52;
	v40 =	vmul.f32 v51, v40  }
0x1aa: {  	v24 =	vmul.f32 v24, v50;
	v49 =	vmin.f32 v29, v49;
	v61 =	vmul.f32 $5.000000000e-01, v48  }
0x1ab: {  	v60 =	vsub.f32 v28, v53;
	v37 =	vmul.f32 v59, v37;
	v20 =	vadd.f32 v40, v20  }
0x1ac: {  	v22 =	vadd.f32 v30, v22;
	v50 =	vmin.f32 v24, v50;
	v63 =	vmul.f32 $5.000000000e-01, v49  }
0x1ad: {  	v62 =	vsub.f32 v23, v61;
	v52 =	vmul.f32 v60, v38;
	v20 =	vadd.f32 v37, v20  }
0x1ae: {  	v55 =	vmin.f32 v34, v46;
	v54 =	vmul.f32 $5.000000000e-01, v50;
	v22 =	vadd.f32 v26, v22  }
0x1af: {  	v53 =	vsub.f32 v29, v63;
	v30 =	vmul.f32 v62, v48;
	v20 =	vadd.f32 v52, v20  }
0x1b0: {  	v58 =	vmin.f32 v47, v45;
	v57 =	vmul.f32 $5.000000000e-01, v55;
	v22 =	vadd.f32 v28, v22  }
0x1b1: {  	v56 =	vsub.f32 v24, v54;
	v26 =	vmul.f32 v53, v49;
	v20 =	vadd.f32 v30, v20  }
0x1b2: {  	v61 =	vmin.f32 v33, v44;
	v59 =	vsub.f32 v34, v57;
	v22 =	vadd.f32 v23, v22  }
0x1b3: {  	v60 =	vmul.f32 $5.000000000e-01, v58;
	v62 =	vmul.f32 v56, v50;
	v20 =	vadd.f32 v26, v20  }
0x1b4: {  	v45 =	vmin.f32 v32, v43;
	v44 =	vmul.f32 $5.000000000e-01, v61;
	v22 =	vadd.f32 v29, v22  }
0x1b5: {  	v63 =	vsub.f32 v47, v60;
	v23 =	vmul.f32 v59, v55;
	v20 =	vadd.f32 v62, v20  }
0x1b6: {  	v48 =	vmul.f32 $5.000000000e-01, v45;
	v49 =	vmin.f32 v39, v41;
	v22 =	vadd.f32 v24, v22  }
0x1b7: {  	v46 =	vsub.f32 v33, v44;
	v50 =	vmul.f32 v63, v58;
	v20 =	vadd.f32 v23, v20  }
0x1b8: {  	v13 =	vmin.f32 v31, v13;
	v51 =	vmul.f32 $5.000000000e-01, v49;
	v22 =	vadd.f32 v34, v22  }
0x1b9: {  	v53 =	vmul.f32 v46, v61;
	v26 =	vsub.f32 v32, v48;
	v20 =	vadd.f32 v50, v20  }
0x1ba: {  	v54 =	vsub.f32 v39, v51;
	v52 =	vmin.f32 v27, v36;
	v22 =	vadd.f32 v47, v22  }
0x1bb: {  	v55 =	vmul.f32 $5.000000000e-01, v52;
	v56 =	vmul.f32 v26, v45;
	v20 =	vadd.f32 v53, v20  }
0x1bc: {  	v11 =	vmin.f32 v35, v11;
	v58 =	vmul.f32 $5.000000000e-01, v13;
	v22 =	vadd.f32 v33, v22  }
0x1bd: {  	v59 =	vmul.f32 v54, v49;
	v57 =	vsub.f32 v27, v55;
	v20 =	vadd.f32 v56, v20  }
0x1be: {  	v9 =	vmin.f32 v25, v9;
	v61 =	vmul.f32 $5.000000000e-01, v11;
	v22 =	vadd.f32 v32, v22  }
0x1bf: {  	v60 =	vsub.f32 v31, v58;
	v62 =	vmul.f32 v57, v52;
	v20 =	vadd.f32 v59, v20  }
0x1c0: {  	v10 =	vmin.f32 v42, v10;
	v63 =	vsub.f32 v35, v61;
	v22 =	vadd.f32 v39, v22  }
0x1c1: {  	v13 =	vmul.f32 v60, v13;
	v32 =	vmul.f32 $5.000000000e-01, v10;
	v20 =	vadd.f32 v62, v20  }
0x1c2: {  	v8 =	vmin.f32 v21, v8;
	v34 =	vmul.f32 $5.000000000e-01, v9;
	v22 =	vadd.f32 v27, v22  }
0x1c3: {  	v11 =	vmul.f32 v63, v11;
	v33 =	vsub.f32 v42, v32;
	v13 =	vadd.f32 v13, v20  }
0x1c4: {  	v7 =	vmin.f32 v19, v7;
	v38 =	vmul.f32 $5.000000000e-01, v8;
	v36 =	vadd.f32 v31, v22  }
0x1c5: {  	v37 =	vsub.f32 v25, v34;
	v10 =	vmul.f32 v33, v10;
	v11 =	vadd.f32 v11, v13  }
0x1c6: {  	v6 =	vmin.f32 v18, v6;
	v41 =	vmul.f32 $5.000000000e-01, v7;
	v39 =	vadd.f32 v35, v36  }
0x1c7: {  	v40 =	vsub.f32 v21, v38;
	v9 =	vmul.f32 v37, v9;
	v10 =	vadd.f32 v10, v11  }
0x1c8: {  	v5 =	vmin.f32 v17, v5;
	v44 =	vsub.f32 v19, v41;
	v43 =	vadd.f32 v42, v39  }
0x1c9: {  	v8 =	vmul.f32 v40, v8;
	v45 =	vmul.f32 $5.000000000e-01, v6;
	v9 =	vadd.f32 v9, v10  }
0x1ca: {  	v4 =	vmin.f32 v16, v4;
	v7 =	vmul.f32 v44, v7;
	v46 =	vadd.f32 v25, v43  }
0x1cb: {  	v48 =	vmul.f32 $5.000000000e-01, v5;
	v47 =	vsub.f32 v18, v45;
	v8 =	vadd.f32 v8, v9  }
0x1cc: {  	v3 =	vmin.f32 v15, v3;
	v51 =	vmul.f32 $5.000000000e-01, v4;
	v49 =	vadd.f32 v21, v46  }
0x1cd: {  	v50 =	vsub.f32 v17, v48;
	v6 =	vmul.f32 v47, v6;
	v7 =	vadd.f32 v7, v8  }
0x1ce: {  	v2 =	vmin.f32 v14, v2;
	v54 =	vmul.f32 $5.000000000e-01, v3;
	v52 =	vadd.f32 v19, v49  }
0x1cf: {  	v53 =	vsub.f32 v16, v51;
	v5 =	vmul.f32 v50, v5;
	v6 =	vadd.f32 v6, v7  }
0x1d0: {  	v55 =	vmul.f32 v12, v1;
	v56 =	vmul.f32 $5.000000000e-01, v2;
	v8 =	vadd.f32 v18, v52  }
0x1d1: {  	v4 =	vmul.f32 v53, v4;
	v11 =	vsub.f32 v15, v54;
	v5 =	vadd.f32 v5, v6  }
0x1d2: {  	v1 =	vmin.f32 v55, v1;
	v58 =	vsub.f32 v14, v56;
	v57 =	vadd.f32 v17, v8  }
0x1d3: {  	v59 =	vmul.f32 $5.000000000e-01, v1;
	v3 =	vmul.f32 v11, v3;
	v4 =	vadd.f32 v4, v5  }
0x1d4: {  	v60 =	vadd.f32 v16, v57  }
0x1d5: {  	v61 =	vsub.f32 v55, v59;
	v2 =	vmul.f32 v58, v2;
	v3 =	vadd.f32 v3, v4  }
0x1d6: {  	v63 =	vld [tilespmem:$0x16800];
	v62 =	vadd.f32 v15, v60  }
0x1d7: {  	v1 =	vmul.f32 v61, v1;
	v2 =	vadd.f32 v2, v3;
	v3 =	vld [tilespmem:$0x16880]  }
0x1d8: {  	v4 =	vadd.f32 v14, v62  }
0x1d9: {  	v1 =	vadd.f32 v1, v2  }
.Ltmp4:
0x1da: {  	v2 =	vadd.f32 v55, v4;
	(pc) =	sbr.rel @p0 .LBB2_8-.Ltmp4, $4  }
0x1db: {  	v1 =	vadd.f32 v63, v1  }
0x1dc: {  	v2 =	vadd.f32 v3, v2  }
0x1dd: {  	[tilespmem:$0x16800] =	vst v1  }
0x1de: {  	[tilespmem:$0x16880] =	vst v2  }
0x1df: {  	s26 =	sadd.s32 s6, s26  }
0x1e0: {  	s26 =	sadd.s32 $0xD800, s26  }
.Ltmp5:
0x1e1: {  	s26 =	sshrl.u32 s26, $0x3;
	(pc) =	sbr.rel .LBB2_2-.Ltmp5, $4  }
0x1e2: {  	s28 =	sadd.s32 s1, s26  }
0x1e3: {  	[tilespmem:s15], [sflag:$0x2] =	stream.linear.gather [hbm4b:s28+s5], $0x4800, $0x38;
	[tilespmem:$0x16900] =	vst v63  }
0x1e4: {  	s25 =	sadd.s32 $0x1, s25;
	s26 =	sadd.s32 s3, s26  }
0x1e5: {  	[tilespmem:s16], [sflag:$0x4] =	stream.linear.gather [hbm4b:s26+s5], $0x4800, $0x38;
	[tilespmem:$0x16900] =	vst v63  }
.LBB2_9:
0x1e6: {  	_ =	sfence.sel $0x180000  }
0x1e7: {  	[bflag:$0x0] =	sbarrier.arrive $0xFFFF  }
0x1e8: {  	p0 =	sne.s32 s0, $0x0;
	_ =	strace $0x90000047  }
0x1e9: {  	s0 =	sadd.s32 @!p0 $0x100000, s2;
	[bflag:$0x2] =	sbarrier.arrive $0xFFFF  }
0x1ea: {  	[sflag:s0] =	ssyncadd.tile.s32 @!p0 $0x1;
	_ =	shalt  }
.Lfunc_end2:
_tile_overlayer_lowered:
.L_overlay_start_2:
0x1eb: {  	(tag) =	ssettag $0x2  }
0x1ec: {  	s0 =	rddreg [dreg:$0x0];
	s2 =	stileid.u32  }
0x1ed: {  	s1 =	rddreg [dreg:$0x1];
	p0 =	sne.s32 s2, $0x0  }
0x1ee: {  	s3 =	rddreg [dreg:$0x2];
	[bflag:$0x3] =	sbarrier.arrive $0xFFFF;
	s2 =	simm.s32 @!p0 $0x1C05  }
0x1ef: {  	[timem:s3], [sflag:s2] =	dma.local @!p0 [hbm:s0], s1  }
0x1f0: {  	s0 =	simm.s32 @!p0 $0x5  }
0x1f1: {  	_ =	swait.ge @!p0 [sflag:s0], s1  }
0x1f2: {  	s1 =	ssub.s32 @!p0 $0x0, s1;
	[sflag:s0] =	ssyncset.done @!p0 $0x0  }
0x1f3: {  	[sflag:s0] =	ssyncadd.s32 @!p0 s1  }
0x1f4: {  	[bflag:$0x3] =	sbarrier.arrive $0xFFFF  }
0x1f5: {  	_ =	shalt  }

</sc_bundles>
